<compile_context>
chip_gen: v7x
topology: tpu7x:2x2x1
jax: 0.10.2.dev20260603
libtpu: 0.0.44.dev20260713+nightly
codegen_flags: <defaults>
</compile_context>

<pallas_src>
import functools

import jax
import jax.numpy as jnp
from jax import lax
from jax.experimental import pallas as pl
from jax.experimental.pallas import tpu as pltpu
from jax.experimental.pallas import tpu_sc as plsc

N = 10000
D = 128
NC = 2
NS = 16
CK = 128
NPAD = 10240
RPT = NPAD // NS

_MESH = plsc.VectorSubcoreMesh(core_axis_name="c", subcore_axis_name="s")
_SPLIT0 = 0.62


def _agg_body(n0, n1, x_hbm, idxb, zD, agg_out,
              ib, rows, agg_sh, sem_i, sem_g, sem_s):
    c = lax.axis_index("c")
    s = lax.axis_index("s")
    nchunk = jnp.where(c == 0, n0, n1)
    pltpu.sync_copy(zD.at[pl.ds(s * RPT, RPT)], agg_sh.at[pl.ds(s * RPT, RPT)])
    plsc.subcore_barrier()

    pltpu.async_copy(idxb.at[c, s, 0], ib.at[0], sem_i.at[0]).wait()
    pltpu.async_copy(x_hbm.at[ib.at[0, 0]], rows.at[0], sem_g.at[0])

    def step(j, carry):
        b = lax.rem(j, 2)
        nb = lax.rem(j + 1, 2)

        @pl.when(j >= 1)
        def _():
            pltpu.make_async_copy(
                rows.at[nb], agg_sh.at[ib.at[nb, 1]], sem_s.at[nb]).wait()

        @pl.when(j + 1 < nchunk)
        def _():
            pltpu.async_copy(idxb.at[c, s, j + 1], ib.at[nb], sem_i.at[nb])

        pltpu.make_async_copy(
            x_hbm.at[ib.at[b, 0]], rows.at[b], sem_g.at[b]).wait()
        pltpu.async_copy(rows.at[b], agg_sh.at[ib.at[b, 1]], sem_s.at[b],
                         add=True)

        @pl.when(j + 1 < nchunk)
        def _():
            pltpu.make_async_copy(
                idxb.at[c, s, 0], ib.at[nb], sem_i.at[nb]).wait()
            pltpu.async_copy(x_hbm.at[ib.at[nb, 0]], rows.at[nb],
                             sem_g.at[nb])

        return carry

    lax.fori_loop(0, nchunk, step, 0)
    lb = lax.rem(nchunk - 1, 2)
    pltpu.make_async_copy(rows.at[lb], agg_sh.at[ib.at[lb, 1]],
                          sem_s.at[lb]).wait()
    plsc.subcore_barrier()
    pltpu.sync_copy(agg_sh.at[pl.ds(s * RPT, RPT)],
                    agg_out.at[c, pl.ds(s * RPT, RPT)])


@functools.lru_cache(maxsize=None)
def _make_agg(n0, n1):
    return pl.kernel(
        functools.partial(_agg_body, n0, n1),
        out_type=[jax.ShapeDtypeStruct((NC, NPAD, D), jnp.float32)],
        mesh=_MESH,
        scratch_types=[
            pltpu.VMEM((2, 2, CK), jnp.int32),
            pltpu.VMEM((2, CK, D), jnp.float32),
            pltpu.VMEM_SHARED((NPAD, D), jnp.float32),
            pltpu.SemaphoreType.DMA((2,)),
            pltpu.SemaphoreType.DMA((2,)),
            pltpu.SemaphoreType.DMA((2,)),
        ],
        name="sage_sc_agg",
    )


def _deg_body(nchunk, dstb, zD, o128, degw_out, didx, ones_v, degw_sh,
              sem_s):
    c = lax.axis_index("c")
    s = lax.axis_index("s")
    pltpu.sync_copy(zD.at[pl.ds(s * RPT, RPT)],
                    degw_sh.at[pl.ds(s * RPT, RPT)])
    pltpu.sync_copy(o128, ones_v)
    pltpu.sync_copy(dstb.at[c, s], didx)
    plsc.subcore_barrier()

    def step(j, carry):
        b = lax.rem(j, 2)

        @pl.when(j >= 2)
        def _():
            pltpu.make_async_copy(
                ones_v, degw_sh.at[didx.at[j - 2]], sem_s.at[b]).wait()

        pltpu.async_copy(ones_v, degw_sh.at[didx.at[j]], sem_s.at[b],
                         add=True)
        return carry

    lax.fori_loop(0, nchunk, step, 0)
    pltpu.make_async_copy(ones_v, degw_sh.at[didx.at[nchunk - 2]],
                          sem_s.at[nchunk % 2]).wait()
    pltpu.make_async_copy(ones_v, degw_sh.at[didx.at[nchunk - 1]],
                          sem_s.at[(nchunk - 1) % 2]).wait()
    plsc.subcore_barrier()
    pltpu.sync_copy(degw_sh.at[pl.ds(s * RPT, RPT)],
                    degw_out.at[c, pl.ds(s * RPT, RPT)])


@functools.lru_cache(maxsize=None)
def _make_deg(nchunk):
    return pl.kernel(
        functools.partial(_deg_body, nchunk),
        out_type=[jax.ShapeDtypeStruct((NC, NPAD, D), jnp.float32)],
        mesh=_MESH,
        scratch_types=[
            pltpu.VMEM((nchunk, CK), jnp.int32),
            pltpu.VMEM((CK, D), jnp.float32),
            pltpu.VMEM_SHARED((NPAD, D), jnp.float32),
            pltpu.SemaphoreType.DMA((2,)),
        ],
        name="sage_sc_deg",
    )


def _dense_body(x_ref, p0_ref, p1_ref, d0_ref, d1_ref, ws_ref, wn_ref,
                b_ref, o_ref):
    deg = jnp.clip(d0_ref[...] + d1_ref[...], 1.0, None)
    hn = (p0_ref[...] + p1_ref[...]) / deg
    x = x_ref[...]
    acc = jnp.dot(x, ws_ref[...], preferred_element_type=jnp.float32)
    acc = acc + jnp.dot(hn, wn_ref[...], preferred_element_type=jnp.float32)
    o_ref[...] = jnp.maximum(acc + b_ref[...], 0.0) + x


def _dense(x, p0, p1, d0, d1, Ws, Wn, b):
    BN = 1024
    return pl.pallas_call(
        _dense_body,
        grid=(NPAD // BN,),
        in_specs=[
            pl.BlockSpec((BN, D), lambda i: (i, 0)),
            pl.BlockSpec((BN, D), lambda i: (i, 0)),
            pl.BlockSpec((BN, D), lambda i: (i, 0)),
            pl.BlockSpec((BN, 1), lambda i: (i, 0)),
            pl.BlockSpec((BN, 1), lambda i: (i, 0)),
            pl.BlockSpec((D, D), lambda i: (0, 0)),
            pl.BlockSpec((D, D), lambda i: (0, 0)),
            pl.BlockSpec((1, D), lambda i: (0, 0)),
        ],
        out_specs=pl.BlockSpec((BN, D), lambda i: (i, 0)),
        out_shape=jax.ShapeDtypeStruct((NPAD, D), jnp.float32),
        name="sage_tc_dense",
    )(x, p0, p1, d0, d1, Ws, Wn, b.reshape(1, D))


def kernel(g, feat, etype, W1s, W1n, b1, W2s, W2n, b2, W3s, W3n, b3):
    src = g[0].astype(jnp.int32)
    dst = g[1].astype(jnp.int32)
    e = src.shape[0]
    grain = NC * NS * CK
    epad = grain * -(-e // grain)
    nchunk = epad // grain
    dstb = jnp.concatenate(
        [dst, jnp.full((epad - e,), N, jnp.int32)]).reshape(NC, NS, nchunk, CK)

    T = -(-e // (NS * CK))
    n0 = max(1, min(T - 1, round(T * _SPLIT0)))
    n1 = T - n0
    nmax = max(n0, n1)
    epadT = NS * T * CK
    srcp = jnp.concatenate([src, jnp.zeros((epadT - e,), jnp.int32)])
    dstp = jnp.concatenate([dst, jnp.full((epadT - e,), N, jnp.int32)])
    idx_all = jnp.stack(
        [srcp.reshape(NS, T, CK), dstp.reshape(NS, T, CK)], axis=2)
    pad0 = jnp.zeros((NS, nmax - n0, 2, CK), jnp.int32).at[:, :, 1].set(N)
    pad1 = jnp.zeros((NS, nmax - n1, 2, CK), jnp.int32).at[:, :, 1].set(N)
    idxb = jnp.stack(
        [jnp.concatenate([idx_all[:, :n0], pad0], axis=1),
         jnp.concatenate([idx_all[:, n0:], pad1], axis=1)], axis=0)
    x0 = jnp.pad(feat, ((0, NPAD - N), (0, 0)))
    zD = jnp.zeros((NPAD, D), jnp.float32)

    agg = _make_agg(n0, n1)

    (degw,) = _make_deg(nchunk)(dstb, zD, jnp.ones((CK, D), jnp.float32))
    d0, d1 = degw[0][:, 0:1], degw[1][:, 0:1]
    (p,) = agg(x0, idxb, zD)
    h1 = _dense(x0, p[0], p[1], d0, d1, W1s, W1n, b1)
    (p,) = agg(h1, idxb, zD)
    h2 = _dense(h1, p[0], p[1], d0, d1, W2s, W2n, b2)
    (p,) = agg(h2, idxb, zD)
    h3 = _dense(h2, p[0], p[1], d0, d1, W3s, W3n, b3)
    return h3[:N]

# --- scband reference (transcript-rebuilt; emitter-appended) ---
"""Pipeline reference for scband-graph-sage-83038897701149 (READ-ONLY COPY).

The authoritative reference and input builder live on the scoring server;
editing this copy changes nothing except your own understanding.
"""

import jax, jax.numpy as jnp
import numpy as np

N = 10000
E = 320000
D = 128


def setup_inputs(seed: int = 0) -> dict:
    key = jax.random.key(seed)
    ks = jax.random.split(key, 12)
    feat = jax.random.normal(ks[0], (N, D), dtype=jnp.float32)
    g = jax.random.randint(ks[1], (2, E), 0, N)
    etype = jnp.zeros((E,), dtype=jnp.int32)
    s = 1.0 / np.sqrt(D)
    W1s = jax.random.normal(ks[2], (D, D), dtype=jnp.float32) * s
    W1n = jax.random.normal(ks[3], (D, D), dtype=jnp.float32) * s
    b1 = jnp.zeros((D,), dtype=jnp.float32)
    W2s = jax.random.normal(ks[4], (D, D), dtype=jnp.float32) * s
    W2n = jax.random.normal(ks[5], (D, D), dtype=jnp.float32) * s
    b2 = jnp.zeros((D,), dtype=jnp.float32)
    W3s = jax.random.normal(ks[6], (D, D), dtype=jnp.float32) * s
    W3n = jax.random.normal(ks[7], (D, D), dtype=jnp.float32) * s
    b3 = jnp.zeros((D,), dtype=jnp.float32)
    return {"g": g, "feat": feat, "etype": etype,
            "W1s": W1s, "W1n": W1n, "b1": b1,
            "W2s": W2s, "W2n": W2n, "b2": b2,
            "W3s": W3s, "W3n": W3n, "b3": b3}


def _sage_conv(x, src, dst, Ws, Wn, b):
    # DGL SAGEConv with mean aggregator: fc_self(x) + fc_neigh(mean_{u->v} x_u) + bias
    msg = x[src]
    agg = jax.ops.segment_sum(msg, dst, num_segments=N)
    deg = jax.ops.segment_sum(jnp.ones((src.shape[0],), jnp.float32), dst, num_segments=N)
    h_neigh = agg / jnp.clip(deg, 1.0, None)[:, None]
    return x @ Ws + h_neigh @ Wn + b


def reference(g, feat, etype, W1s, W1n, b1, W2s, W2n, b2, W3s, W3n, b3):
    src, dst = g[0], g[1]
    h = jax.nn.relu(_sage_conv(feat, src, dst, W1s, W1n, b1)) + feat
    h_prev = h
    h = jax.nn.relu(_sage_conv(h, src, dst, W2s, W2n, b2)) + h_prev
    h_prev = h
    h = jax.nn.relu(_sage_conv(h, src, dst, W3s, W3n, b3)) + h_prev
    return h

if __name__ == "__main__":
    import jax
    _d = setup_inputs()
    print(jax.jit(kernel)(*tuple(_d.values())))

</pallas_src>

<mosaic_0001>
#map = affine_map<(d0, d1) -> (0, 0)>
#map1 = affine_map<(d0, d1) -> (0, 0, 0, 0, 0)>
#map2 = affine_map<(d0, d1) -> (0, 0, 0)>
module attributes {stable_mosaic.version = 14 : i64} {
  func.func @sage_sc_agg(%arg0: i32, %arg1: i32, %arg2: memref<10240x128xf32, #tpu.memory_space<hbm>>, %arg3: memref<2x16x97x2x128xi32, #tpu.memory_space<hbm>>, %arg4: memref<10240x128xf32, #tpu.memory_space<hbm>>, %arg5: memref<2x10240x128xf32, #tpu.memory_space<hbm>>, %arg6: memref<2x2x128xi32, #tpu.memory_space<vmem>>, %arg7: memref<2x128x128xf32, #tpu.memory_space<vmem>>, %arg8: memref<10240x128xf32, #tpu.memory_space<vmem_shared>>, %arg9: memref<2x!tpu.dma_semaphore, #tpu.memory_space<semaphore_mem>>, %arg10: memref<2x!tpu.dma_semaphore, #tpu.memory_space<semaphore_mem>>, %arg11: memref<2x!tpu.dma_semaphore, #tpu.memory_space<semaphore_mem>>) attributes {dimension_semantics = [#tpu.dimension_semantics<core_parallel>, #tpu.dimension_semantics<subcore_parallel>], iteration_bounds = array<i64: 2, 16>, scalar_prefetch = 0 : i64, scratch_operands = 6 : i64, tpu.core_type = #tpu.core_type<sc_vector_subcore>, window_params = [{transform_indices = #map}, {transform_indices = #map1}, {transform_indices = #map}, {transform_indices = #map2}]} {
    %eq3A = arith.constant 0 : i32
    %eq3A_0 = arith.cmpi eq, %arg0, %eq3A : i32
    %jit3A = arith.constant 97 : i32
    %jit3A_1 = arith.constant 60 : i32
    %select_n3A = arith.select %eq3A_0, %jit3A, %jit3A_1 : i32
    %mul3A = arith.constant 640 : i32
    %mul3A_2 = arith.muli %arg1, %mul3A : i32
    %mul3A_3 = arith.constant 640 : i32
    %mul3A_4 = arith.muli %arg1, %mul3A_3 : i32
    "tpu.region"() ({
      %run_scoped3A = tpu.sem_alloc : memref<!tpu.dma_semaphore, #tpu.memory_space<semaphore_mem>>
      %dma_start3A_90 = arith.constant 0 : i32
      %dma_start3A_91 = tpu.memref_slice %arg8[%mul3A_4, %dma_start3A_90] : memref<10240x128xf32, #tpu.memory_space<vmem_shared>> -> memref<640x128xf32, #tpu.memory_space<vmem_shared>>
      %dma_start3A_92 = arith.constant 0 : i32
      %dma_start3A_93 = tpu.memref_slice %arg4[%mul3A_2, %dma_start3A_92] : memref<10240x128xf32, #tpu.memory_space<hbm>> -> memref<640x128xf32, #tpu.memory_space<hbm>>
      tpu.enqueue_dma source(%dma_start3A_93 : memref<640x128xf32, #tpu.memory_space<hbm>>) target(%dma_start3A_91 : memref<640x128xf32, #tpu.memory_space<vmem_shared>>) target_semaphore(%run_scoped3A : memref<!tpu.dma_semaphore, #tpu.memory_space<semaphore_mem>>)
      %dma_wait3A_94 = arith.constant 0 : i32
      %dma_wait3A_95 = tpu.memref_slice %arg8[%mul3A_4, %dma_wait3A_94] : memref<10240x128xf32, #tpu.memory_space<vmem_shared>> -> memref<640x128xf32, #tpu.memory_space<vmem_shared>>
      %dma_wait3A_96 = arith.constant 0 : i32
      %dma_wait3A_97 = tpu.memref_slice %arg4[%mul3A_2, %dma_wait3A_96] : memref<10240x128xf32, #tpu.memory_space<hbm>> -> memref<640x128xf32, #tpu.memory_space<hbm>>
      tpu.wait_dma2 semaphore(%run_scoped3A : memref<!tpu.dma_semaphore, #tpu.memory_space<semaphore_mem>>) src(%dma_wait3A_97 : memref<640x128xf32, #tpu.memory_space<hbm>>) dst(%dma_wait3A_95 : memref<640x128xf32, #tpu.memory_space<vmem_shared>>)
      tpu.yield
    }) : () -> ()
    %barrier3A = arith.constant 0 : index
    tpu.barrier barrier_id(%barrier3A)
    %dma_start3A = arith.constant 0 : i32
    %dma_start3A_5 = arith.constant 0 : i32
    %dma_start3A_6 = arith.constant 0 : i32
    %dma_start3A_7 = arith.constant 0 : i32
    %dma_start3A_8 = arith.constant 0 : i32
    %dma_start3A_9 = tpu.memref_slice %arg6[%dma_start3A_5, %dma_start3A_7, %dma_start3A_8] : memref<2x2x128xi32, #tpu.memory_space<vmem>> -> memref<1x2x128xi32, #tpu.memory_space<vmem>>
    %dma_start3A_10 = tpu.memref_squeeze %dma_start3A_9 : memref<1x2x128xi32, #tpu.memory_space<vmem>> -> memref<2x128xi32, #tpu.memory_space<vmem>>
    %dma_start3A_11 = arith.constant 0 : i32
    %dma_start3A_12 = arith.constant 0 : i32
    %dma_start3A_13 = tpu.memref_slice %arg3[%arg0, %arg1, %dma_start3A, %dma_start3A_11, %dma_start3A_12] : memref<2x16x97x2x128xi32, #tpu.memory_space<hbm>> -> memref<1x1x1x2x128xi32, #tpu.memory_space<hbm>>
    %dma_start3A_14 = tpu.memref_squeeze %dma_start3A_13 : memref<1x1x1x2x128xi32, #tpu.memory_space<hbm>> -> memref<2x128xi32, #tpu.memory_space<hbm>>
    %dma_start3A_15 = tpu.memref_slice %arg9[%dma_start3A_6] : memref<2x!tpu.dma_semaphore, #tpu.memory_space<semaphore_mem>> -> memref<1x!tpu.dma_semaphore, #tpu.memory_space<semaphore_mem>>
    %dma_start3A_16 = tpu.memref_squeeze %dma_start3A_15 : memref<1x!tpu.dma_semaphore, #tpu.memory_space<semaphore_mem>> -> memref<!tpu.dma_semaphore, #tpu.memory_space<semaphore_mem>>
    %dma_start3A_17 = arith.constant 0 : i32
    %dma_start3A_18 = arith.constant 0 : i32
    %dma_start3A_19 = tpu.memref_slice %arg6[%dma_start3A_5, %dma_start3A_17, %dma_start3A_18] : memref<2x2x128xi32, #tpu.memory_space<vmem>> -> memref<1x2x128xi32, #tpu.memory_space<vmem>>
    %dma_start3A_20 = tpu.memref_squeeze %dma_start3A_19 : memref<1x2x128xi32, #tpu.memory_space<vmem>> -> memref<2x128xi32, #tpu.memory_space<vmem>>
    %dma_start3A_21 = arith.constant 0 : i32
    %dma_start3A_22 = arith.constant 0 : i32
    %dma_start3A_23 = tpu.memref_slice %arg3[%arg0, %arg1, %dma_start3A, %dma_start3A_21, %dma_start3A_22] : memref<2x16x97x2x128xi32, #tpu.memory_space<hbm>> -> memref<1x1x1x2x128xi32, #tpu.memory_space<hbm>>
    %dma_start3A_24 = tpu.memref_squeeze %dma_start3A_23 : memref<1x1x1x2x128xi32, #tpu.memory_space<hbm>> -> memref<2x128xi32, #tpu.memory_space<hbm>>
    tpu.enqueue_dma source(%dma_start3A_24 : memref<2x128xi32, #tpu.memory_space<hbm>>) target(%dma_start3A_20 : memref<2x128xi32, #tpu.memory_space<vmem>>) target_semaphore(%dma_start3A_16 : memref<!tpu.dma_semaphore, #tpu.memory_space<semaphore_mem>>)
    %dma_wait3A = arith.constant 0 : i32
    %dma_wait3A_25 = arith.constant 0 : i32
    %dma_wait3A_26 = arith.constant 0 : i32
    %dma_wait3A_27 = arith.constant 0 : i32
    %dma_wait3A_28 = arith.constant 0 : i32
    %dma_wait3A_29 = tpu.memref_slice %arg6[%dma_wait3A_25, %dma_wait3A_27, %dma_wait3A_28] : memref<2x2x128xi32, #tpu.memory_space<vmem>> -> memref<1x2x128xi32, #tpu.memory_space<vmem>>
    %dma_wait3A_30 = tpu.memref_squeeze %dma_wait3A_29 : memref<1x2x128xi32, #tpu.memory_space<vmem>> -> memref<2x128xi32, #tpu.memory_space<vmem>>
    %dma_wait3A_31 = arith.constant 0 : i32
    %dma_wait3A_32 = arith.constant 0 : i32
    %dma_wait3A_33 = tpu.memref_slice %arg3[%arg0, %arg1, %dma_wait3A, %dma_wait3A_31, %dma_wait3A_32] : memref<2x16x97x2x128xi32, #tpu.memory_space<hbm>> -> memref<1x1x1x2x128xi32, #tpu.memory_space<hbm>>
    %dma_wait3A_34 = tpu.memref_squeeze %dma_wait3A_33 : memref<1x1x1x2x128xi32, #tpu.memory_space<hbm>> -> memref<2x128xi32, #tpu.memory_space<hbm>>
    %dma_wait3A_35 = tpu.memref_slice %arg9[%dma_wait3A_26] : memref<2x!tpu.dma_semaphore, #tpu.memory_space<semaphore_mem>> -> memref<1x!tpu.dma_semaphore, #tpu.memory_space<semaphore_mem>>
    %dma_wait3A_36 = tpu.memref_squeeze %dma_wait3A_35 : memref<1x!tpu.dma_semaphore, #tpu.memory_space<semaphore_mem>> -> memref<!tpu.dma_semaphore, #tpu.memory_space<semaphore_mem>>
    %dma_wait3A_37 = arith.constant 0 : i32
    %dma_wait3A_38 = arith.constant 0 : i32
    %dma_wait3A_39 = tpu.memref_slice %arg6[%dma_wait3A_25, %dma_wait3A_37, %dma_wait3A_38] : memref<2x2x128xi32, #tpu.memory_space<vmem>> -> memref<1x2x128xi32, #tpu.memory_space<vmem>>
    %dma_wait3A_40 = tpu.memref_squeeze %dma_wait3A_39 : memref<1x2x128xi32, #tpu.memory_space<vmem>> -> memref<2x128xi32, #tpu.memory_space<vmem>>
    %dma_wait3A_41 = arith.constant 0 : i32
    %dma_wait3A_42 = arith.constant 0 : i32
    %dma_wait3A_43 = tpu.memref_slice %arg3[%arg0, %arg1, %dma_wait3A, %dma_wait3A_41, %dma_wait3A_42] : memref<2x16x97x2x128xi32, #tpu.memory_space<hbm>> -> memref<1x1x1x2x128xi32, #tpu.memory_space<hbm>>
    %dma_wait3A_44 = tpu.memref_squeeze %dma_wait3A_43 : memref<1x1x1x2x128xi32, #tpu.memory_space<hbm>> -> memref<2x128xi32, #tpu.memory_space<hbm>>
    tpu.wait_dma2 semaphore(%dma_wait3A_36 : memref<!tpu.dma_semaphore, #tpu.memory_space<semaphore_mem>>) src(%dma_wait3A_44 : memref<2x128xi32, #tpu.memory_space<hbm>>) dst(%dma_wait3A_40 : memref<2x128xi32, #tpu.memory_space<vmem>>)
    %dma_start3A_45 = arith.constant 0 : i32
    %dma_start3A_46 = arith.constant 0 : i32
    %dma_start3A_47 = arith.constant 0 : i32
    %dma_start3A_48 = arith.constant 0 : i32
    %dma_start3A_49 = arith.constant 0 : i32
    %dma_start3A_50 = arith.constant 0 : i32
    %dma_start3A_51 = tpu.memref_slice %arg7[%dma_start3A_47, %dma_start3A_49, %dma_start3A_50] : memref<2x128x128xf32, #tpu.memory_space<vmem>> -> memref<1x128x128xf32, #tpu.memory_space<vmem>>
    %dma_start3A_52 = tpu.memref_squeeze %dma_start3A_51 : memref<1x128x128xf32, #tpu.memory_space<vmem>> -> memref<128x128xf32, #tpu.memory_space<vmem>>
    %dma_start3A_53 = arith.constant 0 : i32
    %dma_start3A_54 = tpu.memref_slice %arg6[%dma_start3A_45, %dma_start3A_46, %dma_start3A_53] : memref<2x2x128xi32, #tpu.memory_space<vmem>> -> memref<1x1x128xi32, #tpu.memory_space<vmem>>
    %dma_start3A_55 = tpu.memref_squeeze %dma_start3A_54 : memref<1x1x128xi32, #tpu.memory_space<vmem>> -> memref<128xi32, #tpu.memory_space<vmem>>
    %dma_start3A_56 = arith.constant 0 : i32
    %dma_start3A_57 = arith.constant 0 : i32
    %dma_start3A_58 = tpu.memref_slice %arg2[%dma_start3A_56, %dma_start3A_57] : memref<10240x128xf32, #tpu.memory_space<hbm>> -> memref<10240x128xf32, #tpu.memory_space<hbm>>
    %dma_start3A_59 = tpu.memref_slice %arg10[%dma_start3A_48] : memref<2x!tpu.dma_semaphore, #tpu.memory_space<semaphore_mem>> -> memref<1x!tpu.dma_semaphore, #tpu.memory_space<semaphore_mem>>
    %dma_start3A_60 = tpu.memref_squeeze %dma_start3A_59 : memref<1x!tpu.dma_semaphore, #tpu.memory_space<semaphore_mem>> -> memref<!tpu.dma_semaphore, #tpu.memory_space<semaphore_mem>>
    tpu.enqueue_indirect_dma source(%dma_start3A_58 : memref<10240x128xf32, #tpu.memory_space<hbm>>) target(%dma_start3A_52 : memref<128x128xf32, #tpu.memory_space<vmem>>) offsets(%dma_start3A_55 : memref<128xi32, #tpu.memory_space<vmem>>) semaphore(%dma_start3A_60 : memref<!tpu.dma_semaphore, #tpu.memory_space<semaphore_mem>>)
    %while3A = arith.constant 0 : i32
    %while3A_61 = arith.constant 0 : i32
    %while3A_62 = arith.subi %select_n3A, %while3A_61 : i32
    %while3A_63 = arith.addi %while3A_61, %while3A_62 : i32
    %while3A_64 = arith.constant 1 : i32
    %while3A_65 = arith.divsi %while3A_62, %while3A_64 : i32
    %while3A_66 = arith.muli %while3A_65, %while3A_64 : i32
    %while3A_67 = arith.addi %while3A_61, %while3A_66 : i32
    %while3A_68 = arith.constant 1 : i32
    scf.for %while3A_90 = %while3A_61 to %while3A_67 step %while3A_68  : i32 {
      %rem3A_91 = arith.constant 2 : i32
      %rem3A_92 = arith.remsi %while3A_90, %rem3A_91 : i32
      %add3A = arith.constant 1 : i32
      %add3A_93 = arith.addi %while3A_90, %add3A : i32
      %rem3A_94 = arith.constant 2 : i32
      %rem3A_95 = arith.remsi %add3A_93, %rem3A_94 : i32
      %ge3A = arith.constant 1 : i32
      %ge3A_96 = arith.cmpi sge, %while3A_90, %ge3A : i32
      %convert_element_type3A = arith.extui %ge3A_96 : i1 to i32
      %cond3A = arith.constant 0 : i32
      %cond3A_97 = arith.cmpi ne, %convert_element_type3A, %cond3A : i32
      scf.if %cond3A_97 {
        %dma_wait3A_135 = arith.constant 1 : i32
        %dma_wait3A_136 = arith.constant 0 : i32
        %dma_wait3A_137 = arith.constant 0 : i32
        %dma_wait3A_138 = tpu.memref_slice %arg7[%rem3A_95, %dma_wait3A_136, %dma_wait3A_137] : memref<2x128x128xf32, #tpu.memory_space<vmem>> -> memref<1x128x128xf32, #tpu.memory_space<vmem>>
        %dma_wait3A_139 = tpu.memref_squeeze %dma_wait3A_138 : memref<1x128x128xf32, #tpu.memory_space<vmem>> -> memref<128x128xf32, #tpu.memory_space<vmem>>
        %dma_wait3A_140 = arith.constant 0 : i32
        %dma_wait3A_141 = tpu.memref_slice %arg6[%rem3A_95, %dma_wait3A_135, %dma_wait3A_140] : memref<2x2x128xi32, #tpu.memory_space<vmem>> -> memref<1x1x128xi32, #tpu.memory_space<vmem>>
        %dma_wait3A_142 = tpu.memref_squeeze %dma_wait3A_141 : memref<1x1x128xi32, #tpu.memory_space<vmem>> -> memref<128xi32, #tpu.memory_space<vmem>>
        %dma_wait3A_143 = arith.constant 0 : i32
        %dma_wait3A_144 = arith.constant 0 : i32
        %dma_wait3A_145 = tpu.memref_slice %arg8[%dma_wait3A_143, %dma_wait3A_144] : memref<10240x128xf32, #tpu.memory_space<vmem_shared>> -> memref<10240x128xf32, #tpu.memory_space<vmem_shared>>
        %dma_wait3A_146 = tpu.memref_slice %arg11[%rem3A_95] : memref<2x!tpu.dma_semaphore, #tpu.memory_space<semaphore_mem>> -> memref<1x!tpu.dma_semaphore, #tpu.memory_space<semaphore_mem>>
        %dma_wait3A_147 = tpu.memref_squeeze %dma_wait3A_146 : memref<1x!tpu.dma_semaphore, #tpu.memory_space<semaphore_mem>> -> memref<!tpu.dma_semaphore, #tpu.memory_space<semaphore_mem>>
        tpu.wait_indirect_dma semaphore(%dma_wait3A_147 : memref<!tpu.dma_semaphore, #tpu.memory_space<semaphore_mem>>) src(%dma_wait3A_139 : memref<128x128xf32, #tpu.memory_space<vmem>>) dst(%dma_wait3A_145 : memref<10240x128xf32, #tpu.memory_space<vmem_shared>>)
      } else {
      }
      %add3A_98 = arith.constant 1 : i32
      %add3A_99 = arith.addi %while3A_90, %add3A_98 : i32
      %lt3A = arith.cmpi slt, %add3A_99, %select_n3A : i32
      %convert_element_type3A_100 = arith.extui %lt3A : i1 to i32
      %cond3A_101 = arith.constant 0 : i32
      %cond3A_102 = arith.cmpi ne, %convert_element_type3A_100, %cond3A_101 : i32
      scf.if %cond3A_102 {
        %add3A_135 = arith.constant 1 : i32
        %add3A_136 = arith.addi %while3A_90, %add3A_135 : i32
        %dma_start3A_137 = arith.constant 0 : i32
        %dma_start3A_138 = arith.constant 0 : i32
        %dma_start3A_139 = tpu.memref_slice %arg6[%rem3A_95, %dma_start3A_137, %dma_start3A_138] : memref<2x2x128xi32, #tpu.memory_space<vmem>> -> memref<1x2x128xi32, #tpu.memory_space<vmem>>
        %dma_start3A_140 = tpu.memref_squeeze %dma_start3A_139 : memref<1x2x128xi32, #tpu.memory_space<vmem>> -> memref<2x128xi32, #tpu.memory_space<vmem>>
        %dma_start3A_141 = arith.constant 0 : i32
        %dma_start3A_142 = arith.constant 0 : i32
        %dma_start3A_143 = tpu.memref_slice %arg3[%arg0, %arg1, %add3A_136, %dma_start3A_141, %dma_start3A_142] : memref<2x16x97x2x128xi32, #tpu.memory_space<hbm>> -> memref<1x1x1x2x128xi32, #tpu.memory_space<hbm>>
        %dma_start3A_144 = tpu.memref_squeeze %dma_start3A_143 : memref<1x1x1x2x128xi32, #tpu.memory_space<hbm>> -> memref<2x128xi32, #tpu.memory_space<hbm>>
        %dma_start3A_145 = tpu.memref_slice %arg9[%rem3A_95] : memref<2x!tpu.dma_semaphore, #tpu.memory_space<semaphore_mem>> -> memref<1x!tpu.dma_semaphore, #tpu.memory_space<semaphore_mem>>
        %dma_start3A_146 = tpu.memref_squeeze %dma_start3A_145 : memref<1x!tpu.dma_semaphore, #tpu.memory_space<semaphore_mem>> -> memref<!tpu.dma_semaphore, #tpu.memory_space<semaphore_mem>>
        %dma_start3A_147 = arith.constant 0 : i32
        %dma_start3A_148 = arith.constant 0 : i32
        %dma_start3A_149 = tpu.memref_slice %arg6[%rem3A_95, %dma_start3A_147, %dma_start3A_148] : memref<2x2x128xi32, #tpu.memory_space<vmem>> -> memref<1x2x128xi32, #tpu.memory_space<vmem>>
        %dma_start3A_150 = tpu.memref_squeeze %dma_start3A_149 : memref<1x2x128xi32, #tpu.memory_space<vmem>> -> memref<2x128xi32, #tpu.memory_space<vmem>>
        %dma_start3A_151 = arith.constant 0 : i32
        %dma_start3A_152 = arith.constant 0 : i32
        %dma_start3A_153 = tpu.memref_slice %arg3[%arg0, %arg1, %add3A_136, %dma_start3A_151, %dma_start3A_152] : memref<2x16x97x2x128xi32, #tpu.memory_space<hbm>> -> memref<1x1x1x2x128xi32, #tpu.memory_space<hbm>>
        %dma_start3A_154 = tpu.memref_squeeze %dma_start3A_153 : memref<1x1x1x2x128xi32, #tpu.memory_space<hbm>> -> memref<2x128xi32, #tpu.memory_space<hbm>>
        tpu.enqueue_dma source(%dma_start3A_154 : memref<2x128xi32, #tpu.memory_space<hbm>>) target(%dma_start3A_150 : memref<2x128xi32, #tpu.memory_space<vmem>>) target_semaphore(%dma_start3A_146 : memref<!tpu.dma_semaphore, #tpu.memory_space<semaphore_mem>>)
      } else {
      }
      %dma_wait3A_103 = arith.constant 0 : i32
      %dma_wait3A_104 = arith.constant 0 : i32
      %dma_wait3A_105 = arith.constant 0 : i32
      %dma_wait3A_106 = tpu.memref_slice %arg7[%rem3A_92, %dma_wait3A_104, %dma_wait3A_105] : memref<2x128x128xf32, #tpu.memory_space<vmem>> -> memref<1x128x128xf32, #tpu.memory_space<vmem>>
      %dma_wait3A_107 = tpu.memref_squeeze %dma_wait3A_106 : memref<1x128x128xf32, #tpu.memory_space<vmem>> -> memref<128x128xf32, #tpu.memory_space<vmem>>
      %dma_wait3A_108 = arith.constant 0 : i32
      %dma_wait3A_109 = tpu.memref_slice %arg6[%rem3A_92, %dma_wait3A_103, %dma_wait3A_108] : memref<2x2x128xi32, #tpu.memory_space<vmem>> -> memref<1x1x128xi32, #tpu.memory_space<vmem>>
      %dma_wait3A_110 = tpu.memref_squeeze %dma_wait3A_109 : memref<1x1x128xi32, #tpu.memory_space<vmem>> -> memref<128xi32, #tpu.memory_space<vmem>>
      %dma_wait3A_111 = arith.constant 0 : i32
      %dma_wait3A_112 = arith.constant 0 : i32
      %dma_wait3A_113 = tpu.memref_slice %arg2[%dma_wait3A_111, %dma_wait3A_112] : memref<10240x128xf32, #tpu.memory_space<hbm>> -> memref<10240x128xf32, #tpu.memory_space<hbm>>
      %dma_wait3A_114 = tpu.memref_slice %arg10[%rem3A_92] : memref<2x!tpu.dma_semaphore, #tpu.memory_space<semaphore_mem>> -> memref<1x!tpu.dma_semaphore, #tpu.memory_space<semaphore_mem>>
      %dma_wait3A_115 = tpu.memref_squeeze %dma_wait3A_114 : memref<1x!tpu.dma_semaphore, #tpu.memory_space<semaphore_mem>> -> memref<!tpu.dma_semaphore, #tpu.memory_space<semaphore_mem>>
      tpu.wait_indirect_dma semaphore(%dma_wait3A_115 : memref<!tpu.dma_semaphore, #tpu.memory_space<semaphore_mem>>) src(%dma_wait3A_113 : memref<10240x128xf32, #tpu.memory_space<hbm>>) dst(%dma_wait3A_107 : memref<128x128xf32, #tpu.memory_space<vmem>>)
      %dma_start3A_116 = arith.constant 1 : i32
      %dma_start3A_117 = arith.constant 0 : i32
      %dma_start3A_118 = arith.constant 0 : i32
      %dma_start3A_119 = tpu.memref_slice %arg7[%rem3A_92, %dma_start3A_117, %dma_start3A_118] : memref<2x128x128xf32, #tpu.memory_space<vmem>> -> memref<1x128x128xf32, #tpu.memory_space<vmem>>
      %dma_start3A_120 = tpu.memref_squeeze %dma_start3A_119 : memref<1x128x128xf32, #tpu.memory_space<vmem>> -> memref<128x128xf32, #tpu.memory_space<vmem>>
      %dma_start3A_121 = arith.constant 0 : i32
      %dma_start3A_122 = tpu.memref_slice %arg6[%rem3A_92, %dma_start3A_116, %dma_start3A_121] : memref<2x2x128xi32, #tpu.memory_space<vmem>> -> memref<1x1x128xi32, #tpu.memory_space<vmem>>
      %dma_start3A_123 = tpu.memref_squeeze %dma_start3A_122 : memref<1x1x128xi32, #tpu.memory_space<vmem>> -> memref<128xi32, #tpu.memory_space<vmem>>
      %dma_start3A_124 = arith.constant 0 : i32
      %dma_start3A_125 = arith.constant 0 : i32
      %dma_start3A_126 = tpu.memref_slice %arg8[%dma_start3A_124, %dma_start3A_125] : memref<10240x128xf32, #tpu.memory_space<vmem_shared>> -> memref<10240x128xf32, #tpu.memory_space<vmem_shared>>
      %dma_start3A_127 = tpu.memref_slice %arg11[%rem3A_92] : memref<2x!tpu.dma_semaphore, #tpu.memory_space<semaphore_mem>> -> memref<1x!tpu.dma_semaphore, #tpu.memory_space<semaphore_mem>>
      %dma_start3A_128 = tpu.memref_squeeze %dma_start3A_127 : memref<1x!tpu.dma_semaphore, #tpu.memory_space<semaphore_mem>> -> memref<!tpu.dma_semaphore, #tpu.memory_space<semaphore_mem>>
      tpu.enqueue_indirect_dma source(%dma_start3A_120 : memref<128x128xf32, #tpu.memory_space<vmem>>) target(%dma_start3A_126 : memref<10240x128xf32, #tpu.memory_space<vmem_shared>>) offsets(%dma_start3A_123 : memref<128xi32, #tpu.memory_space<vmem>>) semaphore(%dma_start3A_128 : memref<!tpu.dma_semaphore, #tpu.memory_space<semaphore_mem>>) {add = true}
      %add3A_129 = arith.constant 1 : i32
      %add3A_130 = arith.addi %while3A_90, %add3A_129 : i32
      %lt3A_131 = arith.cmpi slt, %add3A_130, %select_n3A : i32
      %convert_element_type3A_132 = arith.extui %lt3A_131 : i1 to i32
      %cond3A_133 = arith.constant 0 : i32
      %cond3A_134 = arith.cmpi ne, %convert_element_type3A_132, %cond3A_133 : i32
      scf.if %cond3A_134 {
        %dma_wait3A_135 = arith.constant 0 : i32
        %dma_wait3A_136 = arith.constant 0 : i32
        %dma_wait3A_137 = arith.constant 0 : i32
        %dma_wait3A_138 = tpu.memref_slice %arg6[%rem3A_95, %dma_wait3A_136, %dma_wait3A_137] : memref<2x2x128xi32, #tpu.memory_space<vmem>> -> memref<1x2x128xi32, #tpu.memory_space<vmem>>
        %dma_wait3A_139 = tpu.memref_squeeze %dma_wait3A_138 : memref<1x2x128xi32, #tpu.memory_space<vmem>> -> memref<2x128xi32, #tpu.memory_space<vmem>>
        %dma_wait3A_140 = arith.constant 0 : i32
        %dma_wait3A_141 = arith.constant 0 : i32
        %dma_wait3A_142 = tpu.memref_slice %arg3[%arg0, %arg1, %dma_wait3A_135, %dma_wait3A_140, %dma_wait3A_141] : memref<2x16x97x2x128xi32, #tpu.memory_space<hbm>> -> memref<1x1x1x2x128xi32, #tpu.memory_space<hbm>>
        %dma_wait3A_143 = tpu.memref_squeeze %dma_wait3A_142 : memref<1x1x1x2x128xi32, #tpu.memory_space<hbm>> -> memref<2x128xi32, #tpu.memory_space<hbm>>
        %dma_wait3A_144 = tpu.memref_slice %arg9[%rem3A_95] : memref<2x!tpu.dma_semaphore, #tpu.memory_space<semaphore_mem>> -> memref<1x!tpu.dma_semaphore, #tpu.memory_space<semaphore_mem>>
        %dma_wait3A_145 = tpu.memref_squeeze %dma_wait3A_144 : memref<1x!tpu.dma_semaphore, #tpu.memory_space<semaphore_mem>> -> memref<!tpu.dma_semaphore, #tpu.memory_space<semaphore_mem>>
        %dma_wait3A_146 = arith.constant 0 : i32
        %dma_wait3A_147 = arith.constant 0 : i32
        %dma_wait3A_148 = tpu.memref_slice %arg6[%rem3A_95, %dma_wait3A_146, %dma_wait3A_147] : memref<2x2x128xi32, #tpu.memory_space<vmem>> -> memref<1x2x128xi32, #tpu.memory_space<vmem>>
        %dma_wait3A_149 = tpu.memref_squeeze %dma_wait3A_148 : memref<1x2x128xi32, #tpu.memory_space<vmem>> -> memref<2x128xi32, #tpu.memory_space<vmem>>
        %dma_wait3A_150 = arith.constant 0 : i32
        %dma_wait3A_151 = arith.constant 0 : i32
        %dma_wait3A_152 = tpu.memref_slice %arg3[%arg0, %arg1, %dma_wait3A_135, %dma_wait3A_150, %dma_wait3A_151] : memref<2x16x97x2x128xi32, #tpu.memory_space<hbm>> -> memref<1x1x1x2x128xi32, #tpu.memory_space<hbm>>
        %dma_wait3A_153 = tpu.memref_squeeze %dma_wait3A_152 : memref<1x1x1x2x128xi32, #tpu.memory_space<hbm>> -> memref<2x128xi32, #tpu.memory_space<hbm>>
        tpu.wait_dma2 semaphore(%dma_wait3A_145 : memref<!tpu.dma_semaphore, #tpu.memory_space<semaphore_mem>>) src(%dma_wait3A_153 : memref<2x128xi32, #tpu.memory_space<hbm>>) dst(%dma_wait3A_149 : memref<2x128xi32, #tpu.memory_space<vmem>>)
        %dma_start3A_154 = arith.constant 0 : i32
        %dma_start3A_155 = arith.constant 0 : i32
        %dma_start3A_156 = arith.constant 0 : i32
        %dma_start3A_157 = tpu.memref_slice %arg7[%rem3A_95, %dma_start3A_155, %dma_start3A_156] : memref<2x128x128xf32, #tpu.memory_space<vmem>> -> memref<1x128x128xf32, #tpu.memory_space<vmem>>
        %dma_start3A_158 = tpu.memref_squeeze %dma_start3A_157 : memref<1x128x128xf32, #tpu.memory_space<vmem>> -> memref<128x128xf32, #tpu.memory_space<vmem>>
        %dma_start3A_159 = arith.constant 0 : i32
        %dma_start3A_160 = tpu.memref_slice %arg6[%rem3A_95, %dma_start3A_154, %dma_start3A_159] : memref<2x2x128xi32, #tpu.memory_space<vmem>> -> memref<1x1x128xi32, #tpu.memory_space<vmem>>
        %dma_start3A_161 = tpu.memref_squeeze %dma_start3A_160 : memref<1x1x128xi32, #tpu.memory_space<vmem>> -> memref<128xi32, #tpu.memory_space<vmem>>
        %dma_start3A_162 = arith.constant 0 : i32
        %dma_start3A_163 = arith.constant 0 : i32
        %dma_start3A_164 = tpu.memref_slice %arg2[%dma_start3A_162, %dma_start3A_163] : memref<10240x128xf32, #tpu.memory_space<hbm>> -> memref<10240x128xf32, #tpu.memory_space<hbm>>
        %dma_start3A_165 = tpu.memref_slice %arg10[%rem3A_95] : memref<2x!tpu.dma_semaphore, #tpu.memory_space<semaphore_mem>> -> memref<1x!tpu.dma_semaphore, #tpu.memory_space<semaphore_mem>>
        %dma_start3A_166 = tpu.memref_squeeze %dma_start3A_165 : memref<1x!tpu.dma_semaphore, #tpu.memory_space<semaphore_mem>> -> memref<!tpu.dma_semaphore, #tpu.memory_space<semaphore_mem>>
        tpu.enqueue_indirect_dma source(%dma_start3A_164 : memref<10240x128xf32, #tpu.memory_space<hbm>>) target(%dma_start3A_158 : memref<128x128xf32, #tpu.memory_space<vmem>>) offsets(%dma_start3A_161 : memref<128xi32, #tpu.memory_space<vmem>>) semaphore(%dma_start3A_166 : memref<!tpu.dma_semaphore, #tpu.memory_space<semaphore_mem>>)
      } else {
      }
    }
    %while3A_69 = arith.constant 1 : i32
    scf.for %while3A_90 = %while3A_67 to %while3A_63 step %while3A_69  : i32 {
      %rem3A_91 = arith.constant 2 : i32
      %rem3A_92 = arith.remsi %while3A_90, %rem3A_91 : i32
      %add3A = arith.constant 1 : i32
      %add3A_93 = arith.addi %while3A_90, %add3A : i32
      %rem3A_94 = arith.constant 2 : i32
      %rem3A_95 = arith.remsi %add3A_93, %rem3A_94 : i32
      %ge3A = arith.constant 1 : i32
      %ge3A_96 = arith.cmpi sge, %while3A_90, %ge3A : i32
      %convert_element_type3A = arith.extui %ge3A_96 : i1 to i32
      %cond3A = arith.constant 0 : i32
      %cond3A_97 = arith.cmpi ne, %convert_element_type3A, %cond3A : i32
      scf.if %cond3A_97 {
        %dma_wait3A_135 = arith.constant 1 : i32
        %dma_wait3A_136 = arith.constant 0 : i32
        %dma_wait3A_137 = arith.constant 0 : i32
        %dma_wait3A_138 = tpu.memref_slice %arg7[%rem3A_95, %dma_wait3A_136, %dma_wait3A_137] : memref<2x128x128xf32, #tpu.memory_space<vmem>> -> memref<1x128x128xf32, #tpu.memory_space<vmem>>
        %dma_wait3A_139 = tpu.memref_squeeze %dma_wait3A_138 : memref<1x128x128xf32, #tpu.memory_space<vmem>> -> memref<128x128xf32, #tpu.memory_space<vmem>>
        %dma_wait3A_140 = arith.constant 0 : i32
        %dma_wait3A_141 = tpu.memref_slice %arg6[%rem3A_95, %dma_wait3A_135, %dma_wait3A_140] : memref<2x2x128xi32, #tpu.memory_space<vmem>> -> memref<1x1x128xi32, #tpu.memory_space<vmem>>
        %dma_wait3A_142 = tpu.memref_squeeze %dma_wait3A_141 : memref<1x1x128xi32, #tpu.memory_space<vmem>> -> memref<128xi32, #tpu.memory_space<vmem>>
        %dma_wait3A_143 = arith.constant 0 : i32
        %dma_wait3A_144 = arith.constant 0 : i32
        %dma_wait3A_145 = tpu.memref_slice %arg8[%dma_wait3A_143, %dma_wait3A_144] : memref<10240x128xf32, #tpu.memory_space<vmem_shared>> -> memref<10240x128xf32, #tpu.memory_space<vmem_shared>>
        %dma_wait3A_146 = tpu.memref_slice %arg11[%rem3A_95] : memref<2x!tpu.dma_semaphore, #tpu.memory_space<semaphore_mem>> -> memref<1x!tpu.dma_semaphore, #tpu.memory_space<semaphore_mem>>
        %dma_wait3A_147 = tpu.memref_squeeze %dma_wait3A_146 : memref<1x!tpu.dma_semaphore, #tpu.memory_space<semaphore_mem>> -> memref<!tpu.dma_semaphore, #tpu.memory_space<semaphore_mem>>
        tpu.wait_indirect_dma semaphore(%dma_wait3A_147 : memref<!tpu.dma_semaphore, #tpu.memory_space<semaphore_mem>>) src(%dma_wait3A_139 : memref<128x128xf32, #tpu.memory_space<vmem>>) dst(%dma_wait3A_145 : memref<10240x128xf32, #tpu.memory_space<vmem_shared>>)
      } else {
      }
      %add3A_98 = arith.constant 1 : i32
      %add3A_99 = arith.addi %while3A_90, %add3A_98 : i32
      %lt3A = arith.cmpi slt, %add3A_99, %select_n3A : i32
      %convert_element_type3A_100 = arith.extui %lt3A : i1 to i32
      %cond3A_101 = arith.constant 0 : i32
      %cond3A_102 = arith.cmpi ne, %convert_element_type3A_100, %cond3A_101 : i32
      scf.if %cond3A_102 {
        %add3A_135 = arith.constant 1 : i32
        %add3A_136 = arith.addi %while3A_90, %add3A_135 : i32
        %dma_start3A_137 = arith.constant 0 : i32
        %dma_start3A_138 = arith.constant 0 : i32
        %dma_start3A_139 = tpu.memref_slice %arg6[%rem3A_95, %dma_start3A_137, %dma_start3A_138] : memref<2x2x128xi32, #tpu.memory_space<vmem>> -> memref<1x2x128xi32, #tpu.memory_space<vmem>>
        %dma_start3A_140 = tpu.memref_squeeze %dma_start3A_139 : memref<1x2x128xi32, #tpu.memory_space<vmem>> -> memref<2x128xi32, #tpu.memory_space<vmem>>
        %dma_start3A_141 = arith.constant 0 : i32
        %dma_start3A_142 = arith.constant 0 : i32
        %dma_start3A_143 = tpu.memref_slice %arg3[%arg0, %arg1, %add3A_136, %dma_start3A_141, %dma_start3A_142] : memref<2x16x97x2x128xi32, #tpu.memory_space<hbm>> -> memref<1x1x1x2x128xi32, #tpu.memory_space<hbm>>
        %dma_start3A_144 = tpu.memref_squeeze %dma_start3A_143 : memref<1x1x1x2x128xi32, #tpu.memory_space<hbm>> -> memref<2x128xi32, #tpu.memory_space<hbm>>
        %dma_start3A_145 = tpu.memref_slice %arg9[%rem3A_95] : memref<2x!tpu.dma_semaphore, #tpu.memory_space<semaphore_mem>> -> memref<1x!tpu.dma_semaphore, #tpu.memory_space<semaphore_mem>>
        %dma_start3A_146 = tpu.memref_squeeze %dma_start3A_145 : memref<1x!tpu.dma_semaphore, #tpu.memory_space<semaphore_mem>> -> memref<!tpu.dma_semaphore, #tpu.memory_space<semaphore_mem>>
        %dma_start3A_147 = arith.constant 0 : i32
        %dma_start3A_148 = arith.constant 0 : i32
        %dma_start3A_149 = tpu.memref_slice %arg6[%rem3A_95, %dma_start3A_147, %dma_start3A_148] : memref<2x2x128xi32, #tpu.memory_space<vmem>> -> memref<1x2x128xi32, #tpu.memory_space<vmem>>
        %dma_start3A_150 = tpu.memref_squeeze %dma_start3A_149 : memref<1x2x128xi32, #tpu.memory_space<vmem>> -> memref<2x128xi32, #tpu.memory_space<vmem>>
        %dma_start3A_151 = arith.constant 0 : i32
        %dma_start3A_152 = arith.constant 0 : i32
        %dma_start3A_153 = tpu.memref_slice %arg3[%arg0, %arg1, %add3A_136, %dma_start3A_151, %dma_start3A_152] : memref<2x16x97x2x128xi32, #tpu.memory_space<hbm>> -> memref<1x1x1x2x128xi32, #tpu.memory_space<hbm>>
        %dma_start3A_154 = tpu.memref_squeeze %dma_start3A_153 : memref<1x1x1x2x128xi32, #tpu.memory_space<hbm>> -> memref<2x128xi32, #tpu.memory_space<hbm>>
        tpu.enqueue_dma source(%dma_start3A_154 : memref<2x128xi32, #tpu.memory_space<hbm>>) target(%dma_start3A_150 : memref<2x128xi32, #tpu.memory_space<vmem>>) target_semaphore(%dma_start3A_146 : memref<!tpu.dma_semaphore, #tpu.memory_space<semaphore_mem>>)
      } else {
      }
      %dma_wait3A_103 = arith.constant 0 : i32
      %dma_wait3A_104 = arith.constant 0 : i32
      %dma_wait3A_105 = arith.constant 0 : i32
      %dma_wait3A_106 = tpu.memref_slice %arg7[%rem3A_92, %dma_wait3A_104, %dma_wait3A_105] : memref<2x128x128xf32, #tpu.memory_space<vmem>> -> memref<1x128x128xf32, #tpu.memory_space<vmem>>
      %dma_wait3A_107 = tpu.memref_squeeze %dma_wait3A_106 : memref<1x128x128xf32, #tpu.memory_space<vmem>> -> memref<128x128xf32, #tpu.memory_space<vmem>>
      %dma_wait3A_108 = arith.constant 0 : i32
      %dma_wait3A_109 = tpu.memref_slice %arg6[%rem3A_92, %dma_wait3A_103, %dma_wait3A_108] : memref<2x2x128xi32, #tpu.memory_space<vmem>> -> memref<1x1x128xi32, #tpu.memory_space<vmem>>
      %dma_wait3A_110 = tpu.memref_squeeze %dma_wait3A_109 : memref<1x1x128xi32, #tpu.memory_space<vmem>> -> memref<128xi32, #tpu.memory_space<vmem>>
      %dma_wait3A_111 = arith.constant 0 : i32
      %dma_wait3A_112 = arith.constant 0 : i32
      %dma_wait3A_113 = tpu.memref_slice %arg2[%dma_wait3A_111, %dma_wait3A_112] : memref<10240x128xf32, #tpu.memory_space<hbm>> -> memref<10240x128xf32, #tpu.memory_space<hbm>>
      %dma_wait3A_114 = tpu.memref_slice %arg10[%rem3A_92] : memref<2x!tpu.dma_semaphore, #tpu.memory_space<semaphore_mem>> -> memref<1x!tpu.dma_semaphore, #tpu.memory_space<semaphore_mem>>
      %dma_wait3A_115 = tpu.memref_squeeze %dma_wait3A_114 : memref<1x!tpu.dma_semaphore, #tpu.memory_space<semaphore_mem>> -> memref<!tpu.dma_semaphore, #tpu.memory_space<semaphore_mem>>
      tpu.wait_indirect_dma semaphore(%dma_wait3A_115 : memref<!tpu.dma_semaphore, #tpu.memory_space<semaphore_mem>>) src(%dma_wait3A_113 : memref<10240x128xf32, #tpu.memory_space<hbm>>) dst(%dma_wait3A_107 : memref<128x128xf32, #tpu.memory_space<vmem>>)
      %dma_start3A_116 = arith.constant 1 : i32
      %dma_start3A_117 = arith.constant 0 : i32
      %dma_start3A_118 = arith.constant 0 : i32
      %dma_start3A_119 = tpu.memref_slice %arg7[%rem3A_92, %dma_start3A_117, %dma_start3A_118] : memref<2x128x128xf32, #tpu.memory_space<vmem>> -> memref<1x128x128xf32, #tpu.memory_space<vmem>>
      %dma_start3A_120 = tpu.memref_squeeze %dma_start3A_119 : memref<1x128x128xf32, #tpu.memory_space<vmem>> -> memref<128x128xf32, #tpu.memory_space<vmem>>
      %dma_start3A_121 = arith.constant 0 : i32
      %dma_start3A_122 = tpu.memref_slice %arg6[%rem3A_92, %dma_start3A_116, %dma_start3A_121] : memref<2x2x128xi32, #tpu.memory_space<vmem>> -> memref<1x1x128xi32, #tpu.memory_space<vmem>>
      %dma_start3A_123 = tpu.memref_squeeze %dma_start3A_122 : memref<1x1x128xi32, #tpu.memory_space<vmem>> -> memref<128xi32, #tpu.memory_space<vmem>>
      %dma_start3A_124 = arith.constant 0 : i32
      %dma_start3A_125 = arith.constant 0 : i32
      %dma_start3A_126 = tpu.memref_slice %arg8[%dma_start3A_124, %dma_start3A_125] : memref<10240x128xf32, #tpu.memory_space<vmem_shared>> -> memref<10240x128xf32, #tpu.memory_space<vmem_shared>>
      %dma_start3A_127 = tpu.memref_slice %arg11[%rem3A_92] : memref<2x!tpu.dma_semaphore, #tpu.memory_space<semaphore_mem>> -> memref<1x!tpu.dma_semaphore, #tpu.memory_space<semaphore_mem>>
      %dma_start3A_128 = tpu.memref_squeeze %dma_start3A_127 : memref<1x!tpu.dma_semaphore, #tpu.memory_space<semaphore_mem>> -> memref<!tpu.dma_semaphore, #tpu.memory_space<semaphore_mem>>
      tpu.enqueue_indirect_dma source(%dma_start3A_120 : memref<128x128xf32, #tpu.memory_space<vmem>>) target(%dma_start3A_126 : memref<10240x128xf32, #tpu.memory_space<vmem_shared>>) offsets(%dma_start3A_123 : memref<128xi32, #tpu.memory_space<vmem>>) semaphore(%dma_start3A_128 : memref<!tpu.dma_semaphore, #tpu.memory_space<semaphore_mem>>) {add = true}
      %add3A_129 = arith.constant 1 : i32
      %add3A_130 = arith.addi %while3A_90, %add3A_129 : i32
      %lt3A_131 = arith.cmpi slt, %add3A_130, %select_n3A : i32
      %convert_element_type3A_132 = arith.extui %lt3A_131 : i1 to i32
      %cond3A_133 = arith.constant 0 : i32
      %cond3A_134 = arith.cmpi ne, %convert_element_type3A_132, %cond3A_133 : i32
      scf.if %cond3A_134 {
        %dma_wait3A_135 = arith.constant 0 : i32
        %dma_wait3A_136 = arith.constant 0 : i32
        %dma_wait3A_137 = arith.constant 0 : i32
        %dma_wait3A_138 = tpu.memref_slice %arg6[%rem3A_95, %dma_wait3A_136, %dma_wait3A_137] : memref<2x2x128xi32, #tpu.memory_space<vmem>> -> memref<1x2x128xi32, #tpu.memory_space<vmem>>
        %dma_wait3A_139 = tpu.memref_squeeze %dma_wait3A_138 : memref<1x2x128xi32, #tpu.memory_space<vmem>> -> memref<2x128xi32, #tpu.memory_space<vmem>>
        %dma_wait3A_140 = arith.constant 0 : i32
        %dma_wait3A_141 = arith.constant 0 : i32
        %dma_wait3A_142 = tpu.memref_slice %arg3[%arg0, %arg1, %dma_wait3A_135, %dma_wait3A_140, %dma_wait3A_141] : memref<2x16x97x2x128xi32, #tpu.memory_space<hbm>> -> memref<1x1x1x2x128xi32, #tpu.memory_space<hbm>>
        %dma_wait3A_143 = tpu.memref_squeeze %dma_wait3A_142 : memref<1x1x1x2x128xi32, #tpu.memory_space<hbm>> -> memref<2x128xi32, #tpu.memory_space<hbm>>
        %dma_wait3A_144 = tpu.memref_slice %arg9[%rem3A_95] : memref<2x!tpu.dma_semaphore, #tpu.memory_space<semaphore_mem>> -> memref<1x!tpu.dma_semaphore, #tpu.memory_space<semaphore_mem>>
        %dma_wait3A_145 = tpu.memref_squeeze %dma_wait3A_144 : memref<1x!tpu.dma_semaphore, #tpu.memory_space<semaphore_mem>> -> memref<!tpu.dma_semaphore, #tpu.memory_space<semaphore_mem>>
        %dma_wait3A_146 = arith.constant 0 : i32
        %dma_wait3A_147 = arith.constant 0 : i32
        %dma_wait3A_148 = tpu.memref_slice %arg6[%rem3A_95, %dma_wait3A_146, %dma_wait3A_147] : memref<2x2x128xi32, #tpu.memory_space<vmem>> -> memref<1x2x128xi32, #tpu.memory_space<vmem>>
        %dma_wait3A_149 = tpu.memref_squeeze %dma_wait3A_148 : memref<1x2x128xi32, #tpu.memory_space<vmem>> -> memref<2x128xi32, #tpu.memory_space<vmem>>
        %dma_wait3A_150 = arith.constant 0 : i32
        %dma_wait3A_151 = arith.constant 0 : i32
        %dma_wait3A_152 = tpu.memref_slice %arg3[%arg0, %arg1, %dma_wait3A_135, %dma_wait3A_150, %dma_wait3A_151] : memref<2x16x97x2x128xi32, #tpu.memory_space<hbm>> -> memref<1x1x1x2x128xi32, #tpu.memory_space<hbm>>
        %dma_wait3A_153 = tpu.memref_squeeze %dma_wait3A_152 : memref<1x1x1x2x128xi32, #tpu.memory_space<hbm>> -> memref<2x128xi32, #tpu.memory_space<hbm>>
        tpu.wait_dma2 semaphore(%dma_wait3A_145 : memref<!tpu.dma_semaphore, #tpu.memory_space<semaphore_mem>>) src(%dma_wait3A_153 : memref<2x128xi32, #tpu.memory_space<hbm>>) dst(%dma_wait3A_149 : memref<2x128xi32, #tpu.memory_space<vmem>>)
        %dma_start3A_154 = arith.constant 0 : i32
        %dma_start3A_155 = arith.constant 0 : i32
        %dma_start3A_156 = arith.constant 0 : i32
        %dma_start3A_157 = tpu.memref_slice %arg7[%rem3A_95, %dma_start3A_155, %dma_start3A_156] : memref<2x128x128xf32, #tpu.memory_space<vmem>> -> memref<1x128x128xf32, #tpu.memory_space<vmem>>
        %dma_start3A_158 = tpu.memref_squeeze %dma_start3A_157 : memref<1x128x128xf32, #tpu.memory_space<vmem>> -> memref<128x128xf32, #tpu.memory_space<vmem>>
        %dma_start3A_159 = arith.constant 0 : i32
        %dma_start3A_160 = tpu.memref_slice %arg6[%rem3A_95, %dma_start3A_154, %dma_start3A_159] : memref<2x2x128xi32, #tpu.memory_space<vmem>> -> memref<1x1x128xi32, #tpu.memory_space<vmem>>
        %dma_start3A_161 = tpu.memref_squeeze %dma_start3A_160 : memref<1x1x128xi32, #tpu.memory_space<vmem>> -> memref<128xi32, #tpu.memory_space<vmem>>
        %dma_start3A_162 = arith.constant 0 : i32
        %dma_start3A_163 = arith.constant 0 : i32
        %dma_start3A_164 = tpu.memref_slice %arg2[%dma_start3A_162, %dma_start3A_163] : memref<10240x128xf32, #tpu.memory_space<hbm>> -> memref<10240x128xf32, #tpu.memory_space<hbm>>
        %dma_start3A_165 = tpu.memref_slice %arg10[%rem3A_95] : memref<2x!tpu.dma_semaphore, #tpu.memory_space<semaphore_mem>> -> memref<1x!tpu.dma_semaphore, #tpu.memory_space<semaphore_mem>>
        %dma_start3A_166 = tpu.memref_squeeze %dma_start3A_165 : memref<1x!tpu.dma_semaphore, #tpu.memory_space<semaphore_mem>> -> memref<!tpu.dma_semaphore, #tpu.memory_space<semaphore_mem>>
        tpu.enqueue_indirect_dma source(%dma_start3A_164 : memref<10240x128xf32, #tpu.memory_space<hbm>>) target(%dma_start3A_158 : memref<128x128xf32, #tpu.memory_space<vmem>>) offsets(%dma_start3A_161 : memref<128xi32, #tpu.memory_space<vmem>>) semaphore(%dma_start3A_166 : memref<!tpu.dma_semaphore, #tpu.memory_space<semaphore_mem>>)
      } else {
      }
    }
    %sub3A = arith.constant 1 : i32
    %sub3A_70 = arith.subi %select_n3A, %sub3A : i32
    %rem3A = arith.constant 2 : i32
    %rem3A_71 = arith.remsi %sub3A_70, %rem3A : i32
    %dma_wait3A_72 = arith.constant 1 : i32
    %dma_wait3A_73 = arith.constant 0 : i32
    %dma_wait3A_74 = arith.constant 0 : i32
    %dma_wait3A_75 = tpu.memref_slice %arg7[%rem3A_71, %dma_wait3A_73, %dma_wait3A_74] : memref<2x128x128xf32, #tpu.memory_space<vmem>> -> memref<1x128x128xf32, #tpu.memory_space<vmem>>
    %dma_wait3A_76 = tpu.memref_squeeze %dma_wait3A_75 : memref<1x128x128xf32, #tpu.memory_space<vmem>> -> memref<128x128xf32, #tpu.memory_space<vmem>>
    %dma_wait3A_77 = arith.constant 0 : i32
    %dma_wait3A_78 = tpu.memref_slice %arg6[%rem3A_71, %dma_wait3A_72, %dma_wait3A_77] : memref<2x2x128xi32, #tpu.memory_space<vmem>> -> memref<1x1x128xi32, #tpu.memory_space<vmem>>
    %dma_wait3A_79 = tpu.memref_squeeze %dma_wait3A_78 : memref<1x1x128xi32, #tpu.memory_space<vmem>> -> memref<128xi32, #tpu.memory_space<vmem>>
    %dma_wait3A_80 = arith.constant 0 : i32
    %dma_wait3A_81 = arith.constant 0 : i32
    %dma_wait3A_82 = tpu.memref_slice %arg8[%dma_wait3A_80, %dma_wait3A_81] : memref<10240x128xf32, #tpu.memory_space<vmem_shared>> -> memref<10240x128xf32, #tpu.memory_space<vmem_shared>>
    %dma_wait3A_83 = tpu.memref_slice %arg11[%rem3A_71] : memref<2x!tpu.dma_semaphore, #tpu.memory_space<semaphore_mem>> -> memref<1x!tpu.dma_semaphore, #tpu.memory_space<semaphore_mem>>
    %dma_wait3A_84 = tpu.memref_squeeze %dma_wait3A_83 : memref<1x!tpu.dma_semaphore, #tpu.memory_space<semaphore_mem>> -> memref<!tpu.dma_semaphore, #tpu.memory_space<semaphore_mem>>
    tpu.wait_indirect_dma semaphore(%dma_wait3A_84 : memref<!tpu.dma_semaphore, #tpu.memory_space<semaphore_mem>>) src(%dma_wait3A_76 : memref<128x128xf32, #tpu.memory_space<vmem>>) dst(%dma_wait3A_82 : memref<10240x128xf32, #tpu.memory_space<vmem_shared>>)
    %barrier3A_85 = arith.constant 0 : index
    tpu.barrier barrier_id(%barrier3A_85)
    %mul3A_86 = arith.constant 640 : i32
    %mul3A_87 = arith.muli %arg1, %mul3A_86 : i32
    %mul3A_88 = arith.constant 640 : i32
    %mul3A_89 = arith.muli %arg1, %mul3A_88 : i32
    "tpu.region"() ({
      %run_scoped3A = tpu.sem_alloc : memref<!tpu.dma_semaphore, #tpu.memory_space<semaphore_mem>>
      %dma_start3A_90 = arith.constant 0 : i32
      %dma_start3A_91 = tpu.memref_slice %arg5[%arg0, %mul3A_89, %dma_start3A_90] : memref<2x10240x128xf32, #tpu.memory_space<hbm>> -> memref<1x640x128xf32, #tpu.memory_space<hbm>>
      %dma_start3A_92 = tpu.memref_squeeze %dma_start3A_91 : memref<1x640x128xf32, #tpu.memory_space<hbm>> -> memref<640x128xf32, #tpu.memory_space<hbm>>
      %dma_start3A_93 = arith.constant 0 : i32
      %dma_start3A_94 = tpu.memref_slice %arg8[%mul3A_87, %dma_start3A_93] : memref<10240x128xf32, #tpu.memory_space<vmem_shared>> -> memref<640x128xf32, #tpu.memory_space<vmem_shared>>
      tpu.enqueue_dma source(%dma_start3A_94 : memref<640x128xf32, #tpu.memory_space<vmem_shared>>) target(%dma_start3A_92 : memref<640x128xf32, #tpu.memory_space<hbm>>) target_semaphore(%run_scoped3A : memref<!tpu.dma_semaphore, #tpu.memory_space<semaphore_mem>>)
      %dma_wait3A_95 = arith.constant 0 : i32
      %dma_wait3A_96 = tpu.memref_slice %arg5[%arg0, %mul3A_89, %dma_wait3A_95] : memref<2x10240x128xf32, #tpu.memory_space<hbm>> -> memref<1x640x128xf32, #tpu.memory_space<hbm>>
      %dma_wait3A_97 = tpu.memref_squeeze %dma_wait3A_96 : memref<1x640x128xf32, #tpu.memory_space<hbm>> -> memref<640x128xf32, #tpu.memory_space<hbm>>
      %dma_wait3A_98 = arith.constant 0 : i32
      %dma_wait3A_99 = tpu.memref_slice %arg8[%mul3A_87, %dma_wait3A_98] : memref<10240x128xf32, #tpu.memory_space<vmem_shared>> -> memref<640x128xf32, #tpu.memory_space<vmem_shared>>
      tpu.wait_dma2 semaphore(%run_scoped3A : memref<!tpu.dma_semaphore, #tpu.memory_space<semaphore_mem>>) src(%dma_wait3A_99 : memref<640x128xf32, #tpu.memory_space<vmem_shared>>) dst(%dma_wait3A_97 : memref<640x128xf32, #tpu.memory_space<hbm>>)
      tpu.yield
    }) : () -> ()
    return
  }
}

#map = affine_map<(d0, d1) -> (0, 0)>
#map1 = affine_map<(d0, d1) -> (0, 0, 0, 0, 0)>
#map2 = affine_map<(d0, d1) -> (0, 0, 0)>
module attributes {stable_mosaic.version = 14 : i64} {
  func.func @sage_sc_agg(%arg0: i32, %arg1: i32, %arg2: memref<10240x128xf32, #tpu.memory_space<hbm>>, %arg3: memref<2x16x97x2x128xi32, #tpu.memory_space<hbm>>, %arg4: memref<10240x128xf32, #tpu.memory_space<hbm>>, %arg5: memref<2x10240x128xf32, #tpu.memory_space<hbm>>, %arg6: memref<2x2x128xi32, #tpu.memory_space<vmem>>, %arg7: memref<2x128x128xf32, #tpu.memory_space<vmem>>, %arg8: memref<10240x128xf32, #tpu.memory_space<vmem_shared>>, %arg9: memref<2x!tpu.dma_semaphore, #tpu.memory_space<semaphore_mem>>, %arg10: memref<2x!tpu.dma_semaphore, #tpu.memory_space<semaphore_mem>>, %arg11: memref<2x!tpu.dma_semaphore, #tpu.memory_space<semaphore_mem>>) attributes {dimension_semantics = [#tpu.dimension_semantics<core_parallel>, #tpu.dimension_semantics<subcore_parallel>], iteration_bounds = array<i64: 2, 16>, scalar_prefetch = 0 : i64, scratch_operands = 6 : i64, tpu.core_type = #tpu.core_type<sc_vector_subcore>, window_params = [{transform_indices = #map}, {transform_indices = #map1}, {transform_indices = #map}, {transform_indices = #map2}]} {
    %eq3A = arith.constant 0 : i32
    %eq3A_0 = arith.cmpi eq, %arg0, %eq3A : i32
    %jit3A = arith.constant 97 : i32
    %jit3A_1 = arith.constant 60 : i32
    %select_n3A = arith.select %eq3A_0, %jit3A, %jit3A_1 : i32
    %mul3A = arith.constant 640 : i32
    %mul3A_2 = arith.muli %arg1, %mul3A : i32
    %mul3A_3 = arith.constant 640 : i32
    %mul3A_4 = arith.muli %arg1, %mul3A_3 : i32
    "tpu.region"() ({
      %run_scoped3A = tpu.sem_alloc : memref<!tpu.dma_semaphore, #tpu.memory_space<semaphore_mem>>
      %dma_start3A_90 = arith.constant 0 : i32
      %dma_start3A_91 = tpu.memref_slice %arg8[%mul3A_4, %dma_start3A_90] : memref<10240x128xf32, #tpu.memory_space<vmem_shared>> -> memref<640x128xf32, #tpu.memory_space<vmem_shared>>
      %dma_start3A_92 = arith.constant 0 : i32
      %dma_start3A_93 = tpu.memref_slice %arg4[%mul3A_2, %dma_start3A_92] : memref<10240x128xf32, #tpu.memory_space<hbm>> -> memref<640x128xf32, #tpu.memory_space<hbm>>
      tpu.enqueue_dma source(%dma_start3A_93 : memref<640x128xf32, #tpu.memory_space<hbm>>) target(%dma_start3A_91 : memref<640x128xf32, #tpu.memory_space<vmem_shared>>) target_semaphore(%run_scoped3A : memref<!tpu.dma_semaphore, #tpu.memory_space<semaphore_mem>>)
      %dma_wait3A_94 = arith.constant 0 : i32
      %dma_wait3A_95 = tpu.memref_slice %arg8[%mul3A_4, %dma_wait3A_94] : memref<10240x128xf32, #tpu.memory_space<vmem_shared>> -> memref<640x128xf32, #tpu.memory_space<vmem_shared>>
      %dma_wait3A_96 = arith.constant 0 : i32
      %dma_wait3A_97 = tpu.memref_slice %arg4[%mul3A_2, %dma_wait3A_96] : memref<10240x128xf32, #tpu.memory_space<hbm>> -> memref<640x128xf32, #tpu.memory_space<hbm>>
      tpu.wait_dma2 semaphore(%run_scoped3A : memref<!tpu.dma_semaphore, #tpu.memory_space<semaphore_mem>>) src(%dma_wait3A_97 : memref<640x128xf32, #tpu.memory_space<hbm>>) dst(%dma_wait3A_95 : memref<640x128xf32, #tpu.memory_space<vmem_shared>>)
      tpu.yield
    }) : () -> ()
    %barrier3A = arith.constant 0 : index
    tpu.barrier barrier_id(%barrier3A)
    %dma_start3A = arith.constant 0 : i32
    %dma_start3A_5 = arith.constant 0 : i32
    %dma_start3A_6 = arith.constant 0 : i32
    %dma_start3A_7 = arith.constant 0 : i32
    %dma_start3A_8 = arith.constant 0 : i32
    %dma_start3A_9 = tpu.memref_slice %arg6[%dma_start3A_5, %dma_start3A_7, %dma_start3A_8] : memref<2x2x128xi32, #tpu.memory_space<vmem>> -> memref<1x2x128xi32, #tpu.memory_space<vmem>>
    %dma_start3A_10 = tpu.memref_squeeze %dma_start3A_9 : memref<1x2x128xi32, #tpu.memory_space<vmem>> -> memref<2x128xi32, #tpu.memory_space<vmem>>
    %dma_start3A_11 = arith.constant 0 : i32
    %dma_start3A_12 = arith.constant 0 : i32
    %dma_start3A_13 = tpu.memref_slice %arg3[%arg0, %arg1, %dma_start3A, %dma_start3A_11, %dma_start3A_12] : memref<2x16x97x2x128xi32, #tpu.memory_space<hbm>> -> memref<1x1x1x2x128xi32, #tpu.memory_space<hbm>>
    %dma_start3A_14 = tpu.memref_squeeze %dma_start3A_13 : memref<1x1x1x2x128xi32, #tpu.memory_space<hbm>> -> memref<2x128xi32, #tpu.memory_space<hbm>>
    %dma_start3A_15 = tpu.memref_slice %arg9[%dma_start3A_6] : memref<2x!tpu.dma_semaphore, #tpu.memory_space<semaphore_mem>> -> memref<1x!tpu.dma_semaphore, #tpu.memory_space<semaphore_mem>>
    %dma_start3A_16 = tpu.memref_squeeze %dma_start3A_15 : memref<1x!tpu.dma_semaphore, #tpu.memory_space<semaphore_mem>> -> memref<!tpu.dma_semaphore, #tpu.memory_space<semaphore_mem>>
    %dma_start3A_17 = arith.constant 0 : i32
    %dma_start3A_18 = arith.constant 0 : i32
    %dma_start3A_19 = tpu.memref_slice %arg6[%dma_start3A_5, %dma_start3A_17, %dma_start3A_18] : memref<2x2x128xi32, #tpu.memory_space<vmem>> -> memref<1x2x128xi32, #tpu.memory_space<vmem>>
    %dma_start3A_20 = tpu.memref_squeeze %dma_start3A_19 : memref<1x2x128xi32, #tpu.memory_space<vmem>> -> memref<2x128xi32, #tpu.memory_space<vmem>>
    %dma_start3A_21 = arith.constant 0 : i32
    %dma_start3A_22 = arith.constant 0 : i32
    %dma_start3A_23 = tpu.memref_slice %arg3[%arg0, %arg1, %dma_start3A, %dma_start3A_21, %dma_start3A_22] : memref<2x16x97x2x128xi32, #tpu.memory_space<hbm>> -> memref<1x1x1x2x128xi32, #tpu.memory_space<hbm>>
    %dma_start3A_24 = tpu.memref_squeeze %dma_start3A_23 : memref<1x1x1x2x128xi32, #tpu.memory_space<hbm>> -> memref<2x128xi32, #tpu.memory_space<hbm>>
    tpu.enqueue_dma source(%dma_start3A_24 : memref<2x128xi32, #tpu.memory_space<hbm>>) target(%dma_start3A_20 : memref<2x128xi32, #tpu.memory_space<vmem>>) target_semaphore(%dma_start3A_16 : memref<!tpu.dma_semaphore, #tpu.memory_space<semaphore_mem>>)
    %dma_wait3A = arith.constant 0 : i32
    %dma_wait3A_25 = arith.constant 0 : i32
    %dma_wait3A_26 = arith.constant 0 : i32
    %dma_wait3A_27 = arith.constant 0 : i32
    %dma_wait3A_28 = arith.constant 0 : i32
    %dma_wait3A_29 = tpu.memref_slice %arg6[%dma_wait3A_25, %dma_wait3A_27, %dma_wait3A_28] : memref<2x2x128xi32, #tpu.memory_space<vmem>> -> memref<1x2x128xi32, #tpu.memory_space<vmem>>
    %dma_wait3A_30 = tpu.memref_squeeze %dma_wait3A_29 : memref<1x2x128xi32, #tpu.memory_space<vmem>> -> memref<2x128xi32, #tpu.memory_space<vmem>>
    %dma_wait3A_31 = arith.constant 0 : i32
    %dma_wait3A_32 = arith.constant 0 : i32
    %dma_wait3A_33 = tpu.memref_slice %arg3[%arg0, %arg1, %dma_wait3A, %dma_wait3A_31, %dma_wait3A_32] : memref<2x16x97x2x128xi32, #tpu.memory_space<hbm>> -> memref<1x1x1x2x128xi32, #tpu.memory_space<hbm>>
    %dma_wait3A_34 = tpu.memref_squeeze %dma_wait3A_33 : memref<1x1x1x2x128xi32, #tpu.memory_space<hbm>> -> memref<2x128xi32, #tpu.memory_space<hbm>>
    %dma_wait3A_35 = tpu.memref_slice %arg9[%dma_wait3A_26] : memref<2x!tpu.dma_semaphore, #tpu.memory_space<semaphore_mem>> -> memref<1x!tpu.dma_semaphore, #tpu.memory_space<semaphore_mem>>
    %dma_wait3A_36 = tpu.memref_squeeze %dma_wait3A_35 : memref<1x!tpu.dma_semaphore, #tpu.memory_space<semaphore_mem>> -> memref<!tpu.dma_semaphore, #tpu.memory_space<semaphore_mem>>
    %dma_wait3A_37 = arith.constant 0 : i32
    %dma_wait3A_38 = arith.constant 0 : i32
    %dma_wait3A_39 = tpu.memref_slice %arg6[%dma_wait3A_25, %dma_wait3A_37, %dma_wait3A_38] : memref<2x2x128xi32, #tpu.memory_space<vmem>> -> memref<1x2x128xi32, #tpu.memory_space<vmem>>
    %dma_wait3A_40 = tpu.memref_squeeze %dma_wait3A_39 : memref<1x2x128xi32, #tpu.memory_space<vmem>> -> memref<2x128xi32, #tpu.memory_space<vmem>>
    %dma_wait3A_41 = arith.constant 0 : i32
    %dma_wait3A_42 = arith.constant 0 : i32
    %dma_wait3A_43 = tpu.memref_slice %arg3[%arg0, %arg1, %dma_wait3A, %dma_wait3A_41, %dma_wait3A_42] : memref<2x16x97x2x128xi32, #tpu.memory_space<hbm>> -> memref<1x1x1x2x128xi32, #tpu.memory_space<hbm>>
    %dma_wait3A_44 = tpu.memref_squeeze %dma_wait3A_43 : memref<1x1x1x2x128xi32, #tpu.memory_space<hbm>> -> memref<2x128xi32, #tpu.memory_space<hbm>>
    tpu.wait_dma2 semaphore(%dma_wait3A_36 : memref<!tpu.dma_semaphore, #tpu.memory_space<semaphore_mem>>) src(%dma_wait3A_44 : memref<2x128xi32, #tpu.memory_space<hbm>>) dst(%dma_wait3A_40 : memref<2x128xi32, #tpu.memory_space<vmem>>)
    %dma_start3A_45 = arith.constant 0 : i32
    %dma_start3A_46 = arith.constant 0 : i32
    %dma_start3A_47 = arith.constant 0 : i32
    %dma_start3A_48 = arith.constant 0 : i32
    %dma_start3A_49 = arith.constant 0 : i32
    %dma_start3A_50 = arith.constant 0 : i32
    %dma_start3A_51 = tpu.memref_slice %arg7[%dma_start3A_47, %dma_start3A_49, %dma_start3A_50] : memref<2x128x128xf32, #tpu.memory_space<vmem>> -> memref<1x128x128xf32, #tpu.memory_space<vmem>>
    %dma_start3A_52 = tpu.memref_squeeze %dma_start3A_51 : memref<1x128x128xf32, #tpu.memory_space<vmem>> -> memref<128x128xf32, #tpu.memory_space<vmem>>
    %dma_start3A_53 = arith.constant 0 : i32
    %dma_start3A_54 = tpu.memref_slice %arg6[%dma_start3A_45, %dma_start3A_46, %dma_start3A_53] : memref<2x2x128xi32, #tpu.memory_space<vmem>> -> memref<1x1x128xi32, #tpu.memory_space<vmem>>
    %dma_start3A_55 = tpu.memref_squeeze %dma_start3A_54 : memref<1x1x128xi32, #tpu.memory_space<vmem>> -> memref<128xi32, #tpu.memory_space<vmem>>
    %dma_start3A_56 = arith.constant 0 : i32
    %dma_start3A_57 = arith.constant 0 : i32
    %dma_start3A_58 = tpu.memref_slice %arg2[%dma_start3A_56, %dma_start3A_57] : memref<10240x128xf32, #tpu.memory_space<hbm>> -> memref<10240x128xf32, #tpu.memory_space<hbm>>
    %dma_start3A_59 = tpu.memref_slice %arg10[%dma_start3A_48] : memref<2x!tpu.dma_semaphore, #tpu.memory_space<semaphore_mem>> -> memref<1x!tpu.dma_semaphore, #tpu.memory_space<semaphore_mem>>
    %dma_start3A_60 = tpu.memref_squeeze %dma_start3A_59 : memref<1x!tpu.dma_semaphore, #tpu.memory_space<semaphore_mem>> -> memref<!tpu.dma_semaphore, #tpu.memory_space<semaphore_mem>>
    tpu.enqueue_indirect_dma source(%dma_start3A_58 : memref<10240x128xf32, #tpu.memory_space<hbm>>) target(%dma_start3A_52 : memref<128x128xf32, #tpu.memory_space<vmem>>) offsets(%dma_start3A_55 : memref<128xi32, #tpu.memory_space<vmem>>) semaphore(%dma_start3A_60 : memref<!tpu.dma_semaphore, #tpu.memory_space<semaphore_mem>>)
    %while3A = arith.constant 0 : i32
    %while3A_61 = arith.constant 0 : i32
    %while3A_62 = arith.subi %select_n3A, %while3A_61 : i32
    %while3A_63 = arith.addi %while3A_61, %while3A_62 : i32
    %while3A_64 = arith.constant 1 : i32
    %while3A_65 = arith.divsi %while3A_62, %while3A_64 : i32
    %while3A_66 = arith.muli %while3A_65, %while3A_64 : i32
    %while3A_67 = arith.addi %while3A_61, %while3A_66 : i32
    %while3A_68 = arith.constant 1 : i32
    scf.for %while3A_90 = %while3A_61 to %while3A_67 step %while3A_68  : i32 {
      %rem3A_91 = arith.constant 2 : i32
      %rem3A_92 = arith.remsi %while3A_90, %rem3A_91 : i32
      %add3A = arith.constant 1 : i32
      %add3A_93 = arith.addi %while3A_90, %add3A : i32
      %rem3A_94 = arith.constant 2 : i32
      %rem3A_95 = arith.remsi %add3A_93, %rem3A_94 : i32
      %ge3A = arith.constant 1 : i32
      %ge3A_96 = arith.cmpi sge, %while3A_90, %ge3A : i32
      %convert_element_type3A = arith.extui %ge3A_96 : i1 to i32
      %cond3A = arith.constant 0 : i32
      %cond3A_97 = arith.cmpi ne, %convert_element_type3A, %cond3A : i32
      scf.if %cond3A_97 {
        %dma_wait3A_135 = arith.constant 1 : i32
        %dma_wait3A_136 = arith.constant 0 : i32
        %dma_wait3A_137 = arith.constant 0 : i32
        %dma_wait3A_138 = tpu.memref_slice %arg7[%rem3A_95, %dma_wait3A_136, %dma_wait3A_137] : memref<2x128x128xf32, #tpu.memory_space<vmem>> -> memref<1x128x128xf32, #tpu.memory_space<vmem>>
        %dma_wait3A_139 = tpu.memref_squeeze %dma_wait3A_138 : memref<1x128x128xf32, #tpu.memory_space<vmem>> -> memref<128x128xf32, #tpu.memory_space<vmem>>
        %dma_wait3A_140 = arith.constant 0 : i32
        %dma_wait3A_141 = tpu.memref_slice %arg6[%rem3A_95, %dma_wait3A_135, %dma_wait3A_140] : memref<2x2x128xi32, #tpu.memory_space<vmem>> -> memref<1x1x128xi32, #tpu.memory_space<vmem>>
        %dma_wait3A_142 = tpu.memref_squeeze %dma_wait3A_141 : memref<1x1x128xi32, #tpu.memory_space<vmem>> -> memref<128xi32, #tpu.memory_space<vmem>>
        %dma_wait3A_143 = arith.constant 0 : i32
        %dma_wait3A_144 = arith.constant 0 : i32
        %dma_wait3A_145 = tpu.memref_slice %arg8[%dma_wait3A_143, %dma_wait3A_144] : memref<10240x128xf32, #tpu.memory_space<vmem_shared>> -> memref<10240x128xf32, #tpu.memory_space<vmem_shared>>
        %dma_wait3A_146 = tpu.memref_slice %arg11[%rem3A_95] : memref<2x!tpu.dma_semaphore, #tpu.memory_space<semaphore_mem>> -> memref<1x!tpu.dma_semaphore, #tpu.memory_space<semaphore_mem>>
        %dma_wait3A_147 = tpu.memref_squeeze %dma_wait3A_146 : memref<1x!tpu.dma_semaphore, #tpu.memory_space<semaphore_mem>> -> memref<!tpu.dma_semaphore, #tpu.memory_space<semaphore_mem>>
        tpu.wait_indirect_dma semaphore(%dma_wait3A_147 : memref<!tpu.dma_semaphore, #tpu.memory_space<semaphore_mem>>) src(%dma_wait3A_139 : memref<128x128xf32, #tpu.memory_space<vmem>>) dst(%dma_wait3A_145 : memref<10240x128xf32, #tpu.memory_space<vmem_shared>>)
      } else {
      }
      %add3A_98 = arith.constant 1 : i32
      %add3A_99 = arith.addi %while3A_90, %add3A_98 : i32
      %lt3A = arith.cmpi slt, %add3A_99, %select_n3A : i32
      %convert_element_type3A_100 = arith.extui %lt3A : i1 to i32
      %cond3A_101 = arith.constant 0 : i32
      %cond3A_102 = arith.cmpi ne, %convert_element_type3A_100, %cond3A_101 : i32
      scf.if %cond3A_102 {
        %add3A_135 = arith.constant 1 : i32
        %add3A_136 = arith.addi %while3A_90, %add3A_135 : i32
        %dma_start3A_137 = arith.constant 0 : i32
        %dma_start3A_138 = arith.constant 0 : i32
        %dma_start3A_139 = tpu.memref_slice %arg6[%rem3A_95, %dma_start3A_137, %dma_start3A_138] : memref<2x2x128xi32, #tpu.memory_space<vmem>> -> memref<1x2x128xi32, #tpu.memory_space<vmem>>
        %dma_start3A_140 = tpu.memref_squeeze %dma_start3A_139 : memref<1x2x128xi32, #tpu.memory_space<vmem>> -> memref<2x128xi32, #tpu.memory_space<vmem>>
        %dma_start3A_141 = arith.constant 0 : i32
        %dma_start3A_142 = arith.constant 0 : i32
        %dma_start3A_143 = tpu.memref_slice %arg3[%arg0, %arg1, %add3A_136, %dma_start3A_141, %dma_start3A_142] : memref<2x16x97x2x128xi32, #tpu.memory_space<hbm>> -> memref<1x1x1x2x128xi32, #tpu.memory_space<hbm>>
        %dma_start3A_144 = tpu.memref_squeeze %dma_start3A_143 : memref<1x1x1x2x128xi32, #tpu.memory_space<hbm>> -> memref<2x128xi32, #tpu.memory_space<hbm>>
        %dma_start3A_145 = tpu.memref_slice %arg9[%rem3A_95] : memref<2x!tpu.dma_semaphore, #tpu.memory_space<semaphore_mem>> -> memref<1x!tpu.dma_semaphore, #tpu.memory_space<semaphore_mem>>
        %dma_start3A_146 = tpu.memref_squeeze %dma_start3A_145 : memref<1x!tpu.dma_semaphore, #tpu.memory_space<semaphore_mem>> -> memref<!tpu.dma_semaphore, #tpu.memory_space<semaphore_mem>>
        %dma_start3A_147 = arith.constant 0 : i32
        %dma_start3A_148 = arith.constant 0 : i32
        %dma_start3A_149 = tpu.memref_slice %arg6[%rem3A_95, %dma_start3A_147, %dma_start3A_148] : memref<2x2x128xi32, #tpu.memory_space<vmem>> -> memref<1x2x128xi32, #tpu.memory_space<vmem>>
        %dma_start3A_150 = tpu.memref_squeeze %dma_start3A_149 : memref<1x2x128xi32, #tpu.memory_space<vmem>> -> memref<2x128xi32, #tpu.memory_space<vmem>>
        %dma_start3A_151 = arith.constant 0 : i32
        %dma_start3A_152 = arith.constant 0 : i32
        %dma_start3A_153 = tpu.memref_slice %arg3[%arg0, %arg1, %add3A_136, %dma_start3A_151, %dma_start3A_152] : memref<2x16x97x2x128xi32, #tpu.memory_space<hbm>> -> memref<1x1x1x2x128xi32, #tpu.memory_space<hbm>>
        %dma_start3A_154 = tpu.memref_squeeze %dma_start3A_153 : memref<1x1x1x2x128xi32, #tpu.memory_space<hbm>> -> memref<2x128xi32, #tpu.memory_space<hbm>>
        tpu.enqueue_dma source(%dma_start3A_154 : memref<2x128xi32, #tpu.memory_space<hbm>>) target(%dma_start3A_150 : memref<2x128xi32, #tpu.memory_space<vmem>>) target_semaphore(%dma_start3A_146 : memref<!tpu.dma_semaphore, #tpu.memory_space<semaphore_mem>>)
      } else {
      }
      %dma_wait3A_103 = arith.constant 0 : i32
      %dma_wait3A_104 = arith.constant 0 : i32
      %dma_wait3A_105 = arith.constant 0 : i32
      %dma_wait3A_106 = tpu.memref_slice %arg7[%rem3A_92, %dma_wait3A_104, %dma_wait3A_105] : memref<2x128x128xf32, #tpu.memory_space<vmem>> -> memref<1x128x128xf32, #tpu.memory_space<vmem>>
      %dma_wait3A_107 = tpu.memref_squeeze %dma_wait3A_106 : memref<1x128x128xf32, #tpu.memory_space<vmem>> -> memref<128x128xf32, #tpu.memory_space<vmem>>
      %dma_wait3A_108 = arith.constant 0 : i32
      %dma_wait3A_109 = tpu.memref_slice %arg6[%rem3A_92, %dma_wait3A_103, %dma_wait3A_108] : memref<2x2x128xi32, #tpu.memory_space<vmem>> -> memref<1x1x128xi32, #tpu.memory_space<vmem>>
      %dma_wait3A_110 = tpu.memref_squeeze %dma_wait3A_109 : memref<1x1x128xi32, #tpu.memory_space<vmem>> -> memref<128xi32, #tpu.memory_space<vmem>>
      %dma_wait3A_111 = arith.constant 0 : i32
      %dma_wait3A_112 = arith.constant 0 : i32
      %dma_wait3A_113 = tpu.memref_slice %arg2[%dma_wait3A_111, %dma_wait3A_112] : memref<10240x128xf32, #tpu.memory_space<hbm>> -> memref<10240x128xf32, #tpu.memory_space<hbm>>
      %dma_wait3A_114 = tpu.memref_slice %arg10[%rem3A_92] : memref<2x!tpu.dma_semaphore, #tpu.memory_space<semaphore_mem>> -> memref<1x!tpu.dma_semaphore, #tpu.memory_space<semaphore_mem>>
      %dma_wait3A_115 = tpu.memref_squeeze %dma_wait3A_114 : memref<1x!tpu.dma_semaphore, #tpu.memory_space<semaphore_mem>> -> memref<!tpu.dma_semaphore, #tpu.memory_space<semaphore_mem>>
      tpu.wait_indirect_dma semaphore(%dma_wait3A_115 : memref<!tpu.dma_semaphore, #tpu.memory_space<semaphore_mem>>) src(%dma_wait3A_113 : memref<10240x128xf32, #tpu.memory_space<hbm>>) dst(%dma_wait3A_107 : memref<128x128xf32, #tpu.memory_space<vmem>>)
      %dma_start3A_116 = arith.constant 1 : i32
      %dma_start3A_117 = arith.constant 0 : i32
      %dma_start3A_118 = arith.constant 0 : i32
      %dma_start3A_119 = tpu.memref_slice %arg7[%rem3A_92, %dma_start3A_117, %dma_start3A_118] : memref<2x128x128xf32, #tpu.memory_space<vmem>> -> memref<1x128x128xf32, #tpu.memory_space<vmem>>
      %dma_start3A_120 = tpu.memref_squeeze %dma_start3A_119 : memref<1x128x128xf32, #tpu.memory_space<vmem>> -> memref<128x128xf32, #tpu.memory_space<vmem>>
      %dma_start3A_121 = arith.constant 0 : i32
      %dma_start3A_122 = tpu.memref_slice %arg6[%rem3A_92, %dma_start3A_116, %dma_start3A_121] : memref<2x2x128xi32, #tpu.memory_space<vmem>> -> memref<1x1x128xi32, #tpu.memory_space<vmem>>
      %dma_start3A_123 = tpu.memref_squeeze %dma_start3A_122 : memref<1x1x128xi32, #tpu.memory_space<vmem>> -> memref<128xi32, #tpu.memory_space<vmem>>
      %dma_start3A_124 = arith.constant 0 : i32
      %dma_start3A_125 = arith.constant 0 : i32
      %dma_start3A_126 = tpu.memref_slice %arg8[%dma_start3A_124, %dma_start3A_125] : memref<10240x128xf32, #tpu.memory_space<vmem_shared>> -> memref<10240x128xf32, #tpu.memory_space<vmem_shared>>
      %dma_start3A_127 = tpu.memref_slice %arg11[%rem3A_92] : memref<2x!tpu.dma_semaphore, #tpu.memory_space<semaphore_mem>> -> memref<1x!tpu.dma_semaphore, #tpu.memory_space<semaphore_mem>>
      %dma_start3A_128 = tpu.memref_squeeze %dma_start3A_127 : memref<1x!tpu.dma_semaphore, #tpu.memory_space<semaphore_mem>> -> memref<!tpu.dma_semaphore, #tpu.memory_space<semaphore_mem>>
      tpu.enqueue_indirect_dma source(%dma_start3A_120 : memref<128x128xf32, #tpu.memory_space<vmem>>) target(%dma_start3A_126 : memref<10240x128xf32, #tpu.memory_space<vmem_shared>>) offsets(%dma_start3A_123 : memref<128xi32, #tpu.memory_space<vmem>>) semaphore(%dma_start3A_128 : memref<!tpu.dma_semaphore, #tpu.memory_space<semaphore_mem>>) {add = true}
      %add3A_129 = arith.constant 1 : i32
      %add3A_130 = arith.addi %while3A_90, %add3A_129 : i32
      %lt3A_131 = arith.cmpi slt, %add3A_130, %select_n3A : i32
      %convert_element_type3A_132 = arith.extui %lt3A_131 : i1 to i32
      %cond3A_133 = arith.constant 0 : i32
      %cond3A_134 = arith.cmpi ne, %convert_element_type3A_132, %cond3A_133 : i32
      scf.if %cond3A_134 {
        %dma_wait3A_135 = arith.constant 0 : i32
        %dma_wait3A_136 = arith.constant 0 : i32
        %dma_wait3A_137 = arith.constant 0 : i32
        %dma_wait3A_138 = tpu.memref_slice %arg6[%rem3A_95, %dma_wait3A_136, %dma_wait3A_137] : memref<2x2x128xi32, #tpu.memory_space<vmem>> -> memref<1x2x128xi32, #tpu.memory_space<vmem>>
        %dma_wait3A_139 = tpu.memref_squeeze %dma_wait3A_138 : memref<1x2x128xi32, #tpu.memory_space<vmem>> -> memref<2x128xi32, #tpu.memory_space<vmem>>
        %dma_wait3A_140 = arith.constant 0 : i32
        %dma_wait3A_141 = arith.constant 0 : i32
        %dma_wait3A_142 = tpu.memref_slice %arg3[%arg0, %arg1, %dma_wait3A_135, %dma_wait3A_140, %dma_wait3A_141] : memref<2x16x97x2x128xi32, #tpu.memory_space<hbm>> -> memref<1x1x1x2x128xi32, #tpu.memory_space<hbm>>
        %dma_wait3A_143 = tpu.memref_squeeze %dma_wait3A_142 : memref<1x1x1x2x128xi32, #tpu.memory_space<hbm>> -> memref<2x128xi32, #tpu.memory_space<hbm>>
        %dma_wait3A_144 = tpu.memref_slice %arg9[%rem3A_95] : memref<2x!tpu.dma_semaphore, #tpu.memory_space<semaphore_mem>> -> memref<1x!tpu.dma_semaphore, #tpu.memory_space<semaphore_mem>>
        %dma_wait3A_145 = tpu.memref_squeeze %dma_wait3A_144 : memref<1x!tpu.dma_semaphore, #tpu.memory_space<semaphore_mem>> -> memref<!tpu.dma_semaphore, #tpu.memory_space<semaphore_mem>>
        %dma_wait3A_146 = arith.constant 0 : i32
        %dma_wait3A_147 = arith.constant 0 : i32
        %dma_wait3A_148 = tpu.memref_slice %arg6[%rem3A_95, %dma_wait3A_146, %dma_wait3A_147] : memref<2x2x128xi32, #tpu.memory_space<vmem>> -> memref<1x2x128xi32, #tpu.memory_space<vmem>>
        %dma_wait3A_149 = tpu.memref_squeeze %dma_wait3A_148 : memref<1x2x128xi32, #tpu.memory_space<vmem>> -> memref<2x128xi32, #tpu.memory_space<vmem>>
        %dma_wait3A_150 = arith.constant 0 : i32
        %dma_wait3A_151 = arith.constant 0 : i32
        %dma_wait3A_152 = tpu.memref_slice %arg3[%arg0, %arg1, %dma_wait3A_135, %dma_wait3A_150, %dma_wait3A_151] : memref<2x16x97x2x128xi32, #tpu.memory_space<hbm>> -> memref<1x1x1x2x128xi32, #tpu.memory_space<hbm>>
        %dma_wait3A_153 = tpu.memref_squeeze %dma_wait3A_152 : memref<1x1x1x2x128xi32, #tpu.memory_space<hbm>> -> memref<2x128xi32, #tpu.memory_space<hbm>>
        tpu.wait_dma2 semaphore(%dma_wait3A_145 : memref<!tpu.dma_semaphore, #tpu.memory_space<semaphore_mem>>) src(%dma_wait3A_153 : memref<2x128xi32, #tpu.memory_space<hbm>>) dst(%dma_wait3A_149 : memref<2x128xi32, #tpu.memory_space<vmem>>)
        %dma_start3A_154 = arith.constant 0 : i32
        %dma_start3A_155 = arith.constant 0 : i32
        %dma_start3A_156 = arith.constant 0 : i32
        %dma_start3A_157 = tpu.memref_slice %arg7[%rem3A_95, %dma_start3A_155, %dma_start3A_156] : memref<2x128x128xf32, #tpu.memory_space<vmem>> -> memref<1x128x128xf32, #tpu.memory_space<vmem>>
        %dma_start3A_158 = tpu.memref_squeeze %dma_start3A_157 : memref<1x128x128xf32, #tpu.memory_space<vmem>> -> memref<128x128xf32, #tpu.memory_space<vmem>>
        %dma_start3A_159 = arith.constant 0 : i32
        %dma_start3A_160 = tpu.memref_slice %arg6[%rem3A_95, %dma_start3A_154, %dma_start3A_159] : memref<2x2x128xi32, #tpu.memory_space<vmem>> -> memref<1x1x128xi32, #tpu.memory_space<vmem>>
        %dma_start3A_161 = tpu.memref_squeeze %dma_start3A_160 : memref<1x1x128xi32, #tpu.memory_space<vmem>> -> memref<128xi32, #tpu.memory_space<vmem>>
        %dma_start3A_162 = arith.constant 0 : i32
        %dma_start3A_163 = arith.constant 0 : i32
        %dma_start3A_164 = tpu.memref_slice %arg2[%dma_start3A_162, %dma_start3A_163] : memref<10240x128xf32, #tpu.memory_space<hbm>> -> memref<10240x128xf32, #tpu.memory_space<hbm>>
        %dma_start3A_165 = tpu.memref_slice %arg10[%rem3A_95] : memref<2x!tpu.dma_semaphore, #tpu.memory_space<semaphore_mem>> -> memref<1x!tpu.dma_semaphore, #tpu.memory_space<semaphore_mem>>
        %dma_start3A_166 = tpu.memref_squeeze %dma_start3A_165 : memref<1x!tpu.dma_semaphore, #tpu.memory_space<semaphore_mem>> -> memref<!tpu.dma_semaphore, #tpu.memory_space<semaphore_mem>>
        tpu.enqueue_indirect_dma source(%dma_start3A_164 : memref<10240x128xf32, #tpu.memory_space<hbm>>) target(%dma_start3A_158 : memref<128x128xf32, #tpu.memory_space<vmem>>) offsets(%dma_start3A_161 : memref<128xi32, #tpu.memory_space<vmem>>) semaphore(%dma_start3A_166 : memref<!tpu.dma_semaphore, #tpu.memory_space<semaphore_mem>>)
      } else {
      }
    }
    %while3A_69 = arith.constant 1 : i32
    scf.for %while3A_90 = %while3A_67 to %while3A_63 step %while3A_69  : i32 {
      %rem3A_91 = arith.constant 2 : i32
      %rem3A_92 = arith.remsi %while3A_90, %rem3A_91 : i32
      %add3A = arith.constant 1 : i32
      %add3A_93 = arith.addi %while3A_90, %add3A : i32
      %rem3A_94 = arith.constant 2 : i32
      %rem3A_95 = arith.remsi %add3A_93, %rem3A_94 : i32
      %ge3A = arith.constant 1 : i32
      %ge3A_96 = arith.cmpi sge, %while3A_90, %ge3A : i32
      %convert_element_type3A = arith.extui %ge3A_96 : i1 to i32
      %cond3A = arith.constant 0 : i32
      %cond3A_97 = arith.cmpi ne, %convert_element_type3A, %cond3A : i32
      scf.if %cond3A_97 {
        %dma_wait3A_135 = arith.constant 1 : i32
        %dma_wait3A_136 = arith.constant 0 : i32
        %dma_wait3A_137 = arith.constant 0 : i32
        %dma_wait3A_138 = tpu.memref_slice %arg7[%rem3A_95, %dma_wait3A_136, %dma_wait3A_137] : memref<2x128x128xf32, #tpu.memory_space<vmem>> -> memref<1x128x128xf32, #tpu.memory_space<vmem>>
        %dma_wait3A_139 = tpu.memref_squeeze %dma_wait3A_138 : memref<1x128x128xf32, #tpu.memory_space<vmem>> -> memref<128x128xf32, #tpu.memory_space<vmem>>
        %dma_wait3A_140 = arith.constant 0 : i32
        %dma_wait3A_141 = tpu.memref_slice %arg6[%rem3A_95, %dma_wait3A_135, %dma_wait3A_140] : memref<2x2x128xi32, #tpu.memory_space<vmem>> -> memref<1x1x128xi32, #tpu.memory_space<vmem>>
        %dma_wait3A_142 = tpu.memref_squeeze %dma_wait3A_141 : memref<1x1x128xi32, #tpu.memory_space<vmem>> -> memref<128xi32, #tpu.memory_space<vmem>>
        %dma_wait3A_143 = arith.constant 0 : i32
        %dma_wait3A_144 = arith.constant 0 : i32
        %dma_wait3A_145 = tpu.memref_slice %arg8[%dma_wait3A_143, %dma_wait3A_144] : memref<10240x128xf32, #tpu.memory_space<vmem_shared>> -> memref<10240x128xf32, #tpu.memory_space<vmem_shared>>
        %dma_wait3A_146 = tpu.memref_slice %arg11[%rem3A_95] : memref<2x!tpu.dma_semaphore, #tpu.memory_space<semaphore_mem>> -> memref<1x!tpu.dma_semaphore, #tpu.memory_space<semaphore_mem>>
        %dma_wait3A_147 = tpu.memref_squeeze %dma_wait3A_146 : memref<1x!tpu.dma_semaphore, #tpu.memory_space<semaphore_mem>> -> memref<!tpu.dma_semaphore, #tpu.memory_space<semaphore_mem>>
        tpu.wait_indirect_dma semaphore(%dma_wait3A_147 : memref<!tpu.dma_semaphore, #tpu.memory_space<semaphore_mem>>) src(%dma_wait3A_139 : memref<128x128xf32, #tpu.memory_space<vmem>>) dst(%dma_wait3A_145 : memref<10240x128xf32, #tpu.memory_space<vmem_shared>>)
      } else {
      }
      %add3A_98 = arith.constant 1 : i32
      %add3A_99 = arith.addi %while3A_90, %add3A_98 : i32
      %lt3A = arith.cmpi slt, %add3A_99, %select_n3A : i32
      %convert_element_type3A_100 = arith.extui %lt3A : i1 to i32
      %cond3A_101 = arith.constant 0 : i32
      %cond3A_102 = arith.cmpi ne, %convert_element_type3A_100, %cond3A_101 : i32
      scf.if %cond3A_102 {
        %add3A_135 = arith.constant 1 : i32
        %add3A_136 = arith.addi %while3A_90, %add3A_135 : i32
        %dma_start3A_137 = arith.constant 0 : i32
        %dma_start3A_138 = arith.constant 0 : i32
        %dma_start3A_139 = tpu.memref_slice %arg6[%rem3A_95, %dma_start3A_137, %dma_start3A_138] : memref<2x2x128xi32, #tpu.memory_space<vmem>> -> memref<1x2x128xi32, #tpu.memory_space<vmem>>
        %dma_start3A_140 = tpu.memref_squeeze %dma_start3A_139 : memref<1x2x128xi32, #tpu.memory_space<vmem>> -> memref<2x128xi32, #tpu.memory_space<vmem>>
        %dma_start3A_141 = arith.constant 0 : i32
        %dma_start3A_142 = arith.constant 0 : i32
        %dma_start3A_143 = tpu.memref_slice %arg3[%arg0, %arg1, %add3A_136, %dma_start3A_141, %dma_start3A_142] : memref<2x16x97x2x128xi32, #tpu.memory_space<hbm>> -> memref<1x1x1x2x128xi32, #tpu.memory_space<hbm>>
        %dma_start3A_144 = tpu.memref_squeeze %dma_start3A_143 : memref<1x1x1x2x128xi32, #tpu.memory_space<hbm>> -> memref<2x128xi32, #tpu.memory_space<hbm>>
        %dma_start3A_145 = tpu.memref_slice %arg9[%rem3A_95] : memref<2x!tpu.dma_semaphore, #tpu.memory_space<semaphore_mem>> -> memref<1x!tpu.dma_semaphore, #tpu.memory_space<semaphore_mem>>
        %dma_start3A_146 = tpu.memref_squeeze %dma_start3A_145 : memref<1x!tpu.dma_semaphore, #tpu.memory_space<semaphore_mem>> -> memref<!tpu.dma_semaphore, #tpu.memory_space<semaphore_mem>>
        %dma_start3A_147 = arith.constant 0 : i32
        %dma_start3A_148 = arith.constant 0 : i32
        %dma_start3A_149 = tpu.memref_slice %arg6[%rem3A_95, %dma_start3A_147, %dma_start3A_148] : memref<2x2x128xi32, #tpu.memory_space<vmem>> -> memref<1x2x128xi32, #tpu.memory_space<vmem>>
        %dma_start3A_150 = tpu.memref_squeeze %dma_start3A_149 : memref<1x2x128xi32, #tpu.memory_space<vmem>> -> memref<2x128xi32, #tpu.memory_space<vmem>>
        %dma_start3A_151 = arith.constant 0 : i32
        %dma_start3A_152 = arith.constant 0 : i32
        %dma_start3A_153 = tpu.memref_slice %arg3[%arg0, %arg1, %add3A_136, %dma_start3A_151, %dma_start3A_152] : memref<2x16x97x2x128xi32, #tpu.memory_space<hbm>> -> memref<1x1x1x2x128xi32, #tpu.memory_space<hbm>>
        %dma_start3A_154 = tpu.memref_squeeze %dma_start3A_153 : memref<1x1x1x2x128xi32, #tpu.memory_space<hbm>> -> memref<2x128xi32, #tpu.memory_space<hbm>>
        tpu.enqueue_dma source(%dma_start3A_154 : memref<2x128xi32, #tpu.memory_space<hbm>>) target(%dma_start3A_150 : memref<2x128xi32, #tpu.memory_space<vmem>>) target_semaphore(%dma_start3A_146 : memref<!tpu.dma_semaphore, #tpu.memory_space<semaphore_mem>>)
      } else {
      }
      %dma_wait3A_103 = arith.constant 0 : i32
      %dma_wait3A_104 = arith.constant 0 : i32
      %dma_wait3A_105 = arith.constant 0 : i32
      %dma_wait3A_106 = tpu.memref_slice %arg7[%rem3A_92, %dma_wait3A_104, %dma_wait3A_105] : memref<2x128x128xf32, #tpu.memory_space<vmem>> -> memref<1x128x128xf32, #tpu.memory_space<vmem>>
      %dma_wait3A_107 = tpu.memref_squeeze %dma_wait3A_106 : memref<1x128x128xf32, #tpu.memory_space<vmem>> -> memref<128x128xf32, #tpu.memory_space<vmem>>
      %dma_wait3A_108 = arith.constant 0 : i32
      %dma_wait3A_109 = tpu.memref_slice %arg6[%rem3A_92, %dma_wait3A_103, %dma_wait3A_108] : memref<2x2x128xi32, #tpu.memory_space<vmem>> -> memref<1x1x128xi32, #tpu.memory_space<vmem>>
      %dma_wait3A_110 = tpu.memref_squeeze %dma_wait3A_109 : memref<1x1x128xi32, #tpu.memory_space<vmem>> -> memref<128xi32, #tpu.memory_space<vmem>>
      %dma_wait3A_111 = arith.constant 0 : i32
      %dma_wait3A_112 = arith.constant 0 : i32
      %dma_wait3A_113 = tpu.memref_slice %arg2[%dma_wait3A_111, %dma_wait3A_112] : memref<10240x128xf32, #tpu.memory_space<hbm>> -> memref<10240x128xf32, #tpu.memory_space<hbm>>
      %dma_wait3A_114 = tpu.memref_slice %arg10[%rem3A_92] : memref<2x!tpu.dma_semaphore, #tpu.memory_space<semaphore_mem>> -> memref<1x!tpu.dma_semaphore, #tpu.memory_space<semaphore_mem>>
      %dma_wait3A_115 = tpu.memref_squeeze %dma_wait3A_114 : memref<1x!tpu.dma_semaphore, #tpu.memory_space<semaphore_mem>> -> memref<!tpu.dma_semaphore, #tpu.memory_space<semaphore_mem>>
      tpu.wait_indirect_dma semaphore(%dma_wait3A_115 : memref<!tpu.dma_semaphore, #tpu.memory_space<semaphore_mem>>) src(%dma_wait3A_113 : memref<10240x128xf32, #tpu.memory_space<hbm>>) dst(%dma_wait3A_107 : memref<128x128xf32, #tpu.memory_space<vmem>>)
      %dma_start3A_116 = arith.constant 1 : i32
      %dma_start3A_117 = arith.constant 0 : i32
      %dma_start3A_118 = arith.constant 0 : i32
      %dma_start3A_119 = tpu.memref_slice %arg7[%rem3A_92, %dma_start3A_117, %dma_start3A_118] : memref<2x128x128xf32, #tpu.memory_space<vmem>> -> memref<1x128x128xf32, #tpu.memory_space<vmem>>
      %dma_start3A_120 = tpu.memref_squeeze %dma_start3A_119 : memref<1x128x128xf32, #tpu.memory_space<vmem>> -> memref<128x128xf32, #tpu.memory_space<vmem>>
      %dma_start3A_121 = arith.constant 0 : i32
      %dma_start3A_122 = tpu.memref_slice %arg6[%rem3A_92, %dma_start3A_116, %dma_start3A_121] : memref<2x2x128xi32, #tpu.memory_space<vmem>> -> memref<1x1x128xi32, #tpu.memory_space<vmem>>
      %dma_start3A_123 = tpu.memref_squeeze %dma_start3A_122 : memref<1x1x128xi32, #tpu.memory_space<vmem>> -> memref<128xi32, #tpu.memory_space<vmem>>
      %dma_start3A_124 = arith.constant 0 : i32
      %dma_start3A_125 = arith.constant 0 : i32
      %dma_start3A_126 = tpu.memref_slice %arg8[%dma_start3A_124, %dma_start3A_125] : memref<10240x128xf32, #tpu.memory_space<vmem_shared>> -> memref<10240x128xf32, #tpu.memory_space<vmem_shared>>
      %dma_start3A_127 = tpu.memref_slice %arg11[%rem3A_92] : memref<2x!tpu.dma_semaphore, #tpu.memory_space<semaphore_mem>> -> memref<1x!tpu.dma_semaphore, #tpu.memory_space<semaphore_mem>>
      %dma_start3A_128 = tpu.memref_squeeze %dma_start3A_127 : memref<1x!tpu.dma_semaphore, #tpu.memory_space<semaphore_mem>> -> memref<!tpu.dma_semaphore, #tpu.memory_space<semaphore_mem>>
      tpu.enqueue_indirect_dma source(%dma_start3A_120 : memref<128x128xf32, #tpu.memory_space<vmem>>) target(%dma_start3A_126 : memref<10240x128xf32, #tpu.memory_space<vmem_shared>>) offsets(%dma_start3A_123 : memref<128xi32, #tpu.memory_space<vmem>>) semaphore(%dma_start3A_128 : memref<!tpu.dma_semaphore, #tpu.memory_space<semaphore_mem>>) {add = true}
      %add3A_129 = arith.constant 1 : i32
      %add3A_130 = arith.addi %while3A_90, %add3A_129 : i32
      %lt3A_131 = arith.cmpi slt, %add3A_130, %select_n3A : i32
      %convert_element_type3A_132 = arith.extui %lt3A_131 : i1 to i32
      %cond3A_133 = arith.constant 0 : i32
      %cond3A_134 = arith.cmpi ne, %convert_element_type3A_132, %cond3A_133 : i32
      scf.if %cond3A_134 {
        %dma_wait3A_135 = arith.constant 0 : i32
        %dma_wait3A_136 = arith.constant 0 : i32
        %dma_wait3A_137 = arith.constant 0 : i32
        %dma_wait3A_138 = tpu.memref_slice %arg6[%rem3A_95, %dma_wait3A_136, %dma_wait3A_137] : memref<2x2x128xi32, #tpu.memory_space<vmem>> -> memref<1x2x128xi32, #tpu.memory_space<vmem>>
        %dma_wait3A_139 = tpu.memref_squeeze %dma_wait3A_138 : memref<1x2x128xi32, #tpu.memory_space<vmem>> -> memref<2x128xi32, #tpu.memory_space<vmem>>
        %dma_wait3A_140 = arith.constant 0 : i32
        %dma_wait3A_141 = arith.constant 0 : i32
        %dma_wait3A_142 = tpu.memref_slice %arg3[%arg0, %arg1, %dma_wait3A_135, %dma_wait3A_140, %dma_wait3A_141] : memref<2x16x97x2x128xi32, #tpu.memory_space<hbm>> -> memref<1x1x1x2x128xi32, #tpu.memory_space<hbm>>
        %dma_wait3A_143 = tpu.memref_squeeze %dma_wait3A_142 : memref<1x1x1x2x128xi32, #tpu.memory_space<hbm>> -> memref<2x128xi32, #tpu.memory_space<hbm>>
        %dma_wait3A_144 = tpu.memref_slice %arg9[%rem3A_95] : memref<2x!tpu.dma_semaphore, #tpu.memory_space<semaphore_mem>> -> memref<1x!tpu.dma_semaphore, #tpu.memory_space<semaphore_mem>>
        %dma_wait3A_145 = tpu.memref_squeeze %dma_wait3A_144 : memref<1x!tpu.dma_semaphore, #tpu.memory_space<semaphore_mem>> -> memref<!tpu.dma_semaphore, #tpu.memory_space<semaphore_mem>>
        %dma_wait3A_146 = arith.constant 0 : i32
        %dma_wait3A_147 = arith.constant 0 : i32
        %dma_wait3A_148 = tpu.memref_slice %arg6[%rem3A_95, %dma_wait3A_146, %dma_wait3A_147] : memref<2x2x128xi32, #tpu.memory_space<vmem>> -> memref<1x2x128xi32, #tpu.memory_space<vmem>>
        %dma_wait3A_149 = tpu.memref_squeeze %dma_wait3A_148 : memref<1x2x128xi32, #tpu.memory_space<vmem>> -> memref<2x128xi32, #tpu.memory_space<vmem>>
        %dma_wait3A_150 = arith.constant 0 : i32
        %dma_wait3A_151 = arith.constant 0 : i32
        %dma_wait3A_152 = tpu.memref_slice %arg3[%arg0, %arg1, %dma_wait3A_135, %dma_wait3A_150, %dma_wait3A_151] : memref<2x16x97x2x128xi32, #tpu.memory_space<hbm>> -> memref<1x1x1x2x128xi32, #tpu.memory_space<hbm>>
        %dma_wait3A_153 = tpu.memref_squeeze %dma_wait3A_152 : memref<1x1x1x2x128xi32, #tpu.memory_space<hbm>> -> memref<2x128xi32, #tpu.memory_space<hbm>>
        tpu.wait_dma2 semaphore(%dma_wait3A_145 : memref<!tpu.dma_semaphore, #tpu.memory_space<semaphore_mem>>) src(%dma_wait3A_153 : memref<2x128xi32, #tpu.memory_space<hbm>>) dst(%dma_wait3A_149 : memref<2x128xi32, #tpu.memory_space<vmem>>)
        %dma_start3A_154 = arith.constant 0 : i32
        %dma_start3A_155 = arith.constant 0 : i32
        %dma_start3A_156 = arith.constant 0 : i32
        %dma_start3A_157 = tpu.memref_slice %arg7[%rem3A_95, %dma_start3A_155, %dma_start3A_156] : memref<2x128x128xf32, #tpu.memory_space<vmem>> -> memref<1x128x128xf32, #tpu.memory_space<vmem>>
        %dma_start3A_158 = tpu.memref_squeeze %dma_start3A_157 : memref<1x128x128xf32, #tpu.memory_space<vmem>> -> memref<128x128xf32, #tpu.memory_space<vmem>>
        %dma_start3A_159 = arith.constant 0 : i32
        %dma_start3A_160 = tpu.memref_slice %arg6[%rem3A_95, %dma_start3A_154, %dma_start3A_159] : memref<2x2x128xi32, #tpu.memory_space<vmem>> -> memref<1x1x128xi32, #tpu.memory_space<vmem>>
        %dma_start3A_161 = tpu.memref_squeeze %dma_start3A_160 : memref<1x1x128xi32, #tpu.memory_space<vmem>> -> memref<128xi32, #tpu.memory_space<vmem>>
        %dma_start3A_162 = arith.constant 0 : i32
        %dma_start3A_163 = arith.constant 0 : i32
        %dma_start3A_164 = tpu.memref_slice %arg2[%dma_start3A_162, %dma_start3A_163] : memref<10240x128xf32, #tpu.memory_space<hbm>> -> memref<10240x128xf32, #tpu.memory_space<hbm>>
        %dma_start3A_165 = tpu.memref_slice %arg10[%rem3A_95] : memref<2x!tpu.dma_semaphore, #tpu.memory_space<semaphore_mem>> -> memref<1x!tpu.dma_semaphore, #tpu.memory_space<semaphore_mem>>
        %dma_start3A_166 = tpu.memref_squeeze %dma_start3A_165 : memref<1x!tpu.dma_semaphore, #tpu.memory_space<semaphore_mem>> -> memref<!tpu.dma_semaphore, #tpu.memory_space<semaphore_mem>>
        tpu.enqueue_indirect_dma source(%dma_start3A_164 : memref<10240x128xf32, #tpu.memory_space<hbm>>) target(%dma_start3A_158 : memref<128x128xf32, #tpu.memory_space<vmem>>) offsets(%dma_start3A_161 : memref<128xi32, #tpu.memory_space<vmem>>) semaphore(%dma_start3A_166 : memref<!tpu.dma_semaphore, #tpu.memory_space<semaphore_mem>>)
      } else {
      }
    }
    %sub3A = arith.constant 1 : i32
    %sub3A_70 = arith.subi %select_n3A, %sub3A : i32
    %rem3A = arith.constant 2 : i32
    %rem3A_71 = arith.remsi %sub3A_70, %rem3A : i32
    %dma_wait3A_72 = arith.constant 1 : i32
    %dma_wait3A_73 = arith.constant 0 : i32
    %dma_wait3A_74 = arith.constant 0 : i32
    %dma_wait3A_75 = tpu.memref_slice %arg7[%rem3A_71, %dma_wait3A_73, %dma_wait3A_74] : memref<2x128x128xf32, #tpu.memory_space<vmem>> -> memref<1x128x128xf32, #tpu.memory_space<vmem>>
    %dma_wait3A_76 = tpu.memref_squeeze %dma_wait3A_75 : memref<1x128x128xf32, #tpu.memory_space<vmem>> -> memref<128x128xf32, #tpu.memory_space<vmem>>
    %dma_wait3A_77 = arith.constant 0 : i32
    %dma_wait3A_78 = tpu.memref_slice %arg6[%rem3A_71, %dma_wait3A_72, %dma_wait3A_77] : memref<2x2x128xi32, #tpu.memory_space<vmem>> -> memref<1x1x128xi32, #tpu.memory_space<vmem>>
    %dma_wait3A_79 = tpu.memref_squeeze %dma_wait3A_78 : memref<1x1x128xi32, #tpu.memory_space<vmem>> -> memref<128xi32, #tpu.memory_space<vmem>>
    %dma_wait3A_80 = arith.constant 0 : i32
    %dma_wait3A_81 = arith.constant 0 : i32
    %dma_wait3A_82 = tpu.memref_slice %arg8[%dma_wait3A_80, %dma_wait3A_81] : memref<10240x128xf32, #tpu.memory_space<vmem_shared>> -> memref<10240x128xf32, #tpu.memory_space<vmem_shared>>
    %dma_wait3A_83 = tpu.memref_slice %arg11[%rem3A_71] : memref<2x!tpu.dma_semaphore, #tpu.memory_space<semaphore_mem>> -> memref<1x!tpu.dma_semaphore, #tpu.memory_space<semaphore_mem>>
    %dma_wait3A_84 = tpu.memref_squeeze %dma_wait3A_83 : memref<1x!tpu.dma_semaphore, #tpu.memory_space<semaphore_mem>> -> memref<!tpu.dma_semaphore, #tpu.memory_space<semaphore_mem>>
    tpu.wait_indirect_dma semaphore(%dma_wait3A_84 : memref<!tpu.dma_semaphore, #tpu.memory_space<semaphore_mem>>) src(%dma_wait3A_76 : memref<128x128xf32, #tpu.memory_space<vmem>>) dst(%dma_wait3A_82 : memref<10240x128xf32, #tpu.memory_space<vmem_shared>>)
    %barrier3A_85 = arith.constant 0 : index
    tpu.barrier barrier_id(%barrier3A_85)
    %mul3A_86 = arith.constant 640 : i32
    %mul3A_87 = arith.muli %arg1, %mul3A_86 : i32
    %mul3A_88 = arith.constant 640 : i32
    %mul3A_89 = arith.muli %arg1, %mul3A_88 : i32
    "tpu.region"() ({
      %run_scoped3A = tpu.sem_alloc : memref<!tpu.dma_semaphore, #tpu.memory_space<semaphore_mem>>
      %dma_start3A_90 = arith.constant 0 : i32
      %dma_start3A_91 = tpu.memref_slice %arg5[%arg0, %mul3A_89, %dma_start3A_90] : memref<2x10240x128xf32, #tpu.memory_space<hbm>> -> memref<1x640x128xf32, #tpu.memory_space<hbm>>
      %dma_start3A_92 = tpu.memref_squeeze %dma_start3A_91 : memref<1x640x128xf32, #tpu.memory_space<hbm>> -> memref<640x128xf32, #tpu.memory_space<hbm>>
      %dma_start3A_93 = arith.constant 0 : i32
      %dma_start3A_94 = tpu.memref_slice %arg8[%mul3A_87, %dma_start3A_93] : memref<10240x128xf32, #tpu.memory_space<vmem_shared>> -> memref<640x128xf32, #tpu.memory_space<vmem_shared>>
      tpu.enqueue_dma source(%dma_start3A_94 : memref<640x128xf32, #tpu.memory_space<vmem_shared>>) target(%dma_start3A_92 : memref<640x128xf32, #tpu.memory_space<hbm>>) target_semaphore(%run_scoped3A : memref<!tpu.dma_semaphore, #tpu.memory_space<semaphore_mem>>)
      %dma_wait3A_95 = arith.constant 0 : i32
      %dma_wait3A_96 = tpu.memref_slice %arg5[%arg0, %mul3A_89, %dma_wait3A_95] : memref<2x10240x128xf32, #tpu.memory_space<hbm>> -> memref<1x640x128xf32, #tpu.memory_space<hbm>>
      %dma_wait3A_97 = tpu.memref_squeeze %dma_wait3A_96 : memref<1x640x128xf32, #tpu.memory_space<hbm>> -> memref<640x128xf32, #tpu.memory_space<hbm>>
      %dma_wait3A_98 = arith.constant 0 : i32
      %dma_wait3A_99 = tpu.memref_slice %arg8[%mul3A_87, %dma_wait3A_98] : memref<10240x128xf32, #tpu.memory_space<vmem_shared>> -> memref<640x128xf32, #tpu.memory_space<vmem_shared>>
      tpu.wait_dma2 semaphore(%run_scoped3A : memref<!tpu.dma_semaphore, #tpu.memory_space<semaphore_mem>>) src(%dma_wait3A_99 : memref<640x128xf32, #tpu.memory_space<vmem_shared>>) dst(%dma_wait3A_97 : memref<640x128xf32, #tpu.memory_space<hbm>>)
      tpu.yield
    }) : () -> ()
    return
  }
}

#map = affine_map<(d0, d1) -> (0, 0, 0, 0)>
#map1 = affine_map<(d0, d1) -> (0, 0)>
#map2 = affine_map<(d0, d1) -> (0, 0, 0)>
module attributes {stable_mosaic.version = 14 : i64} {
  func.func @sage_sc_deg(%arg0: i32, %arg1: i32, %arg2: memref<2x16x79x128xi32, #tpu.memory_space<hbm>>, %arg3: memref<10240x128xf32, #tpu.memory_space<hbm>>, %arg4: memref<128x128xf32, #tpu.memory_space<hbm>>, %arg5: memref<2x10240x128xf32, #tpu.memory_space<hbm>>, %arg6: memref<79x128xi32, #tpu.memory_space<vmem>>, %arg7: memref<128x128xf32, #tpu.memory_space<vmem>>, %arg8: memref<10240x128xf32, #tpu.memory_space<vmem_shared>>, %arg9: memref<2x!tpu.dma_semaphore, #tpu.memory_space<semaphore_mem>>) attributes {dimension_semantics = [#tpu.dimension_semantics<core_parallel>, #tpu.dimension_semantics<subcore_parallel>], iteration_bounds = array<i64: 2, 16>, scalar_prefetch = 0 : i64, scratch_operands = 4 : i64, tpu.core_type = #tpu.core_type<sc_vector_subcore>, window_params = [{transform_indices = #map}, {transform_indices = #map1}, {transform_indices = #map1}, {transform_indices = #map2}]} {
    %mul3A = arith.constant 640 : i32
    %mul3A_0 = arith.muli %arg1, %mul3A : i32
    %mul3A_1 = arith.constant 640 : i32
    %mul3A_2 = arith.muli %arg1, %mul3A_1 : i32
    "tpu.region"() ({
      %run_scoped3A = tpu.sem_alloc : memref<!tpu.dma_semaphore, #tpu.memory_space<semaphore_mem>>
      %dma_start3A = arith.constant 0 : i32
      %dma_start3A_32 = tpu.memref_slice %arg8[%mul3A_2, %dma_start3A] : memref<10240x128xf32, #tpu.memory_space<vmem_shared>> -> memref<640x128xf32, #tpu.memory_space<vmem_shared>>
      %dma_start3A_33 = arith.constant 0 : i32
      %dma_start3A_34 = tpu.memref_slice %arg3[%mul3A_0, %dma_start3A_33] : memref<10240x128xf32, #tpu.memory_space<hbm>> -> memref<640x128xf32, #tpu.memory_space<hbm>>
      tpu.enqueue_dma source(%dma_start3A_34 : memref<640x128xf32, #tpu.memory_space<hbm>>) target(%dma_start3A_32 : memref<640x128xf32, #tpu.memory_space<vmem_shared>>) target_semaphore(%run_scoped3A : memref<!tpu.dma_semaphore, #tpu.memory_space<semaphore_mem>>)
      %dma_wait3A_35 = arith.constant 0 : i32
      %dma_wait3A_36 = tpu.memref_slice %arg8[%mul3A_2, %dma_wait3A_35] : memref<10240x128xf32, #tpu.memory_space<vmem_shared>> -> memref<640x128xf32, #tpu.memory_space<vmem_shared>>
      %dma_wait3A_37 = arith.constant 0 : i32
      %dma_wait3A_38 = tpu.memref_slice %arg3[%mul3A_0, %dma_wait3A_37] : memref<10240x128xf32, #tpu.memory_space<hbm>> -> memref<640x128xf32, #tpu.memory_space<hbm>>
      tpu.wait_dma2 semaphore(%run_scoped3A : memref<!tpu.dma_semaphore, #tpu.memory_space<semaphore_mem>>) src(%dma_wait3A_38 : memref<640x128xf32, #tpu.memory_space<hbm>>) dst(%dma_wait3A_36 : memref<640x128xf32, #tpu.memory_space<vmem_shared>>)
      tpu.yield
    }) : () -> ()
    "tpu.region"() ({
      %run_scoped3A = tpu.sem_alloc : memref<!tpu.dma_semaphore, #tpu.memory_space<semaphore_mem>>
      tpu.enqueue_dma source(%arg4 : memref<128x128xf32, #tpu.memory_space<hbm>>) target(%arg7 : memref<128x128xf32, #tpu.memory_space<vmem>>) target_semaphore(%run_scoped3A : memref<!tpu.dma_semaphore, #tpu.memory_space<semaphore_mem>>)
      tpu.wait_dma2 semaphore(%run_scoped3A : memref<!tpu.dma_semaphore, #tpu.memory_space<semaphore_mem>>) src(%arg4 : memref<128x128xf32, #tpu.memory_space<hbm>>) dst(%arg7 : memref<128x128xf32, #tpu.memory_space<vmem>>)
      tpu.yield
    }) : () -> ()
    "tpu.region"() ({
      %run_scoped3A = tpu.sem_alloc : memref<!tpu.dma_semaphore, #tpu.memory_space<semaphore_mem>>
      %dma_start3A = arith.constant 0 : i32
      %dma_start3A_32 = arith.constant 0 : i32
      %dma_start3A_33 = tpu.memref_slice %arg2[%arg0, %arg1, %dma_start3A, %dma_start3A_32] : memref<2x16x79x128xi32, #tpu.memory_space<hbm>> -> memref<1x1x79x128xi32, #tpu.memory_space<hbm>>
      %dma_start3A_34 = tpu.memref_squeeze %dma_start3A_33 : memref<1x1x79x128xi32, #tpu.memory_space<hbm>> -> memref<79x128xi32, #tpu.memory_space<hbm>>
      %dma_start3A_35 = arith.constant 0 : i32
      %dma_start3A_36 = arith.constant 0 : i32
      %dma_start3A_37 = tpu.memref_slice %arg2[%arg0, %arg1, %dma_start3A_35, %dma_start3A_36] : memref<2x16x79x128xi32, #tpu.memory_space<hbm>> -> memref<1x1x79x128xi32, #tpu.memory_space<hbm>>
      %dma_start3A_38 = tpu.memref_squeeze %dma_start3A_37 : memref<1x1x79x128xi32, #tpu.memory_space<hbm>> -> memref<79x128xi32, #tpu.memory_space<hbm>>
      tpu.enqueue_dma source(%dma_start3A_38 : memref<79x128xi32, #tpu.memory_space<hbm>>) target(%arg6 : memref<79x128xi32, #tpu.memory_space<vmem>>) target_semaphore(%run_scoped3A : memref<!tpu.dma_semaphore, #tpu.memory_space<semaphore_mem>>)
      %dma_wait3A_39 = arith.constant 0 : i32
      %dma_wait3A_40 = arith.constant 0 : i32
      %dma_wait3A_41 = tpu.memref_slice %arg2[%arg0, %arg1, %dma_wait3A_39, %dma_wait3A_40] : memref<2x16x79x128xi32, #tpu.memory_space<hbm>> -> memref<1x1x79x128xi32, #tpu.memory_space<hbm>>
      %dma_wait3A_42 = tpu.memref_squeeze %dma_wait3A_41 : memref<1x1x79x128xi32, #tpu.memory_space<hbm>> -> memref<79x128xi32, #tpu.memory_space<hbm>>
      %dma_wait3A_43 = arith.constant 0 : i32
      %dma_wait3A_44 = arith.constant 0 : i32
      %dma_wait3A_45 = tpu.memref_slice %arg2[%arg0, %arg1, %dma_wait3A_43, %dma_wait3A_44] : memref<2x16x79x128xi32, #tpu.memory_space<hbm>> -> memref<1x1x79x128xi32, #tpu.memory_space<hbm>>
      %dma_wait3A_46 = tpu.memref_squeeze %dma_wait3A_45 : memref<1x1x79x128xi32, #tpu.memory_space<hbm>> -> memref<79x128xi32, #tpu.memory_space<hbm>>
      tpu.wait_dma2 semaphore(%run_scoped3A : memref<!tpu.dma_semaphore, #tpu.memory_space<semaphore_mem>>) src(%dma_wait3A_46 : memref<79x128xi32, #tpu.memory_space<hbm>>) dst(%arg6 : memref<79x128xi32, #tpu.memory_space<vmem>>)
      tpu.yield
    }) : () -> ()
    %barrier3A = arith.constant 0 : index
    tpu.barrier barrier_id(%barrier3A)
    %scan3A = arith.constant 0 : i32
    %scan3A_3 = arith.constant 0 : i32
    %scan3A_4 = arith.constant 79 : i32
    %scan3A_5 = arith.addi %scan3A_3, %scan3A_4 : i32
    %scan3A_6 = arith.constant 1 : i32
    scf.for %scan3A_32 = %scan3A_3 to %scan3A_5 step %scan3A_6  : i32 {
      %rem3A = arith.constant 2 : i32
      %rem3A_33 = arith.remsi %scan3A_32, %rem3A : i32
      %ge3A = arith.constant 2 : i32
      %ge3A_34 = arith.cmpi sge, %scan3A_32, %ge3A : i32
      %convert_element_type3A = arith.extui %ge3A_34 : i1 to i32
      %cond3A = arith.constant 0 : i32
      %cond3A_35 = arith.cmpi ne, %convert_element_type3A, %cond3A : i32
      scf.if %cond3A_35 {
        %sub3A = arith.constant 2 : i32
        %sub3A_43 = arith.subi %scan3A_32, %sub3A : i32
        %dma_wait3A_44 = arith.constant 0 : i32
        %dma_wait3A_45 = tpu.memref_slice %arg6[%sub3A_43, %dma_wait3A_44] : memref<79x128xi32, #tpu.memory_space<vmem>> -> memref<1x128xi32, #tpu.memory_space<vmem>>
        %dma_wait3A_46 = tpu.memref_squeeze %dma_wait3A_45 : memref<1x128xi32, #tpu.memory_space<vmem>> -> memref<128xi32, #tpu.memory_space<vmem>>
        %dma_wait3A_47 = arith.constant 0 : i32
        %dma_wait3A_48 = arith.constant 0 : i32
        %dma_wait3A_49 = tpu.memref_slice %arg8[%dma_wait3A_47, %dma_wait3A_48] : memref<10240x128xf32, #tpu.memory_space<vmem_shared>> -> memref<10240x128xf32, #tpu.memory_space<vmem_shared>>
        %dma_wait3A_50 = tpu.memref_slice %arg9[%rem3A_33] : memref<2x!tpu.dma_semaphore, #tpu.memory_space<semaphore_mem>> -> memref<1x!tpu.dma_semaphore, #tpu.memory_space<semaphore_mem>>
        %dma_wait3A_51 = tpu.memref_squeeze %dma_wait3A_50 : memref<1x!tpu.dma_semaphore, #tpu.memory_space<semaphore_mem>> -> memref<!tpu.dma_semaphore, #tpu.memory_space<semaphore_mem>>
        tpu.wait_indirect_dma semaphore(%dma_wait3A_51 : memref<!tpu.dma_semaphore, #tpu.memory_space<semaphore_mem>>) src(%arg7 : memref<128x128xf32, #tpu.memory_space<vmem>>) dst(%dma_wait3A_49 : memref<10240x128xf32, #tpu.memory_space<vmem_shared>>)
      } else {
      }
      %dma_start3A = arith.constant 0 : i32
      %dma_start3A_36 = tpu.memref_slice %arg6[%scan3A_32, %dma_start3A] : memref<79x128xi32, #tpu.memory_space<vmem>> -> memref<1x128xi32, #tpu.memory_space<vmem>>
      %dma_start3A_37 = tpu.memref_squeeze %dma_start3A_36 : memref<1x128xi32, #tpu.memory_space<vmem>> -> memref<128xi32, #tpu.memory_space<vmem>>
      %dma_start3A_38 = arith.constant 0 : i32
      %dma_start3A_39 = arith.constant 0 : i32
      %dma_start3A_40 = tpu.memref_slice %arg8[%dma_start3A_38, %dma_start3A_39] : memref<10240x128xf32, #tpu.memory_space<vmem_shared>> -> memref<10240x128xf32, #tpu.memory_space<vmem_shared>>
      %dma_start3A_41 = tpu.memref_slice %arg9[%rem3A_33] : memref<2x!tpu.dma_semaphore, #tpu.memory_space<semaphore_mem>> -> memref<1x!tpu.dma_semaphore, #tpu.memory_space<semaphore_mem>>
      %dma_start3A_42 = tpu.memref_squeeze %dma_start3A_41 : memref<1x!tpu.dma_semaphore, #tpu.memory_space<semaphore_mem>> -> memref<!tpu.dma_semaphore, #tpu.memory_space<semaphore_mem>>
      tpu.enqueue_indirect_dma source(%arg7 : memref<128x128xf32, #tpu.memory_space<vmem>>) target(%dma_start3A_40 : memref<10240x128xf32, #tpu.memory_space<vmem_shared>>) offsets(%dma_start3A_37 : memref<128xi32, #tpu.memory_space<vmem>>) semaphore(%dma_start3A_42 : memref<!tpu.dma_semaphore, #tpu.memory_space<semaphore_mem>>) {add = true}
    }
    %scan3A_7 = arith.constant 79 : i32
    %dma_wait3A = arith.constant 77 : i32
    %dma_wait3A_8 = arith.constant 1 : i32
    %dma_wait3A_9 = arith.constant 0 : i32
    %dma_wait3A_10 = tpu.memref_slice %arg6[%dma_wait3A, %dma_wait3A_9] : memref<79x128xi32, #tpu.memory_space<vmem>> -> memref<1x128xi32, #tpu.memory_space<vmem>>
    %dma_wait3A_11 = tpu.memref_squeeze %dma_wait3A_10 : memref<1x128xi32, #tpu.memory_space<vmem>> -> memref<128xi32, #tpu.memory_space<vmem>>
    %dma_wait3A_12 = arith.constant 0 : i32
    %dma_wait3A_13 = arith.constant 0 : i32
    %dma_wait3A_14 = tpu.memref_slice %arg8[%dma_wait3A_12, %dma_wait3A_13] : memref<10240x128xf32, #tpu.memory_space<vmem_shared>> -> memref<10240x128xf32, #tpu.memory_space<vmem_shared>>
    %dma_wait3A_15 = tpu.memref_slice %arg9[%dma_wait3A_8] : memref<2x!tpu.dma_semaphore, #tpu.memory_space<semaphore_mem>> -> memref<1x!tpu.dma_semaphore, #tpu.memory_space<semaphore_mem>>
    %dma_wait3A_16 = tpu.memref_squeeze %dma_wait3A_15 : memref<1x!tpu.dma_semaphore, #tpu.memory_space<semaphore_mem>> -> memref<!tpu.dma_semaphore, #tpu.memory_space<semaphore_mem>>
    tpu.wait_indirect_dma semaphore(%dma_wait3A_16 : memref<!tpu.dma_semaphore, #tpu.memory_space<semaphore_mem>>) src(%arg7 : memref<128x128xf32, #tpu.memory_space<vmem>>) dst(%dma_wait3A_14 : memref<10240x128xf32, #tpu.memory_space<vmem_shared>>)
    %dma_wait3A_17 = arith.constant 78 : i32
    %dma_wait3A_18 = arith.constant 0 : i32
    %dma_wait3A_19 = arith.constant 0 : i32
    %dma_wait3A_20 = tpu.memref_slice %arg6[%dma_wait3A_17, %dma_wait3A_19] : memref<79x128xi32, #tpu.memory_space<vmem>> -> memref<1x128xi32, #tpu.memory_space<vmem>>
    %dma_wait3A_21 = tpu.memref_squeeze %dma_wait3A_20 : memref<1x128xi32, #tpu.memory_space<vmem>> -> memref<128xi32, #tpu.memory_space<vmem>>
    %dma_wait3A_22 = arith.constant 0 : i32
    %dma_wait3A_23 = arith.constant 0 : i32
    %dma_wait3A_24 = tpu.memref_slice %arg8[%dma_wait3A_22, %dma_wait3A_23] : memref<10240x128xf32, #tpu.memory_space<vmem_shared>> -> memref<10240x128xf32, #tpu.memory_space<vmem_shared>>
    %dma_wait3A_25 = tpu.memref_slice %arg9[%dma_wait3A_18] : memref<2x!tpu.dma_semaphore, #tpu.memory_space<semaphore_mem>> -> memref<1x!tpu.dma_semaphore, #tpu.memory_space<semaphore_mem>>
    %dma_wait3A_26 = tpu.memref_squeeze %dma_wait3A_25 : memref<1x!tpu.dma_semaphore, #tpu.memory_space<semaphore_mem>> -> memref<!tpu.dma_semaphore, #tpu.memory_space<semaphore_mem>>
    tpu.wait_indirect_dma semaphore(%dma_wait3A_26 : memref<!tpu.dma_semaphore, #tpu.memory_space<semaphore_mem>>) src(%arg7 : memref<128x128xf32, #tpu.memory_space<vmem>>) dst(%dma_wait3A_24 : memref<10240x128xf32, #tpu.memory_space<vmem_shared>>)
    %barrier3A_27 = arith.constant 0 : index
    tpu.barrier barrier_id(%barrier3A_27)
    %mul3A_28 = arith.constant 640 : i32
    %mul3A_29 = arith.muli %arg1, %mul3A_28 : i32
    %mul3A_30 = arith.constant 640 : i32
    %mul3A_31 = arith.muli %arg1, %mul3A_30 : i32
    "tpu.region"() ({
      %run_scoped3A = tpu.sem_alloc : memref<!tpu.dma_semaphore, #tpu.memory_space<semaphore_mem>>
      %dma_start3A = arith.constant 0 : i32
      %dma_start3A_32 = tpu.memref_slice %arg5[%arg0, %mul3A_31, %dma_start3A] : memref<2x10240x128xf32, #tpu.memory_space<hbm>> -> memref<1x640x128xf32, #tpu.memory_space<hbm>>
      %dma_start3A_33 = tpu.memref_squeeze %dma_start3A_32 : memref<1x640x128xf32, #tpu.memory_space<hbm>> -> memref<640x128xf32, #tpu.memory_space<hbm>>
      %dma_start3A_34 = arith.constant 0 : i32
      %dma_start3A_35 = tpu.memref_slice %arg8[%mul3A_29, %dma_start3A_34] : memref<10240x128xf32, #tpu.memory_space<vmem_shared>> -> memref<640x128xf32, #tpu.memory_space<vmem_shared>>
      tpu.enqueue_dma source(%dma_start3A_35 : memref<640x128xf32, #tpu.memory_space<vmem_shared>>) target(%dma_start3A_33 : memref<640x128xf32, #tpu.memory_space<hbm>>) target_semaphore(%run_scoped3A : memref<!tpu.dma_semaphore, #tpu.memory_space<semaphore_mem>>)
      %dma_wait3A_36 = arith.constant 0 : i32
      %dma_wait3A_37 = tpu.memref_slice %arg5[%arg0, %mul3A_31, %dma_wait3A_36] : memref<2x10240x128xf32, #tpu.memory_space<hbm>> -> memref<1x640x128xf32, #tpu.memory_space<hbm>>
      %dma_wait3A_38 = tpu.memref_squeeze %dma_wait3A_37 : memref<1x640x128xf32, #tpu.memory_space<hbm>> -> memref<640x128xf32, #tpu.memory_space<hbm>>
      %dma_wait3A_39 = arith.constant 0 : i32
      %dma_wait3A_40 = tpu.memref_slice %arg8[%mul3A_29, %dma_wait3A_39] : memref<10240x128xf32, #tpu.memory_space<vmem_shared>> -> memref<640x128xf32, #tpu.memory_space<vmem_shared>>
      tpu.wait_dma2 semaphore(%run_scoped3A : memref<!tpu.dma_semaphore, #tpu.memory_space<semaphore_mem>>) src(%dma_wait3A_40 : memref<640x128xf32, #tpu.memory_space<vmem_shared>>) dst(%dma_wait3A_38 : memref<640x128xf32, #tpu.memory_space<hbm>>)
      tpu.yield
    }) : () -> ()
    return
  }
}

#map = affine_map<(d0, d1) -> (0, 0)>
#map1 = affine_map<(d0, d1) -> (0, 0, 0, 0, 0)>
#map2 = affine_map<(d0, d1) -> (0, 0, 0)>
module attributes {stable_mosaic.version = 14 : i64} {
  func.func @sage_sc_agg(%arg0: i32, %arg1: i32, %arg2: memref<10240x128xf32, #tpu.memory_space<hbm>>, %arg3: memref<2x16x97x2x128xi32, #tpu.memory_space<hbm>>, %arg4: memref<10240x128xf32, #tpu.memory_space<hbm>>, %arg5: memref<2x10240x128xf32, #tpu.memory_space<hbm>>, %arg6: memref<2x2x128xi32, #tpu.memory_space<vmem>>, %arg7: memref<2x128x128xf32, #tpu.memory_space<vmem>>, %arg8: memref<10240x128xf32, #tpu.memory_space<vmem_shared>>, %arg9: memref<2x!tpu.dma_semaphore, #tpu.memory_space<semaphore_mem>>, %arg10: memref<2x!tpu.dma_semaphore, #tpu.memory_space<semaphore_mem>>, %arg11: memref<2x!tpu.dma_semaphore, #tpu.memory_space<semaphore_mem>>) attributes {dimension_semantics = [#tpu.dimension_semantics<core_parallel>, #tpu.dimension_semantics<subcore_parallel>], iteration_bounds = array<i64: 2, 16>, scalar_prefetch = 0 : i64, scratch_operands = 6 : i64, tpu.core_type = #tpu.core_type<sc_vector_subcore>, window_params = [{transform_indices = #map}, {transform_indices = #map1}, {transform_indices = #map}, {transform_indices = #map2}]} {
    %eq3A = arith.constant 0 : i32
    %eq3A_0 = arith.cmpi eq, %arg0, %eq3A : i32
    %jit3A = arith.constant 97 : i32
    %jit3A_1 = arith.constant 60 : i32
    %select_n3A = arith.select %eq3A_0, %jit3A, %jit3A_1 : i32
    %mul3A = arith.constant 640 : i32
    %mul3A_2 = arith.muli %arg1, %mul3A : i32
    %mul3A_3 = arith.constant 640 : i32
    %mul3A_4 = arith.muli %arg1, %mul3A_3 : i32
    "tpu.region"() ({
      %run_scoped3A = tpu.sem_alloc : memref<!tpu.dma_semaphore, #tpu.memory_space<semaphore_mem>>
      %dma_start3A_90 = arith.constant 0 : i32
      %dma_start3A_91 = tpu.memref_slice %arg8[%mul3A_4, %dma_start3A_90] : memref<10240x128xf32, #tpu.memory_space<vmem_shared>> -> memref<640x128xf32, #tpu.memory_space<vmem_shared>>
      %dma_start3A_92 = arith.constant 0 : i32
      %dma_start3A_93 = tpu.memref_slice %arg4[%mul3A_2, %dma_start3A_92] : memref<10240x128xf32, #tpu.memory_space<hbm>> -> memref<640x128xf32, #tpu.memory_space<hbm>>
      tpu.enqueue_dma source(%dma_start3A_93 : memref<640x128xf32, #tpu.memory_space<hbm>>) target(%dma_start3A_91 : memref<640x128xf32, #tpu.memory_space<vmem_shared>>) target_semaphore(%run_scoped3A : memref<!tpu.dma_semaphore, #tpu.memory_space<semaphore_mem>>)
      %dma_wait3A_94 = arith.constant 0 : i32
      %dma_wait3A_95 = tpu.memref_slice %arg8[%mul3A_4, %dma_wait3A_94] : memref<10240x128xf32, #tpu.memory_space<vmem_shared>> -> memref<640x128xf32, #tpu.memory_space<vmem_shared>>
      %dma_wait3A_96 = arith.constant 0 : i32
      %dma_wait3A_97 = tpu.memref_slice %arg4[%mul3A_2, %dma_wait3A_96] : memref<10240x128xf32, #tpu.memory_space<hbm>> -> memref<640x128xf32, #tpu.memory_space<hbm>>
      tpu.wait_dma2 semaphore(%run_scoped3A : memref<!tpu.dma_semaphore, #tpu.memory_space<semaphore_mem>>) src(%dma_wait3A_97 : memref<640x128xf32, #tpu.memory_space<hbm>>) dst(%dma_wait3A_95 : memref<640x128xf32, #tpu.memory_space<vmem_shared>>)
      tpu.yield
    }) : () -> ()
    %barrier3A = arith.constant 0 : index
    tpu.barrier barrier_id(%barrier3A)
    %dma_start3A = arith.constant 0 : i32
    %dma_start3A_5 = arith.constant 0 : i32
    %dma_start3A_6 = arith.constant 0 : i32
    %dma_start3A_7 = arith.constant 0 : i32
    %dma_start3A_8 = arith.constant 0 : i32
    %dma_start3A_9 = tpu.memref_slice %arg6[%dma_start3A_5, %dma_start3A_7, %dma_start3A_8] : memref<2x2x128xi32, #tpu.memory_space<vmem>> -> memref<1x2x128xi32, #tpu.memory_space<vmem>>
    %dma_start3A_10 = tpu.memref_squeeze %dma_start3A_9 : memref<1x2x128xi32, #tpu.memory_space<vmem>> -> memref<2x128xi32, #tpu.memory_space<vmem>>
    %dma_start3A_11 = arith.constant 0 : i32
    %dma_start3A_12 = arith.constant 0 : i32
    %dma_start3A_13 = tpu.memref_slice %arg3[%arg0, %arg1, %dma_start3A, %dma_start3A_11, %dma_start3A_12] : memref<2x16x97x2x128xi32, #tpu.memory_space<hbm>> -> memref<1x1x1x2x128xi32, #tpu.memory_space<hbm>>
    %dma_start3A_14 = tpu.memref_squeeze %dma_start3A_13 : memref<1x1x1x2x128xi32, #tpu.memory_space<hbm>> -> memref<2x128xi32, #tpu.memory_space<hbm>>
    %dma_start3A_15 = tpu.memref_slice %arg9[%dma_start3A_6] : memref<2x!tpu.dma_semaphore, #tpu.memory_space<semaphore_mem>> -> memref<1x!tpu.dma_semaphore, #tpu.memory_space<semaphore_mem>>
    %dma_start3A_16 = tpu.memref_squeeze %dma_start3A_15 : memref<1x!tpu.dma_semaphore, #tpu.memory_space<semaphore_mem>> -> memref<!tpu.dma_semaphore, #tpu.memory_space<semaphore_mem>>
    %dma_start3A_17 = arith.constant 0 : i32
    %dma_start3A_18 = arith.constant 0 : i32
    %dma_start3A_19 = tpu.memref_slice %arg6[%dma_start3A_5, %dma_start3A_17, %dma_start3A_18] : memref<2x2x128xi32, #tpu.memory_space<vmem>> -> memref<1x2x128xi32, #tpu.memory_space<vmem>>
    %dma_start3A_20 = tpu.memref_squeeze %dma_start3A_19 : memref<1x2x128xi32, #tpu.memory_space<vmem>> -> memref<2x128xi32, #tpu.memory_space<vmem>>
    %dma_start3A_21 = arith.constant 0 : i32
    %dma_start3A_22 = arith.constant 0 : i32
    %dma_start3A_23 = tpu.memref_slice %arg3[%arg0, %arg1, %dma_start3A, %dma_start3A_21, %dma_start3A_22] : memref<2x16x97x2x128xi32, #tpu.memory_space<hbm>> -> memref<1x1x1x2x128xi32, #tpu.memory_space<hbm>>
    %dma_start3A_24 = tpu.memref_squeeze %dma_start3A_23 : memref<1x1x1x2x128xi32, #tpu.memory_space<hbm>> -> memref<2x128xi32, #tpu.memory_space<hbm>>
    tpu.enqueue_dma source(%dma_start3A_24 : memref<2x128xi32, #tpu.memory_space<hbm>>) target(%dma_start3A_20 : memref<2x128xi32, #tpu.memory_space<vmem>>) target_semaphore(%dma_start3A_16 : memref<!tpu.dma_semaphore, #tpu.memory_space<semaphore_mem>>)
    %dma_wait3A = arith.constant 0 : i32
    %dma_wait3A_25 = arith.constant 0 : i32
    %dma_wait3A_26 = arith.constant 0 : i32
    %dma_wait3A_27 = arith.constant 0 : i32
    %dma_wait3A_28 = arith.constant 0 : i32
    %dma_wait3A_29 = tpu.memref_slice %arg6[%dma_wait3A_25, %dma_wait3A_27, %dma_wait3A_28] : memref<2x2x128xi32, #tpu.memory_space<vmem>> -> memref<1x2x128xi32, #tpu.memory_space<vmem>>
    %dma_wait3A_30 = tpu.memref_squeeze %dma_wait3A_29 : memref<1x2x128xi32, #tpu.memory_space<vmem>> -> memref<2x128xi32, #tpu.memory_space<vmem>>
    %dma_wait3A_31 = arith.constant 0 : i32
    %dma_wait3A_32 = arith.constant 0 : i32
    %dma_wait3A_33 = tpu.memref_slice %arg3[%arg0, %arg1, %dma_wait3A, %dma_wait3A_31, %dma_wait3A_32] : memref<2x16x97x2x128xi32, #tpu.memory_space<hbm>> -> memref<1x1x1x2x128xi32, #tpu.memory_space<hbm>>
    %dma_wait3A_34 = tpu.memref_squeeze %dma_wait3A_33 : memref<1x1x1x2x128xi32, #tpu.memory_space<hbm>> -> memref<2x128xi32, #tpu.memory_space<hbm>>
    %dma_wait3A_35 = tpu.memref_slice %arg9[%dma_wait3A_26] : memref<2x!tpu.dma_semaphore, #tpu.memory_space<semaphore_mem>> -> memref<1x!tpu.dma_semaphore, #tpu.memory_space<semaphore_mem>>
    %dma_wait3A_36 = tpu.memref_squeeze %dma_wait3A_35 : memref<1x!tpu.dma_semaphore, #tpu.memory_space<semaphore_mem>> -> memref<!tpu.dma_semaphore, #tpu.memory_space<semaphore_mem>>
    %dma_wait3A_37 = arith.constant 0 : i32
    %dma_wait3A_38 = arith.constant 0 : i32
    %dma_wait3A_39 = tpu.memref_slice %arg6[%dma_wait3A_25, %dma_wait3A_37, %dma_wait3A_38] : memref<2x2x128xi32, #tpu.memory_space<vmem>> -> memref<1x2x128xi32, #tpu.memory_space<vmem>>
    %dma_wait3A_40 = tpu.memref_squeeze %dma_wait3A_39 : memref<1x2x128xi32, #tpu.memory_space<vmem>> -> memref<2x128xi32, #tpu.memory_space<vmem>>
    %dma_wait3A_41 = arith.constant 0 : i32
    %dma_wait3A_42 = arith.constant 0 : i32
    %dma_wait3A_43 = tpu.memref_slice %arg3[%arg0, %arg1, %dma_wait3A, %dma_wait3A_41, %dma_wait3A_42] : memref<2x16x97x2x128xi32, #tpu.memory_space<hbm>> -> memref<1x1x1x2x128xi32, #tpu.memory_space<hbm>>
    %dma_wait3A_44 = tpu.memref_squeeze %dma_wait3A_43 : memref<1x1x1x2x128xi32, #tpu.memory_space<hbm>> -> memref<2x128xi32, #tpu.memory_space<hbm>>
    tpu.wait_dma2 semaphore(%dma_wait3A_36 : memref<!tpu.dma_semaphore, #tpu.memory_space<semaphore_mem>>) src(%dma_wait3A_44 : memref<2x128xi32, #tpu.memory_space<hbm>>) dst(%dma_wait3A_40 : memref<2x128xi32, #tpu.memory_space<vmem>>)
    %dma_start3A_45 = arith.constant 0 : i32
    %dma_start3A_46 = arith.constant 0 : i32
    %dma_start3A_47 = arith.constant 0 : i32
    %dma_start3A_48 = arith.constant 0 : i32
    %dma_start3A_49 = arith.constant 0 : i32
    %dma_start3A_50 = arith.constant 0 : i32
    %dma_start3A_51 = tpu.memref_slice %arg7[%dma_start3A_47, %dma_start3A_49, %dma_start3A_50] : memref<2x128x128xf32, #tpu.memory_space<vmem>> -> memref<1x128x128xf32, #tpu.memory_space<vmem>>
    %dma_start3A_52 = tpu.memref_squeeze %dma_start3A_51 : memref<1x128x128xf32, #tpu.memory_space<vmem>> -> memref<128x128xf32, #tpu.memory_space<vmem>>
    %dma_start3A_53 = arith.constant 0 : i32
    %dma_start3A_54 = tpu.memref_slice %arg6[%dma_start3A_45, %dma_start3A_46, %dma_start3A_53] : memref<2x2x128xi32, #tpu.memory_space<vmem>> -> memref<1x1x128xi32, #tpu.memory_space<vmem>>
    %dma_start3A_55 = tpu.memref_squeeze %dma_start3A_54 : memref<1x1x128xi32, #tpu.memory_space<vmem>> -> memref<128xi32, #tpu.memory_space<vmem>>
    %dma_start3A_56 = arith.constant 0 : i32
    %dma_start3A_57 = arith.constant 0 : i32
    %dma_start3A_58 = tpu.memref_slice %arg2[%dma_start3A_56, %dma_start3A_57] : memref<10240x128xf32, #tpu.memory_space<hbm>> -> memref<10240x128xf32, #tpu.memory_space<hbm>>
    %dma_start3A_59 = tpu.memref_slice %arg10[%dma_start3A_48] : memref<2x!tpu.dma_semaphore, #tpu.memory_space<semaphore_mem>> -> memref<1x!tpu.dma_semaphore, #tpu.memory_space<semaphore_mem>>
    %dma_start3A_60 = tpu.memref_squeeze %dma_start3A_59 : memref<1x!tpu.dma_semaphore, #tpu.memory_space<semaphore_mem>> -> memref<!tpu.dma_semaphore, #tpu.memory_space<semaphore_mem>>
    tpu.enqueue_indirect_dma source(%dma_start3A_58 : memref<10240x128xf32, #tpu.memory_space<hbm>>) target(%dma_start3A_52 : memref<128x128xf32, #tpu.memory_space<vmem>>) offsets(%dma_start3A_55 : memref<128xi32, #tpu.memory_space<vmem>>) semaphore(%dma_start3A_60 : memref<!tpu.dma_semaphore, #tpu.memory_space<semaphore_mem>>)
    %while3A = arith.constant 0 : i32
    %while3A_61 = arith.constant 0 : i32
    %while3A_62 = arith.subi %select_n3A, %while3A_61 : i32
    %while3A_63 = arith.addi %while3A_61, %while3A_62 : i32
    %while3A_64 = arith.constant 1 : i32
    %while3A_65 = arith.divsi %while3A_62, %while3A_64 : i32
    %while3A_66 = arith.muli %while3A_65, %while3A_64 : i32
    %while3A_67 = arith.addi %while3A_61, %while3A_66 : i32
    %while3A_68 = arith.constant 1 : i32
    scf.for %while3A_90 = %while3A_61 to %while3A_67 step %while3A_68  : i32 {
      %rem3A_91 = arith.constant 2 : i32
      %rem3A_92 = arith.remsi %while3A_90, %rem3A_91 : i32
      %add3A = arith.constant 1 : i32
      %add3A_93 = arith.addi %while3A_90, %add3A : i32
      %rem3A_94 = arith.constant 2 : i32
      %rem3A_95 = arith.remsi %add3A_93, %rem3A_94 : i32
      %ge3A = arith.constant 1 : i32
      %ge3A_96 = arith.cmpi sge, %while3A_90, %ge3A : i32
      %convert_element_type3A = arith.extui %ge3A_96 : i1 to i32
      %cond3A = arith.constant 0 : i32
      %cond3A_97 = arith.cmpi ne, %convert_element_type3A, %cond3A : i32
      scf.if %cond3A_97 {
        %dma_wait3A_135 = arith.constant 1 : i32
        %dma_wait3A_136 = arith.constant 0 : i32
        %dma_wait3A_137 = arith.constant 0 : i32
        %dma_wait3A_138 = tpu.memref_slice %arg7[%rem3A_95, %dma_wait3A_136, %dma_wait3A_137] : memref<2x128x128xf32, #tpu.memory_space<vmem>> -> memref<1x128x128xf32, #tpu.memory_space<vmem>>
        %dma_wait3A_139 = tpu.memref_squeeze %dma_wait3A_138 : memref<1x128x128xf32, #tpu.memory_space<vmem>> -> memref<128x128xf32, #tpu.memory_space<vmem>>
        %dma_wait3A_140 = arith.constant 0 : i32
        %dma_wait3A_141 = tpu.memref_slice %arg6[%rem3A_95, %dma_wait3A_135, %dma_wait3A_140] : memref<2x2x128xi32, #tpu.memory_space<vmem>> -> memref<1x1x128xi32, #tpu.memory_space<vmem>>
        %dma_wait3A_142 = tpu.memref_squeeze %dma_wait3A_141 : memref<1x1x128xi32, #tpu.memory_space<vmem>> -> memref<128xi32, #tpu.memory_space<vmem>>
        %dma_wait3A_143 = arith.constant 0 : i32
        %dma_wait3A_144 = arith.constant 0 : i32
        %dma_wait3A_145 = tpu.memref_slice %arg8[%dma_wait3A_143, %dma_wait3A_144] : memref<10240x128xf32, #tpu.memory_space<vmem_shared>> -> memref<10240x128xf32, #tpu.memory_space<vmem_shared>>
        %dma_wait3A_146 = tpu.memref_slice %arg11[%rem3A_95] : memref<2x!tpu.dma_semaphore, #tpu.memory_space<semaphore_mem>> -> memref<1x!tpu.dma_semaphore, #tpu.memory_space<semaphore_mem>>
        %dma_wait3A_147 = tpu.memref_squeeze %dma_wait3A_146 : memref<1x!tpu.dma_semaphore, #tpu.memory_space<semaphore_mem>> -> memref<!tpu.dma_semaphore, #tpu.memory_space<semaphore_mem>>
        tpu.wait_indirect_dma semaphore(%dma_wait3A_147 : memref<!tpu.dma_semaphore, #tpu.memory_space<semaphore_mem>>) src(%dma_wait3A_139 : memref<128x128xf32, #tpu.memory_space<vmem>>) dst(%dma_wait3A_145 : memref<10240x128xf32, #tpu.memory_space<vmem_shared>>)
      } else {
      }
      %add3A_98 = arith.constant 1 : i32
      %add3A_99 = arith.addi %while3A_90, %add3A_98 : i32
      %lt3A = arith.cmpi slt, %add3A_99, %select_n3A : i32
      %convert_element_type3A_100 = arith.extui %lt3A : i1 to i32
      %cond3A_101 = arith.constant 0 : i32
      %cond3A_102 = arith.cmpi ne, %convert_element_type3A_100, %cond3A_101 : i32
      scf.if %cond3A_102 {
        %add3A_135 = arith.constant 1 : i32
        %add3A_136 = arith.addi %while3A_90, %add3A_135 : i32
        %dma_start3A_137 = arith.constant 0 : i32
        %dma_start3A_138 = arith.constant 0 : i32
        %dma_start3A_139 = tpu.memref_slice %arg6[%rem3A_95, %dma_start3A_137, %dma_start3A_138] : memref<2x2x128xi32, #tpu.memory_space<vmem>> -> memref<1x2x128xi32, #tpu.memory_space<vmem>>
        %dma_start3A_140 = tpu.memref_squeeze %dma_start3A_139 : memref<1x2x128xi32, #tpu.memory_space<vmem>> -> memref<2x128xi32, #tpu.memory_space<vmem>>
        %dma_start3A_141 = arith.constant 0 : i32
        %dma_start3A_142 = arith.constant 0 : i32
        %dma_start3A_143 = tpu.memref_slice %arg3[%arg0, %arg1, %add3A_136, %dma_start3A_141, %dma_start3A_142] : memref<2x16x97x2x128xi32, #tpu.memory_space<hbm>> -> memref<1x1x1x2x128xi32, #tpu.memory_space<hbm>>
        %dma_start3A_144 = tpu.memref_squeeze %dma_start3A_143 : memref<1x1x1x2x128xi32, #tpu.memory_space<hbm>> -> memref<2x128xi32, #tpu.memory_space<hbm>>
        %dma_start3A_145 = tpu.memref_slice %arg9[%rem3A_95] : memref<2x!tpu.dma_semaphore, #tpu.memory_space<semaphore_mem>> -> memref<1x!tpu.dma_semaphore, #tpu.memory_space<semaphore_mem>>
        %dma_start3A_146 = tpu.memref_squeeze %dma_start3A_145 : memref<1x!tpu.dma_semaphore, #tpu.memory_space<semaphore_mem>> -> memref<!tpu.dma_semaphore, #tpu.memory_space<semaphore_mem>>
        %dma_start3A_147 = arith.constant 0 : i32
        %dma_start3A_148 = arith.constant 0 : i32
        %dma_start3A_149 = tpu.memref_slice %arg6[%rem3A_95, %dma_start3A_147, %dma_start3A_148] : memref<2x2x128xi32, #tpu.memory_space<vmem>> -> memref<1x2x128xi32, #tpu.memory_space<vmem>>
        %dma_start3A_150 = tpu.memref_squeeze %dma_start3A_149 : memref<1x2x128xi32, #tpu.memory_space<vmem>> -> memref<2x128xi32, #tpu.memory_space<vmem>>
        %dma_start3A_151 = arith.constant 0 : i32
        %dma_start3A_152 = arith.constant 0 : i32
        %dma_start3A_153 = tpu.memref_slice %arg3[%arg0, %arg1, %add3A_136, %dma_start3A_151, %dma_start3A_152] : memref<2x16x97x2x128xi32, #tpu.memory_space<hbm>> -> memref<1x1x1x2x128xi32, #tpu.memory_space<hbm>>
        %dma_start3A_154 = tpu.memref_squeeze %dma_start3A_153 : memref<1x1x1x2x128xi32, #tpu.memory_space<hbm>> -> memref<2x128xi32, #tpu.memory_space<hbm>>
        tpu.enqueue_dma source(%dma_start3A_154 : memref<2x128xi32, #tpu.memory_space<hbm>>) target(%dma_start3A_150 : memref<2x128xi32, #tpu.memory_space<vmem>>) target_semaphore(%dma_start3A_146 : memref<!tpu.dma_semaphore, #tpu.memory_space<semaphore_mem>>)
      } else {
      }
      %dma_wait3A_103 = arith.constant 0 : i32
      %dma_wait3A_104 = arith.constant 0 : i32
      %dma_wait3A_105 = arith.constant 0 : i32
      %dma_wait3A_106 = tpu.memref_slice %arg7[%rem3A_92, %dma_wait3A_104, %dma_wait3A_105] : memref<2x128x128xf32, #tpu.memory_space<vmem>> -> memref<1x128x128xf32, #tpu.memory_space<vmem>>
      %dma_wait3A_107 = tpu.memref_squeeze %dma_wait3A_106 : memref<1x128x128xf32, #tpu.memory_space<vmem>> -> memref<128x128xf32, #tpu.memory_space<vmem>>
      %dma_wait3A_108 = arith.constant 0 : i32
      %dma_wait3A_109 = tpu.memref_slice %arg6[%rem3A_92, %dma_wait3A_103, %dma_wait3A_108] : memref<2x2x128xi32, #tpu.memory_space<vmem>> -> memref<1x1x128xi32, #tpu.memory_space<vmem>>
      %dma_wait3A_110 = tpu.memref_squeeze %dma_wait3A_109 : memref<1x1x128xi32, #tpu.memory_space<vmem>> -> memref<128xi32, #tpu.memory_space<vmem>>
      %dma_wait3A_111 = arith.constant 0 : i32
      %dma_wait3A_112 = arith.constant 0 : i32
      %dma_wait3A_113 = tpu.memref_slice %arg2[%dma_wait3A_111, %dma_wait3A_112] : memref<10240x128xf32, #tpu.memory_space<hbm>> -> memref<10240x128xf32, #tpu.memory_space<hbm>>
      %dma_wait3A_114 = tpu.memref_slice %arg10[%rem3A_92] : memref<2x!tpu.dma_semaphore, #tpu.memory_space<semaphore_mem>> -> memref<1x!tpu.dma_semaphore, #tpu.memory_space<semaphore_mem>>
      %dma_wait3A_115 = tpu.memref_squeeze %dma_wait3A_114 : memref<1x!tpu.dma_semaphore, #tpu.memory_space<semaphore_mem>> -> memref<!tpu.dma_semaphore, #tpu.memory_space<semaphore_mem>>
      tpu.wait_indirect_dma semaphore(%dma_wait3A_115 : memref<!tpu.dma_semaphore, #tpu.memory_space<semaphore_mem>>) src(%dma_wait3A_113 : memref<10240x128xf32, #tpu.memory_space<hbm>>) dst(%dma_wait3A_107 : memref<128x128xf32, #tpu.memory_space<vmem>>)
      %dma_start3A_116 = arith.constant 1 : i32
      %dma_start3A_117 = arith.constant 0 : i32
      %dma_start3A_118 = arith.constant 0 : i32
      %dma_start3A_119 = tpu.memref_slice %arg7[%rem3A_92, %dma_start3A_117, %dma_start3A_118] : memref<2x128x128xf32, #tpu.memory_space<vmem>> -> memref<1x128x128xf32, #tpu.memory_space<vmem>>
      %dma_start3A_120 = tpu.memref_squeeze %dma_start3A_119 : memref<1x128x128xf32, #tpu.memory_space<vmem>> -> memref<128x128xf32, #tpu.memory_space<vmem>>
      %dma_start3A_121 = arith.constant 0 : i32
      %dma_start3A_122 = tpu.memref_slice %arg6[%rem3A_92, %dma_start3A_116, %dma_start3A_121] : memref<2x2x128xi32, #tpu.memory_space<vmem>> -> memref<1x1x128xi32, #tpu.memory_space<vmem>>
      %dma_start3A_123 = tpu.memref_squeeze %dma_start3A_122 : memref<1x1x128xi32, #tpu.memory_space<vmem>> -> memref<128xi32, #tpu.memory_space<vmem>>
      %dma_start3A_124 = arith.constant 0 : i32
      %dma_start3A_125 = arith.constant 0 : i32
      %dma_start3A_126 = tpu.memref_slice %arg8[%dma_start3A_124, %dma_start3A_125] : memref<10240x128xf32, #tpu.memory_space<vmem_shared>> -> memref<10240x128xf32, #tpu.memory_space<vmem_shared>>
      %dma_start3A_127 = tpu.memref_slice %arg11[%rem3A_92] : memref<2x!tpu.dma_semaphore, #tpu.memory_space<semaphore_mem>> -> memref<1x!tpu.dma_semaphore, #tpu.memory_space<semaphore_mem>>
      %dma_start3A_128 = tpu.memref_squeeze %dma_start3A_127 : memref<1x!tpu.dma_semaphore, #tpu.memory_space<semaphore_mem>> -> memref<!tpu.dma_semaphore, #tpu.memory_space<semaphore_mem>>
      tpu.enqueue_indirect_dma source(%dma_start3A_120 : memref<128x128xf32, #tpu.memory_space<vmem>>) target(%dma_start3A_126 : memref<10240x128xf32, #tpu.memory_space<vmem_shared>>) offsets(%dma_start3A_123 : memref<128xi32, #tpu.memory_space<vmem>>) semaphore(%dma_start3A_128 : memref<!tpu.dma_semaphore, #tpu.memory_space<semaphore_mem>>) {add = true}
      %add3A_129 = arith.constant 1 : i32
      %add3A_130 = arith.addi %while3A_90, %add3A_129 : i32
      %lt3A_131 = arith.cmpi slt, %add3A_130, %select_n3A : i32
      %convert_element_type3A_132 = arith.extui %lt3A_131 : i1 to i32
      %cond3A_133 = arith.constant 0 : i32
      %cond3A_134 = arith.cmpi ne, %convert_element_type3A_132, %cond3A_133 : i32
      scf.if %cond3A_134 {
        %dma_wait3A_135 = arith.constant 0 : i32
        %dma_wait3A_136 = arith.constant 0 : i32
        %dma_wait3A_137 = arith.constant 0 : i32
        %dma_wait3A_138 = tpu.memref_slice %arg6[%rem3A_95, %dma_wait3A_136, %dma_wait3A_137] : memref<2x2x128xi32, #tpu.memory_space<vmem>> -> memref<1x2x128xi32, #tpu.memory_space<vmem>>
        %dma_wait3A_139 = tpu.memref_squeeze %dma_wait3A_138 : memref<1x2x128xi32, #tpu.memory_space<vmem>> -> memref<2x128xi32, #tpu.memory_space<vmem>>
        %dma_wait3A_140 = arith.constant 0 : i32
        %dma_wait3A_141 = arith.constant 0 : i32
        %dma_wait3A_142 = tpu.memref_slice %arg3[%arg0, %arg1, %dma_wait3A_135, %dma_wait3A_140, %dma_wait3A_141] : memref<2x16x97x2x128xi32, #tpu.memory_space<hbm>> -> memref<1x1x1x2x128xi32, #tpu.memory_space<hbm>>
        %dma_wait3A_143 = tpu.memref_squeeze %dma_wait3A_142 : memref<1x1x1x2x128xi32, #tpu.memory_space<hbm>> -> memref<2x128xi32, #tpu.memory_space<hbm>>
        %dma_wait3A_144 = tpu.memref_slice %arg9[%rem3A_95] : memref<2x!tpu.dma_semaphore, #tpu.memory_space<semaphore_mem>> -> memref<1x!tpu.dma_semaphore, #tpu.memory_space<semaphore_mem>>
        %dma_wait3A_145 = tpu.memref_squeeze %dma_wait3A_144 : memref<1x!tpu.dma_semaphore, #tpu.memory_space<semaphore_mem>> -> memref<!tpu.dma_semaphore, #tpu.memory_space<semaphore_mem>>
        %dma_wait3A_146 = arith.constant 0 : i32
        %dma_wait3A_147 = arith.constant 0 : i32
        %dma_wait3A_148 = tpu.memref_slice %arg6[%rem3A_95, %dma_wait3A_146, %dma_wait3A_147] : memref<2x2x128xi32, #tpu.memory_space<vmem>> -> memref<1x2x128xi32, #tpu.memory_space<vmem>>
        %dma_wait3A_149 = tpu.memref_squeeze %dma_wait3A_148 : memref<1x2x128xi32, #tpu.memory_space<vmem>> -> memref<2x128xi32, #tpu.memory_space<vmem>>
        %dma_wait3A_150 = arith.constant 0 : i32
        %dma_wait3A_151 = arith.constant 0 : i32
        %dma_wait3A_152 = tpu.memref_slice %arg3[%arg0, %arg1, %dma_wait3A_135, %dma_wait3A_150, %dma_wait3A_151] : memref<2x16x97x2x128xi32, #tpu.memory_space<hbm>> -> memref<1x1x1x2x128xi32, #tpu.memory_space<hbm>>
        %dma_wait3A_153 = tpu.memref_squeeze %dma_wait3A_152 : memref<1x1x1x2x128xi32, #tpu.memory_space<hbm>> -> memref<2x128xi32, #tpu.memory_space<hbm>>
        tpu.wait_dma2 semaphore(%dma_wait3A_145 : memref<!tpu.dma_semaphore, #tpu.memory_space<semaphore_mem>>) src(%dma_wait3A_153 : memref<2x128xi32, #tpu.memory_space<hbm>>) dst(%dma_wait3A_149 : memref<2x128xi32, #tpu.memory_space<vmem>>)
        %dma_start3A_154 = arith.constant 0 : i32
        %dma_start3A_155 = arith.constant 0 : i32
        %dma_start3A_156 = arith.constant 0 : i32
        %dma_start3A_157 = tpu.memref_slice %arg7[%rem3A_95, %dma_start3A_155, %dma_start3A_156] : memref<2x128x128xf32, #tpu.memory_space<vmem>> -> memref<1x128x128xf32, #tpu.memory_space<vmem>>
        %dma_start3A_158 = tpu.memref_squeeze %dma_start3A_157 : memref<1x128x128xf32, #tpu.memory_space<vmem>> -> memref<128x128xf32, #tpu.memory_space<vmem>>
        %dma_start3A_159 = arith.constant 0 : i32
        %dma_start3A_160 = tpu.memref_slice %arg6[%rem3A_95, %dma_start3A_154, %dma_start3A_159] : memref<2x2x128xi32, #tpu.memory_space<vmem>> -> memref<1x1x128xi32, #tpu.memory_space<vmem>>
        %dma_start3A_161 = tpu.memref_squeeze %dma_start3A_160 : memref<1x1x128xi32, #tpu.memory_space<vmem>> -> memref<128xi32, #tpu.memory_space<vmem>>
        %dma_start3A_162 = arith.constant 0 : i32
        %dma_start3A_163 = arith.constant 0 : i32
        %dma_start3A_164 = tpu.memref_slice %arg2[%dma_start3A_162, %dma_start3A_163] : memref<10240x128xf32, #tpu.memory_space<hbm>> -> memref<10240x128xf32, #tpu.memory_space<hbm>>
        %dma_start3A_165 = tpu.memref_slice %arg10[%rem3A_95] : memref<2x!tpu.dma_semaphore, #tpu.memory_space<semaphore_mem>> -> memref<1x!tpu.dma_semaphore, #tpu.memory_space<semaphore_mem>>
        %dma_start3A_166 = tpu.memref_squeeze %dma_start3A_165 : memref<1x!tpu.dma_semaphore, #tpu.memory_space<semaphore_mem>> -> memref<!tpu.dma_semaphore, #tpu.memory_space<semaphore_mem>>
        tpu.enqueue_indirect_dma source(%dma_start3A_164 : memref<10240x128xf32, #tpu.memory_space<hbm>>) target(%dma_start3A_158 : memref<128x128xf32, #tpu.memory_space<vmem>>) offsets(%dma_start3A_161 : memref<128xi32, #tpu.memory_space<vmem>>) semaphore(%dma_start3A_166 : memref<!tpu.dma_semaphore, #tpu.memory_space<semaphore_mem>>)
      } else {
      }
    }
    %while3A_69 = arith.constant 1 : i32
    scf.for %while3A_90 = %while3A_67 to %while3A_63 step %while3A_69  : i32 {
      %rem3A_91 = arith.constant 2 : i32
      %rem3A_92 = arith.remsi %while3A_90, %rem3A_91 : i32
      %add3A = arith.constant 1 : i32
      %add3A_93 = arith.addi %while3A_90, %add3A : i32
      %rem3A_94 = arith.constant 2 : i32
      %rem3A_95 = arith.remsi %add3A_93, %rem3A_94 : i32
      %ge3A = arith.constant 1 : i32
      %ge3A_96 = arith.cmpi sge, %while3A_90, %ge3A : i32
      %convert_element_type3A = arith.extui %ge3A_96 : i1 to i32
      %cond3A = arith.constant 0 : i32
      %cond3A_97 = arith.cmpi ne, %convert_element_type3A, %cond3A : i32
      scf.if %cond3A_97 {
        %dma_wait3A_135 = arith.constant 1 : i32
        %dma_wait3A_136 = arith.constant 0 : i32
        %dma_wait3A_137 = arith.constant 0 : i32
        %dma_wait3A_138 = tpu.memref_slice %arg7[%rem3A_95, %dma_wait3A_136, %dma_wait3A_137] : memref<2x128x128xf32, #tpu.memory_space<vmem>> -> memref<1x128x128xf32, #tpu.memory_space<vmem>>
        %dma_wait3A_139 = tpu.memref_squeeze %dma_wait3A_138 : memref<1x128x128xf32, #tpu.memory_space<vmem>> -> memref<128x128xf32, #tpu.memory_space<vmem>>
        %dma_wait3A_140 = arith.constant 0 : i32
        %dma_wait3A_141 = tpu.memref_slice %arg6[%rem3A_95, %dma_wait3A_135, %dma_wait3A_140] : memref<2x2x128xi32, #tpu.memory_space<vmem>> -> memref<1x1x128xi32, #tpu.memory_space<vmem>>
        %dma_wait3A_142 = tpu.memref_squeeze %dma_wait3A_141 : memref<1x1x128xi32, #tpu.memory_space<vmem>> -> memref<128xi32, #tpu.memory_space<vmem>>
        %dma_wait3A_143 = arith.constant 0 : i32
        %dma_wait3A_144 = arith.constant 0 : i32
        %dma_wait3A_145 = tpu.memref_slice %arg8[%dma_wait3A_143, %dma_wait3A_144] : memref<10240x128xf32, #tpu.memory_space<vmem_shared>> -> memref<10240x128xf32, #tpu.memory_space<vmem_shared>>
        %dma_wait3A_146 = tpu.memref_slice %arg11[%rem3A_95] : memref<2x!tpu.dma_semaphore, #tpu.memory_space<semaphore_mem>> -> memref<1x!tpu.dma_semaphore, #tpu.memory_space<semaphore_mem>>
        %dma_wait3A_147 = tpu.memref_squeeze %dma_wait3A_146 : memref<1x!tpu.dma_semaphore, #tpu.memory_space<semaphore_mem>> -> memref<!tpu.dma_semaphore, #tpu.memory_space<semaphore_mem>>
        tpu.wait_indirect_dma semaphore(%dma_wait3A_147 : memref<!tpu.dma_semaphore, #tpu.memory_space<semaphore_mem>>) src(%dma_wait3A_139 : memref<128x128xf32, #tpu.memory_space<vmem>>) dst(%dma_wait3A_145 : memref<10240x128xf32, #tpu.memory_space<vmem_shared>>)
      } else {
      }
      %add3A_98 = arith.constant 1 : i32
      %add3A_99 = arith.addi %while3A_90, %add3A_98 : i32
      %lt3A = arith.cmpi slt, %add3A_99, %select_n3A : i32
      %convert_element_type3A_100 = arith.extui %lt3A : i1 to i32
      %cond3A_101 = arith.constant 0 : i32
      %cond3A_102 = arith.cmpi ne, %convert_element_type3A_100, %cond3A_101 : i32
      scf.if %cond3A_102 {
        %add3A_135 = arith.constant 1 : i32
        %add3A_136 = arith.addi %while3A_90, %add3A_135 : i32
        %dma_start3A_137 = arith.constant 0 : i32
        %dma_start3A_138 = arith.constant 0 : i32
        %dma_start3A_139 = tpu.memref_slice %arg6[%rem3A_95, %dma_start3A_137, %dma_start3A_138] : memref<2x2x128xi32, #tpu.memory_space<vmem>> -> memref<1x2x128xi32, #tpu.memory_space<vmem>>
        %dma_start3A_140 = tpu.memref_squeeze %dma_start3A_139 : memref<1x2x128xi32, #tpu.memory_space<vmem>> -> memref<2x128xi32, #tpu.memory_space<vmem>>
        %dma_start3A_141 = arith.constant 0 : i32
        %dma_start3A_142 = arith.constant 0 : i32
        %dma_start3A_143 = tpu.memref_slice %arg3[%arg0, %arg1, %add3A_136, %dma_start3A_141, %dma_start3A_142] : memref<2x16x97x2x128xi32, #tpu.memory_space<hbm>> -> memref<1x1x1x2x128xi32, #tpu.memory_space<hbm>>
        %dma_start3A_144 = tpu.memref_squeeze %dma_start3A_143 : memref<1x1x1x2x128xi32, #tpu.memory_space<hbm>> -> memref<2x128xi32, #tpu.memory_space<hbm>>
        %dma_start3A_145 = tpu.memref_slice %arg9[%rem3A_95] : memref<2x!tpu.dma_semaphore, #tpu.memory_space<semaphore_mem>> -> memref<1x!tpu.dma_semaphore, #tpu.memory_space<semaphore_mem>>
        %dma_start3A_146 = tpu.memref_squeeze %dma_start3A_145 : memref<1x!tpu.dma_semaphore, #tpu.memory_space<semaphore_mem>> -> memref<!tpu.dma_semaphore, #tpu.memory_space<semaphore_mem>>
        %dma_start3A_147 = arith.constant 0 : i32
        %dma_start3A_148 = arith.constant 0 : i32
        %dma_start3A_149 = tpu.memref_slice %arg6[%rem3A_95, %dma_start3A_147, %dma_start3A_148] : memref<2x2x128xi32, #tpu.memory_space<vmem>> -> memref<1x2x128xi32, #tpu.memory_space<vmem>>
        %dma_start3A_150 = tpu.memref_squeeze %dma_start3A_149 : memref<1x2x128xi32, #tpu.memory_space<vmem>> -> memref<2x128xi32, #tpu.memory_space<vmem>>
        %dma_start3A_151 = arith.constant 0 : i32
        %dma_start3A_152 = arith.constant 0 : i32
        %dma_start3A_153 = tpu.memref_slice %arg3[%arg0, %arg1, %add3A_136, %dma_start3A_151, %dma_start3A_152] : memref<2x16x97x2x128xi32, #tpu.memory_space<hbm>> -> memref<1x1x1x2x128xi32, #tpu.memory_space<hbm>>
        %dma_start3A_154 = tpu.memref_squeeze %dma_start3A_153 : memref<1x1x1x2x128xi32, #tpu.memory_space<hbm>> -> memref<2x128xi32, #tpu.memory_space<hbm>>
        tpu.enqueue_dma source(%dma_start3A_154 : memref<2x128xi32, #tpu.memory_space<hbm>>) target(%dma_start3A_150 : memref<2x128xi32, #tpu.memory_space<vmem>>) target_semaphore(%dma_start3A_146 : memref<!tpu.dma_semaphore, #tpu.memory_space<semaphore_mem>>)
      } else {
      }
      %dma_wait3A_103 = arith.constant 0 : i32
      %dma_wait3A_104 = arith.constant 0 : i32
      %dma_wait3A_105 = arith.constant 0 : i32
      %dma_wait3A_106 = tpu.memref_slice %arg7[%rem3A_92, %dma_wait3A_104, %dma_wait3A_105] : memref<2x128x128xf32, #tpu.memory_space<vmem>> -> memref<1x128x128xf32, #tpu.memory_space<vmem>>
      %dma_wait3A_107 = tpu.memref_squeeze %dma_wait3A_106 : memref<1x128x128xf32, #tpu.memory_space<vmem>> -> memref<128x128xf32, #tpu.memory_space<vmem>>
      %dma_wait3A_108 = arith.constant 0 : i32
      %dma_wait3A_109 = tpu.memref_slice %arg6[%rem3A_92, %dma_wait3A_103, %dma_wait3A_108] : memref<2x2x128xi32, #tpu.memory_space<vmem>> -> memref<1x1x128xi32, #tpu.memory_space<vmem>>
      %dma_wait3A_110 = tpu.memref_squeeze %dma_wait3A_109 : memref<1x1x128xi32, #tpu.memory_space<vmem>> -> memref<128xi32, #tpu.memory_space<vmem>>
      %dma_wait3A_111 = arith.constant 0 : i32
      %dma_wait3A_112 = arith.constant 0 : i32
      %dma_wait3A_113 = tpu.memref_slice %arg2[%dma_wait3A_111, %dma_wait3A_112] : memref<10240x128xf32, #tpu.memory_space<hbm>> -> memref<10240x128xf32, #tpu.memory_space<hbm>>
      %dma_wait3A_114 = tpu.memref_slice %arg10[%rem3A_92] : memref<2x!tpu.dma_semaphore, #tpu.memory_space<semaphore_mem>> -> memref<1x!tpu.dma_semaphore, #tpu.memory_space<semaphore_mem>>
      %dma_wait3A_115 = tpu.memref_squeeze %dma_wait3A_114 : memref<1x!tpu.dma_semaphore, #tpu.memory_space<semaphore_mem>> -> memref<!tpu.dma_semaphore, #tpu.memory_space<semaphore_mem>>
      tpu.wait_indirect_dma semaphore(%dma_wait3A_115 : memref<!tpu.dma_semaphore, #tpu.memory_space<semaphore_mem>>) src(%dma_wait3A_113 : memref<10240x128xf32, #tpu.memory_space<hbm>>) dst(%dma_wait3A_107 : memref<128x128xf32, #tpu.memory_space<vmem>>)
      %dma_start3A_116 = arith.constant 1 : i32
      %dma_start3A_117 = arith.constant 0 : i32
      %dma_start3A_118 = arith.constant 0 : i32
      %dma_start3A_119 = tpu.memref_slice %arg7[%rem3A_92, %dma_start3A_117, %dma_start3A_118] : memref<2x128x128xf32, #tpu.memory_space<vmem>> -> memref<1x128x128xf32, #tpu.memory_space<vmem>>
      %dma_start3A_120 = tpu.memref_squeeze %dma_start3A_119 : memref<1x128x128xf32, #tpu.memory_space<vmem>> -> memref<128x128xf32, #tpu.memory_space<vmem>>
      %dma_start3A_121 = arith.constant 0 : i32
      %dma_start3A_122 = tpu.memref_slice %arg6[%rem3A_92, %dma_start3A_116, %dma_start3A_121] : memref<2x2x128xi32, #tpu.memory_space<vmem>> -> memref<1x1x128xi32, #tpu.memory_space<vmem>>
      %dma_start3A_123 = tpu.memref_squeeze %dma_start3A_122 : memref<1x1x128xi32, #tpu.memory_space<vmem>> -> memref<128xi32, #tpu.memory_space<vmem>>
      %dma_start3A_124 = arith.constant 0 : i32
      %dma_start3A_125 = arith.constant 0 : i32
      %dma_start3A_126 = tpu.memref_slice %arg8[%dma_start3A_124, %dma_start3A_125] : memref<10240x128xf32, #tpu.memory_space<vmem_shared>> -> memref<10240x128xf32, #tpu.memory_space<vmem_shared>>
      %dma_start3A_127 = tpu.memref_slice %arg11[%rem3A_92] : memref<2x!tpu.dma_semaphore, #tpu.memory_space<semaphore_mem>> -> memref<1x!tpu.dma_semaphore, #tpu.memory_space<semaphore_mem>>
      %dma_start3A_128 = tpu.memref_squeeze %dma_start3A_127 : memref<1x!tpu.dma_semaphore, #tpu.memory_space<semaphore_mem>> -> memref<!tpu.dma_semaphore, #tpu.memory_space<semaphore_mem>>
      tpu.enqueue_indirect_dma source(%dma_start3A_120 : memref<128x128xf32, #tpu.memory_space<vmem>>) target(%dma_start3A_126 : memref<10240x128xf32, #tpu.memory_space<vmem_shared>>) offsets(%dma_start3A_123 : memref<128xi32, #tpu.memory_space<vmem>>) semaphore(%dma_start3A_128 : memref<!tpu.dma_semaphore, #tpu.memory_space<semaphore_mem>>) {add = true}
      %add3A_129 = arith.constant 1 : i32
      %add3A_130 = arith.addi %while3A_90, %add3A_129 : i32
      %lt3A_131 = arith.cmpi slt, %add3A_130, %select_n3A : i32
      %convert_element_type3A_132 = arith.extui %lt3A_131 : i1 to i32
      %cond3A_133 = arith.constant 0 : i32
      %cond3A_134 = arith.cmpi ne, %convert_element_type3A_132, %cond3A_133 : i32
      scf.if %cond3A_134 {
        %dma_wait3A_135 = arith.constant 0 : i32
        %dma_wait3A_136 = arith.constant 0 : i32
        %dma_wait3A_137 = arith.constant 0 : i32
        %dma_wait3A_138 = tpu.memref_slice %arg6[%rem3A_95, %dma_wait3A_136, %dma_wait3A_137] : memref<2x2x128xi32, #tpu.memory_space<vmem>> -> memref<1x2x128xi32, #tpu.memory_space<vmem>>
        %dma_wait3A_139 = tpu.memref_squeeze %dma_wait3A_138 : memref<1x2x128xi32, #tpu.memory_space<vmem>> -> memref<2x128xi32, #tpu.memory_space<vmem>>
        %dma_wait3A_140 = arith.constant 0 : i32
        %dma_wait3A_141 = arith.constant 0 : i32
        %dma_wait3A_142 = tpu.memref_slice %arg3[%arg0, %arg1, %dma_wait3A_135, %dma_wait3A_140, %dma_wait3A_141] : memref<2x16x97x2x128xi32, #tpu.memory_space<hbm>> -> memref<1x1x1x2x128xi32, #tpu.memory_space<hbm>>
        %dma_wait3A_143 = tpu.memref_squeeze %dma_wait3A_142 : memref<1x1x1x2x128xi32, #tpu.memory_space<hbm>> -> memref<2x128xi32, #tpu.memory_space<hbm>>
        %dma_wait3A_144 = tpu.memref_slice %arg9[%rem3A_95] : memref<2x!tpu.dma_semaphore, #tpu.memory_space<semaphore_mem>> -> memref<1x!tpu.dma_semaphore, #tpu.memory_space<semaphore_mem>>
        %dma_wait3A_145 = tpu.memref_squeeze %dma_wait3A_144 : memref<1x!tpu.dma_semaphore, #tpu.memory_space<semaphore_mem>> -> memref<!tpu.dma_semaphore, #tpu.memory_space<semaphore_mem>>
        %dma_wait3A_146 = arith.constant 0 : i32
        %dma_wait3A_147 = arith.constant 0 : i32
        %dma_wait3A_148 = tpu.memref_slice %arg6[%rem3A_95, %dma_wait3A_146, %dma_wait3A_147] : memref<2x2x128xi32, #tpu.memory_space<vmem>> -> memref<1x2x128xi32, #tpu.memory_space<vmem>>
        %dma_wait3A_149 = tpu.memref_squeeze %dma_wait3A_148 : memref<1x2x128xi32, #tpu.memory_space<vmem>> -> memref<2x128xi32, #tpu.memory_space<vmem>>
        %dma_wait3A_150 = arith.constant 0 : i32
        %dma_wait3A_151 = arith.constant 0 : i32
        %dma_wait3A_152 = tpu.memref_slice %arg3[%arg0, %arg1, %dma_wait3A_135, %dma_wait3A_150, %dma_wait3A_151] : memref<2x16x97x2x128xi32, #tpu.memory_space<hbm>> -> memref<1x1x1x2x128xi32, #tpu.memory_space<hbm>>
        %dma_wait3A_153 = tpu.memref_squeeze %dma_wait3A_152 : memref<1x1x1x2x128xi32, #tpu.memory_space<hbm>> -> memref<2x128xi32, #tpu.memory_space<hbm>>
        tpu.wait_dma2 semaphore(%dma_wait3A_145 : memref<!tpu.dma_semaphore, #tpu.memory_space<semaphore_mem>>) src(%dma_wait3A_153 : memref<2x128xi32, #tpu.memory_space<hbm>>) dst(%dma_wait3A_149 : memref<2x128xi32, #tpu.memory_space<vmem>>)
        %dma_start3A_154 = arith.constant 0 : i32
        %dma_start3A_155 = arith.constant 0 : i32
        %dma_start3A_156 = arith.constant 0 : i32
        %dma_start3A_157 = tpu.memref_slice %arg7[%rem3A_95, %dma_start3A_155, %dma_start3A_156] : memref<2x128x128xf32, #tpu.memory_space<vmem>> -> memref<1x128x128xf32, #tpu.memory_space<vmem>>
        %dma_start3A_158 = tpu.memref_squeeze %dma_start3A_157 : memref<1x128x128xf32, #tpu.memory_space<vmem>> -> memref<128x128xf32, #tpu.memory_space<vmem>>
        %dma_start3A_159 = arith.constant 0 : i32
        %dma_start3A_160 = tpu.memref_slice %arg6[%rem3A_95, %dma_start3A_154, %dma_start3A_159] : memref<2x2x128xi32, #tpu.memory_space<vmem>> -> memref<1x1x128xi32, #tpu.memory_space<vmem>>
        %dma_start3A_161 = tpu.memref_squeeze %dma_start3A_160 : memref<1x1x128xi32, #tpu.memory_space<vmem>> -> memref<128xi32, #tpu.memory_space<vmem>>
        %dma_start3A_162 = arith.constant 0 : i32
        %dma_start3A_163 = arith.constant 0 : i32
        %dma_start3A_164 = tpu.memref_slice %arg2[%dma_start3A_162, %dma_start3A_163] : memref<10240x128xf32, #tpu.memory_space<hbm>> -> memref<10240x128xf32, #tpu.memory_space<hbm>>
        %dma_start3A_165 = tpu.memref_slice %arg10[%rem3A_95] : memref<2x!tpu.dma_semaphore, #tpu.memory_space<semaphore_mem>> -> memref<1x!tpu.dma_semaphore, #tpu.memory_space<semaphore_mem>>
        %dma_start3A_166 = tpu.memref_squeeze %dma_start3A_165 : memref<1x!tpu.dma_semaphore, #tpu.memory_space<semaphore_mem>> -> memref<!tpu.dma_semaphore, #tpu.memory_space<semaphore_mem>>
        tpu.enqueue_indirect_dma source(%dma_start3A_164 : memref<10240x128xf32, #tpu.memory_space<hbm>>) target(%dma_start3A_158 : memref<128x128xf32, #tpu.memory_space<vmem>>) offsets(%dma_start3A_161 : memref<128xi32, #tpu.memory_space<vmem>>) semaphore(%dma_start3A_166 : memref<!tpu.dma_semaphore, #tpu.memory_space<semaphore_mem>>)
      } else {
      }
    }
    %sub3A = arith.constant 1 : i32
    %sub3A_70 = arith.subi %select_n3A, %sub3A : i32
    %rem3A = arith.constant 2 : i32
    %rem3A_71 = arith.remsi %sub3A_70, %rem3A : i32
    %dma_wait3A_72 = arith.constant 1 : i32
    %dma_wait3A_73 = arith.constant 0 : i32
    %dma_wait3A_74 = arith.constant 0 : i32
    %dma_wait3A_75 = tpu.memref_slice %arg7[%rem3A_71, %dma_wait3A_73, %dma_wait3A_74] : memref<2x128x128xf32, #tpu.memory_space<vmem>> -> memref<1x128x128xf32, #tpu.memory_space<vmem>>
    %dma_wait3A_76 = tpu.memref_squeeze %dma_wait3A_75 : memref<1x128x128xf32, #tpu.memory_space<vmem>> -> memref<128x128xf32, #tpu.memory_space<vmem>>
    %dma_wait3A_77 = arith.constant 0 : i32
    %dma_wait3A_78 = tpu.memref_slice %arg6[%rem3A_71, %dma_wait3A_72, %dma_wait3A_77] : memref<2x2x128xi32, #tpu.memory_space<vmem>> -> memref<1x1x128xi32, #tpu.memory_space<vmem>>
    %dma_wait3A_79 = tpu.memref_squeeze %dma_wait3A_78 : memref<1x1x128xi32, #tpu.memory_space<vmem>> -> memref<128xi32, #tpu.memory_space<vmem>>
    %dma_wait3A_80 = arith.constant 0 : i32
    %dma_wait3A_81 = arith.constant 0 : i32
    %dma_wait3A_82 = tpu.memref_slice %arg8[%dma_wait3A_80, %dma_wait3A_81] : memref<10240x128xf32, #tpu.memory_space<vmem_shared>> -> memref<10240x128xf32, #tpu.memory_space<vmem_shared>>
    %dma_wait3A_83 = tpu.memref_slice %arg11[%rem3A_71] : memref<2x!tpu.dma_semaphore, #tpu.memory_space<semaphore_mem>> -> memref<1x!tpu.dma_semaphore, #tpu.memory_space<semaphore_mem>>
    %dma_wait3A_84 = tpu.memref_squeeze %dma_wait3A_83 : memref<1x!tpu.dma_semaphore, #tpu.memory_space<semaphore_mem>> -> memref<!tpu.dma_semaphore, #tpu.memory_space<semaphore_mem>>
    tpu.wait_indirect_dma semaphore(%dma_wait3A_84 : memref<!tpu.dma_semaphore, #tpu.memory_space<semaphore_mem>>) src(%dma_wait3A_76 : memref<128x128xf32, #tpu.memory_space<vmem>>) dst(%dma_wait3A_82 : memref<10240x128xf32, #tpu.memory_space<vmem_shared>>)
    %barrier3A_85 = arith.constant 0 : index
    tpu.barrier barrier_id(%barrier3A_85)
    %mul3A_86 = arith.constant 640 : i32
    %mul3A_87 = arith.muli %arg1, %mul3A_86 : i32
    %mul3A_88 = arith.constant 640 : i32
    %mul3A_89 = arith.muli %arg1, %mul3A_88 : i32
    "tpu.region"() ({
      %run_scoped3A = tpu.sem_alloc : memref<!tpu.dma_semaphore, #tpu.memory_space<semaphore_mem>>
      %dma_start3A_90 = arith.constant 0 : i32
      %dma_start3A_91 = tpu.memref_slice %arg5[%arg0, %mul3A_89, %dma_start3A_90] : memref<2x10240x128xf32, #tpu.memory_space<hbm>> -> memref<1x640x128xf32, #tpu.memory_space<hbm>>
      %dma_start3A_92 = tpu.memref_squeeze %dma_start3A_91 : memref<1x640x128xf32, #tpu.memory_space<hbm>> -> memref<640x128xf32, #tpu.memory_space<hbm>>
      %dma_start3A_93 = arith.constant 0 : i32
      %dma_start3A_94 = tpu.memref_slice %arg8[%mul3A_87, %dma_start3A_93] : memref<10240x128xf32, #tpu.memory_space<vmem_shared>> -> memref<640x128xf32, #tpu.memory_space<vmem_shared>>
      tpu.enqueue_dma source(%dma_start3A_94 : memref<640x128xf32, #tpu.memory_space<vmem_shared>>) target(%dma_start3A_92 : memref<640x128xf32, #tpu.memory_space<hbm>>) target_semaphore(%run_scoped3A : memref<!tpu.dma_semaphore, #tpu.memory_space<semaphore_mem>>)
      %dma_wait3A_95 = arith.constant 0 : i32
      %dma_wait3A_96 = tpu.memref_slice %arg5[%arg0, %mul3A_89, %dma_wait3A_95] : memref<2x10240x128xf32, #tpu.memory_space<hbm>> -> memref<1x640x128xf32, #tpu.memory_space<hbm>>
      %dma_wait3A_97 = tpu.memref_squeeze %dma_wait3A_96 : memref<1x640x128xf32, #tpu.memory_space<hbm>> -> memref<640x128xf32, #tpu.memory_space<hbm>>
      %dma_wait3A_98 = arith.constant 0 : i32
      %dma_wait3A_99 = tpu.memref_slice %arg8[%mul3A_87, %dma_wait3A_98] : memref<10240x128xf32, #tpu.memory_space<vmem_shared>> -> memref<640x128xf32, #tpu.memory_space<vmem_shared>>
      tpu.wait_dma2 semaphore(%run_scoped3A : memref<!tpu.dma_semaphore, #tpu.memory_space<semaphore_mem>>) src(%dma_wait3A_99 : memref<640x128xf32, #tpu.memory_space<vmem_shared>>) dst(%dma_wait3A_97 : memref<640x128xf32, #tpu.memory_space<hbm>>)
      tpu.yield
    }) : () -> ()
    return
  }
}

module attributes {stable_mosaic.version = 14 : i64} {
  func.func @sage_tc_dense(%arg0: i32, %arg1: memref<1024x128xf32, #tpu.memory_space<vmem>>, %arg2: memref<1024x128xf32, #tpu.memory_space<vmem>>, %arg3: memref<1024x128xf32, #tpu.memory_space<vmem>>, %arg4: memref<1024x1xf32, #tpu.memory_space<vmem>>, %arg5: memref<1024x1xf32, #tpu.memory_space<vmem>>, %arg6: memref<128x128xf32, #tpu.memory_space<vmem>>, %arg7: memref<128x128xf32, #tpu.memory_space<vmem>>, %arg8: memref<1x128xf32, #tpu.memory_space<vmem>>, %arg9: memref<1024x128xf32, #tpu.memory_space<vmem>>) attributes {dimension_semantics = [#tpu.dimension_semantics<arbitrary>], iteration_bounds = array<i64: 10>, scalar_prefetch = 0 : i64, scratch_operands = 0 : i64, tpu.core_type = #tpu.core_type<tc>, window_params = [{transform_indices = @transform_0, window_bounds = array<i64: 1024, 128>}, {transform_indices = @transform_1, window_bounds = array<i64: 1024, 128>}, {transform_indices = @transform_2, window_bounds = array<i64: 1024, 128>}, {transform_indices = @transform_3, window_bounds = array<i64: 1024, 1>}, {transform_indices = @transform_4, window_bounds = array<i64: 1024, 1>}, {pipeline_mode = #tpu.pipeline_mode<synchronous>, transform_indices = @transform_5, window_bounds = array<i64: 128, 128>}, {pipeline_mode = #tpu.pipeline_mode<synchronous>, transform_indices = @transform_6, window_bounds = array<i64: 128, 128>}, {pipeline_mode = #tpu.pipeline_mode<synchronous>, transform_indices = @transform_7, window_bounds = array<i64: 1, 128>}, {transform_indices = @transform_8, window_bounds = array<i64: 1024, 128>}]} {
    %get3A = arith.constant 0 : index
    %get3A_0 = arith.constant 0 : index
    %get3A_1 = vector.load %arg4[%get3A, %get3A_0] : memref<1024x1xf32, #tpu.memory_space<vmem>>, vector<1024x1xf32>
    %get3A_2 = arith.constant 0 : index
    %get3A_3 = arith.constant 0 : index
    %get3A_4 = vector.load %arg5[%get3A_2, %get3A_3] : memref<1024x1xf32, #tpu.memory_space<vmem>>, vector<1024x1xf32>
    %add3A = arith.addf %get3A_1, %get3A_4 : vector<1024x1xf32>
    %jit3A = arith.constant 1.000000e+00 : f32
    %max3A = vector.broadcast %jit3A : f32 to vector<1024x1xf32>
    %max3A_5 = arith.maximumf %max3A, %add3A : vector<1024x1xf32>
    %get3A_6 = arith.constant 0 : index
    %get3A_7 = arith.constant 0 : index
    %get3A_8 = vector.load %arg2[%get3A_6, %get3A_7] : memref<1024x128xf32, #tpu.memory_space<vmem>>, vector<1024x128xf32>
    %get3A_9 = arith.constant 0 : index
    %get3A_10 = arith.constant 0 : index
    %get3A_11 = vector.load %arg3[%get3A_9, %get3A_10] : memref<1024x128xf32, #tpu.memory_space<vmem>>, vector<1024x128xf32>
    %add3A_12 = arith.addf %get3A_8, %get3A_11 : vector<1024x128xf32>
    %div3A = vector.broadcast %max3A_5 : vector<1024x1xf32> to vector<1024x128xf32>
    %div3A_13 = arith.divf %add3A_12, %div3A : vector<1024x128xf32>
    %get3A_14 = arith.constant 0 : index
    %get3A_15 = arith.constant 0 : index
    %get3A_16 = vector.load %arg1[%get3A_14, %get3A_15] : memref<1024x128xf32, #tpu.memory_space<vmem>>, vector<1024x128xf32>
    %get3A_17 = arith.constant 0 : index
    %get3A_18 = arith.constant 0 : index
    %get3A_19 = vector.load %arg6[%get3A_17, %get3A_18] : memref<128x128xf32, #tpu.memory_space<vmem>>, vector<128x128xf32>
    %dot_general3A = arith.constant dense<0.000000e+00> : vector<1024x128xf32>
    %dot_general3A_20 = tpu.matmul %get3A_16, %get3A_19, %dot_general3A {dimension_numbers = #tpu.dot_dimension_numbers<[1], [0], [0], [1], [0, 0, 1, 1], [], []>, transpose_lhs_hint = false} : vector<1024x128xf32>, vector<128x128xf32>, vector<1024x128xf32> -> vector<1024x128xf32>
    %get3A_21 = arith.constant 0 : index
    %get3A_22 = arith.constant 0 : index
    %get3A_23 = vector.load %arg7[%get3A_21, %get3A_22] : memref<128x128xf32, #tpu.memory_space<vmem>>, vector<128x128xf32>
    %dot_general3A_24 = arith.constant dense<0.000000e+00> : vector<1024x128xf32>
    %dot_general3A_25 = tpu.matmul %div3A_13, %get3A_23, %dot_general3A_24 {dimension_numbers = #tpu.dot_dimension_numbers<[1], [0], [0], [1], [0, 0, 1, 1], [], []>, transpose_lhs_hint = false} : vector<1024x128xf32>, vector<128x128xf32>, vector<1024x128xf32> -> vector<1024x128xf32>
    %add3A_26 = arith.addf %dot_general3A_20, %dot_general3A_25 : vector<1024x128xf32>
    %get3A_27 = arith.constant 0 : index
    %get3A_28 = arith.constant 0 : index
    %get3A_29 = vector.load %arg8[%get3A_27, %get3A_28] : memref<1x128xf32, #tpu.memory_space<vmem>>, vector<1x128xf32>
    %add3A_30 = vector.broadcast %get3A_29 : vector<1x128xf32> to vector<1024x128xf32>
    %add3A_31 = arith.addf %add3A_26, %add3A_30 : vector<1024x128xf32>
    %max3A_32 = arith.constant 0.000000e+00 : f32
    %max3A_33 = vector.broadcast %max3A_32 : f32 to vector<1024x128xf32>
    %max3A_34 = arith.maximumf %add3A_31, %max3A_33 : vector<1024x128xf32>
    %add3A_35 = arith.addf %max3A_34, %get3A_16 : vector<1024x128xf32>
    %swap3A = arith.constant 0 : index
    %swap3A_36 = arith.constant 0 : index
    %swap3A_37 = vector.load %arg9[%swap3A, %swap3A_36] : memref<1024x128xf32, #tpu.memory_space<vmem>>, vector<1024x128xf32>
    tpu.vector_store %arg9[%swap3A, %swap3A_36], %add3A_35 {strides = array<i32>} : memref<1024x128xf32, #tpu.memory_space<vmem>>, vector<1024x128xf32>,
    return
  }
  func.func @transform_0(%arg0: i32) -> (i32, i32) {
    %c0_i32 = arith.constant 0 : i32
    %c0_i32_0 = arith.constant 0 : i32
    return %arg0, %c0_i32 : i32, i32
  }
  func.func @transform_1(%arg0: i32) -> (i32, i32) {
    %c0_i32 = arith.constant 0 : i32
    %c0_i32_0 = arith.constant 0 : i32
    return %arg0, %c0_i32 : i32, i32
  }
  func.func @transform_2(%arg0: i32) -> (i32, i32) {
    %c0_i32 = arith.constant 0 : i32
    %c0_i32_0 = arith.constant 0 : i32
    return %arg0, %c0_i32 : i32, i32
  }
  func.func @transform_3(%arg0: i32) -> (i32, i32) {
    %c0_i32 = arith.constant 0 : i32
    %c0_i32_0 = arith.constant 0 : i32
    return %arg0, %c0_i32 : i32, i32
  }
  func.func @transform_4(%arg0: i32) -> (i32, i32) {
    %c0_i32 = arith.constant 0 : i32
    %c0_i32_0 = arith.constant 0 : i32
    return %arg0, %c0_i32 : i32, i32
  }
  func.func @transform_5(%arg0: i32) -> (i32, i32) {
    %c0_i32 = arith.constant 0 : i32
    %c0_i32_0 = arith.constant 0 : i32
    %c0_i32_1 = arith.constant 0 : i32
    return %c0_i32, %c0_i32_0 : i32, i32
  }
  func.func @transform_6(%arg0: i32) -> (i32, i32) {
    %c0_i32 = arith.constant 0 : i32
    %c0_i32_0 = arith.constant 0 : i32
    %c0_i32_1 = arith.constant 0 : i32
    return %c0_i32, %c0_i32_0 : i32, i32
  }
  func.func @transform_7(%arg0: i32) -> (i32, i32) {
    %c0_i32 = arith.constant 0 : i32
    %c0_i32_0 = arith.constant 0 : i32
    %c0_i32_1 = arith.constant 0 : i32
    return %c0_i32, %c0_i32_0 : i32, i32
  }
  func.func @transform_8(%arg0: i32) -> (i32, i32) {
    %c0_i32 = arith.constant 0 : i32
    %c0_i32_0 = arith.constant 0 : i32
    return %arg0, %c0_i32 : i32, i32
  }
}

</mosaic_0001>

<sc_bundles>
// kernel: sage_sc_agg.11.cloned.1.call-start
scs
__scs_entry_jumppad:
0x0: {  	(pc) =	sbr.rel $0x88, $3  }
0x1: {  	(tag) =	ssettag $0x0;
	lr =	simm.s32 $0x1  }
0x2: {  	[smem:$0x3F96] =	sst lr;
	_ =	strace $0xD0000000  }
0x3: {  	_ = 	snop  }
0x4: {  	_ = 	snop  }
0x5: {  	_ = 	snop  }
0x6: {  	_ = 	snop  }
0x7: {  	_ = 	snop  }
__scs_overlays_trampoline_lowered:
0x8: {  	[smem:$0x3FA5] =	sst s0  }
0x9: {  	[smem:$0x3FA6] =	sst s1  }
0xa: {  	[smem:$0x3FA7] =	sst s2  }
0xb: {  	[smem:$0x3FA8] =	sst s3  }
0xc: {  	[smem:$0x3FA9] =	sst s4  }
0xd: {  	[smem:$0x3FAA] =	sst s5  }
0xe: {  	[smem:$0x3FAB] =	sst s6  }
0xf: {  	[smem:$0x3FAC] =	sst s7  }
0x10: {  	[smem:$0x3FAD] =	sst s8  }
0x11: {  	[smem:$0x3FAE] =	sst s9;
	s0 =	simm.s32 @!p0 $0x0  }
0x12: {  	s1 =	sld [smem:$0x3F94];
	s0 =	simm.s32 @p0 $0x1  }
0x13: {  	[smem:$0x3FAF] =	sst s0;
	s0 =	simm.s32 @!p1 $0x0  }
0x14: {  	s2 =	sld [smem:$0x3F93];
	s0 =	simm.s32 @p1 $0x1  }
0x15: {  	[smem:$0x3FB0] =	sst s0;
	s0 =	simm.s32 @!p2 $0x0  }
0x16: {  	s3 =	sld [smem:$0x3FDB];
	s0 =	simm.s32 @p2 $0x1  }
0x17: {  	s4 =	simm.s32 $0x1BF5;
	[smem:$0x3FB2] =	sst s0  }
0x18: {  	s0 =	sld [smem:$0x3F95];
	_ =	swait.ge [sflag:s4], $0x0  }
0x19: {  	s7 =	sld [smem:$0x3F96]  }
0x1a: {  	s8 =	sadd.s32 $0xFFFFE003, lr  }
0x1b: {  	s9 =	sadd.s32 $0xFFFFFEF7, lr;
	s5 =	simm.s32 $0xFFFFFFFF;
	p2 =	slt.u32 s8, $0xFFFFF086  }
0x1c: {  	p1 =	slt.u32 s9, $0xF7A;
	s5 =	simm.s32 @!p2 $0x0  }
0x1d: {  	s5 =	simm.s32 @p1 $0x1;
	p0 =	seq.s32 s7, s2  }
0x1e: {  	s7 =	smul.u32 @!p0 $0xF7A, s2;
	p2 =	seq.s32 @!p0 s5, $0x0  }
0x1f: {  	s9 =	smul.u32 $0xF7A, s1;
	s8 =	simm.s32 @!p0 $0x1BF5;
	p2 =	por !p2, p0  }
0x20: {  	[sflag:s8] =	ssyncset.s32 @!p0 $0xFFFFF086;
	s6 =	sadd.s32 @!p0 s3, s7;
	s7 =	simm.s32 @!p0 $0x108  }
0x21: {  	s3 =	sadd.s32 s3, s9;
	s6 =	sadd.s32 @!p0 $0x88, s6;
	s7 =	simm.s32 @p2 $0x1082  }
0x22: {  	[simem:s7], [sflag:s8] =	dma.local @!p0 [hbm:s6], $0xF7A  }
0x23: {  	s9 =	sor.u32 $0xD0000000, s2;
	s6 =	simm.s32 $0x108;
	_ =	swait.ge @!p0 [sflag:s8], $0x0  }
0x24: {  	s3 =	sadd.s32 $0x88, s3;
	s6 =	simm.s32 @!p1 $0x1082;
	[sflag:s4] =	ssyncset.s32 $0xFFFFF086  }
0x25: {  	[simem:s6], [sflag:s4] =	dma.local [hbm:s3], $0xF7A  }
0x26: {  	[smem:$0x3F96] =	sst s1;
	(tag) =	ssettag s2;
	_ =	strace s9  }
0x27: {  	s1 =	sld [smem:$0x3FA6]  }
0x28: {  	s2 =	sld [smem:$0x3FA7]  }
0x29: {  	s4 =	sld [smem:$0x3FA9]  }
0x2a: {  	p0 =	seq.s32 s5, $0x0;
	s5 =	sld [smem:$0x3FAA]  }
0x2b: {  	s6 =	sld [smem:$0x3FAB]  }
0x2c: {  	s7 =	sld [smem:$0x3FAC]  }
0x2d: {  	s3 =	simm.s32 $0x108;
	s8 =	sld [smem:$0x3FAD]  }
0x2e: {  	s3 =	simm.s32 @!p0 $0x1082;
	s9 =	sld [smem:$0x3FAE]  }
0x2f: {  	lr =	sadd.s32 s0, s3;
	s0 =	sld [smem:$0x3FA5]  }
0x30: {  	s3 =	sld [smem:$0x3FA8]  }
0x31: {  	[smem:$0x3FB1] =	sst s10  }
0x32: {  	s10 =	sld [smem:$0x3FAF];
	_ =	sdelay $0x3  }
0x33: {  	p0 =	seq.s32 s10, $0x1;
	s10 =	sld [smem:$0x3FB1];
	_ =	sdelay $0x3  }
0x34: {  	[smem:$0x3FB1] =	sst s10  }
0x35: {  	s10 =	sld [smem:$0x3FB0];
	_ =	sdelay $0x3  }
0x36: {  	p1 =	seq.s32 s10, $0x1;
	s10 =	sld [smem:$0x3FB1];
	_ =	sdelay $0x3  }
0x37: {  	[smem:$0x3FB1] =	sst s10  }
0x38: {  	s10 =	sld [smem:$0x3FB2]  }
0x39: {  	_ = 	snop;
	(pc) =	sbr.ind lr, $3  }
0x3a: {  	_ = 	snop  }
0x3b: {  	_ = 	snop  }
0x3c: {  	p2 =	seq.s32 s10, $0x1;
	s10 =	sld [smem:$0x3FB1]  }
0x3d: {  	_ =	shalt  }
0x3e: {  	_ =	shalt  }
0x3f: {  	_ =	shalt  }
0x40: {  	_ =	shalt  }
0x41: {  	_ =	shalt  }
0x42: {  	_ =	shalt  }
0x43: {  	_ =	shalt  }
0x44: {  	_ =	shalt  }
0x45: {  	_ =	shalt  }
0x46: {  	_ =	shalt  }
0x47: {  	_ =	shalt  }
0x48: {  	_ =	shalt  }
0x49: {  	_ =	shalt  }
0x4a: {  	_ =	shalt  }
0x4b: {  	_ =	shalt  }
0x4c: {  	_ =	shalt  }
0x4d: {  	_ =	shalt  }
0x4e: {  	_ =	shalt  }
0x4f: {  	_ =	shalt  }
0x50: {  	_ =	shalt  }
0x51: {  	_ =	shalt  }
0x52: {  	_ =	shalt  }
0x53: {  	_ =	shalt  }
0x54: {  	_ =	shalt  }
0x55: {  	_ =	shalt  }
0x56: {  	_ =	shalt  }
0x57: {  	_ =	shalt  }
0x58: {  	_ =	shalt  }
0x59: {  	_ =	shalt  }
0x5a: {  	_ =	shalt  }
0x5b: {  	_ =	shalt  }
0x5c: {  	_ =	shalt  }
0x5d: {  	_ =	shalt  }
0x5e: {  	_ =	shalt  }
0x5f: {  	_ =	shalt  }
0x60: {  	_ =	shalt  }
0x61: {  	_ =	shalt  }
0x62: {  	_ =	shalt  }
0x63: {  	_ =	shalt  }
0x64: {  	_ =	shalt  }
0x65: {  	_ =	shalt  }
0x66: {  	_ =	shalt  }
0x67: {  	_ =	shalt  }
0x68: {  	_ =	shalt  }
0x69: {  	_ =	shalt  }
0x6a: {  	_ =	shalt  }
0x6b: {  	_ =	shalt  }
0x6c: {  	_ =	shalt  }
0x6d: {  	_ =	shalt  }
0x6e: {  	_ =	shalt  }
0x6f: {  	_ =	shalt  }
0x70: {  	_ =	shalt  }
0x71: {  	_ =	shalt  }
0x72: {  	_ =	shalt  }
0x73: {  	_ =	shalt  }
0x74: {  	_ =	shalt  }
0x75: {  	_ =	shalt  }
0x76: {  	_ =	shalt  }
0x77: {  	_ =	shalt  }
0x78: {  	_ =	shalt  }
0x79: {  	_ =	shalt  }
0x7a: {  	_ =	shalt  }
0x7b: {  	_ =	shalt  }
0x7c: {  	_ =	shalt  }
0x7d: {  	_ =	shalt  }
0x7e: {  	_ =	shalt  }
0x7f: {  	_ =	shalt  }
0x80: {  	_ =	shalt  }
0x81: {  	_ =	shalt  }
0x82: {  	_ =	shalt  }
0x83: {  	_ =	shalt  }
0x84: {  	_ =	shalt  }
0x85: {  	_ =	shalt  }
0x86: {  	_ =	shalt  }
0x87: {  	_ =	shalt  }
.Lfunc_end0:
.L_simem_size_0:
called_computation.3_lowered:
.L_overlay_start_0:
0x88: {  	s2 =	sld [smem:$0x3FD9]  }
0x89: {  	s3 =	sld [smem:$0x3FFE];
	_ =	sdelay $0x1  }
0x8a: {  	s1 =	srdreg.scid  }
0x8b: {  	s0 =	sand.u32 $0x1, s1  }
0x8c: {  	s17 =	sshll.u32 s0, $0xA;
	s2 =	sadd.s32 s3, s2  }
0x8d: {  	s2 =	sadd.s32 s2, s17  }
0x8e: {  	[smem:$0x3FBD] =	sst s2  }
0x8f: {  	_ = 	snop  }
0x90: {  	s2 =	sld [smem:$0x3FD0];
	(tm) =	ssettm $0x1  }
0x91: {  	s18 =	sld [smem:$0x3FFB];
	_ =	sdelay $0x3  }
0x92: {  	_ =	strace s18  }
0x93: {  	s3 =	sld [smem:$0x3FFC];
	_ =	sdelay $0x3  }
0x94: {  	_ =	strace s3  }
0x95: {  	s3 =	sld [smem:$0x3FFD];
	_ =	sdelay $0x3  }
0x96: {  	_ =	strace s3  }
0x97: {  	_ =	strace $0x8FFFFFFF  }
0x98: {  	s19 =	sld [smem:$0x3FDB];
	_ =	sdelay $0x1  }
0x99: {  	s4 =	simm.s32 $_scs_section_size  }
0x9a: {  	s5 =	simm.s32 $_size__tile_overlayer_lowered;
	s6 =	simm.s32 $_tile_overlayer_lowered  }
0x9b: {  	s22 =	simm.s32 $0x1BFF;
	s21 =	sshll.u32 s6, $0x1;
	s3 =	sadd.s32 s4, s19  }
0x9c: {  	s7 =	simm.s32 $0x0;
	s20 =	sshll.u32 s5, $0x1;
	s5 =	sadd.s32 s21, s3  }
0x9d: {  	[timem:s7], [sflag:s22] =	dma.local [hbm:s5], s20  }
0x9e: {  	_ =	swait.ge [sflag:s22], s20  }
0x9f: {  	s4 =	ssub.s32 $0x0, s20;
	[sflag:s22] =	ssyncset.done $0x0  }
0xa0: {  	[sflag:s22] =	ssyncadd.s32 s4;
	_ =	sdelay $0x1  }
0xa1: {  	s23 =	simm.s32 $0x1B8B  }
0xa2: {  	_ =	swait.ge [sflag:s23], $0x1  }
0xa3: {  	[sflag:s23] =	ssyncset.done $0x0  }
0xa4: {  	s25 =	simm.s32 $0x1B8E;
	s24 =	sld [smem:$0x3FFE];
	[sflag:s23] =	ssyncadd.s32 $0xFFFFFFFF  }
0xa5: {  	s26 =	simm.s32 $execute0_lowered;
	[smem:$0x3FD2] =	sst s25  }
0xa6: {  	s5 =	sshll.u32 s26, $0x1;
	_ =	strace $0x8000004F;
	[dreg:$0x1] =	wrdreg $0xFFFFFFFF  }
0xa7: {  	s28 =	simm.s32 $_size_execute0_lowered;
	s3 =	sadd.s32 s3, s5;
	[dreg:$0x0] =	wrdreg $0x0  }
0xa8: {  	s5 =	sshll.u32 s28, $0x1;
	[dreg:$0x2] =	wrdreg s3  }
0xa9: {  	[dreg:$0x3] =	wrdreg s5  }
0xaa: {  	[dreg:$0x4] =	wrdreg $0xC0  }
0xab: {  	_ =	task [dreg:s7], $0x5FFFF  }
0xac: {  	[dreg:$0x1] =	wrdreg $0xFFFFFFFF  }
0xad: {  	[dreg:$0x0] =	wrdreg $0x60  }
0xae: {  	[dreg:$0x2] =	wrdreg s24  }
0xaf: {  	[dreg:$0x3] =	wrdreg s2  }
0xb0: {  	[dreg:$0x4] =	wrdreg $0x82000  }
0xb1: {  	[dreg:$0x5] =	wrdreg $0x9  }
0xb2: {  	_ =	task.clear_ibuf [dreg:s7], $0x6FFFF;
	_ =	strace $0x9000004F  }
0xb3: {  	s29 =	simm.s32 $0x9;
	_ =	strace $0x80000051  }
0xb4: {  	_ =	swait.ge [sflag:s29], $0x1  }
0xb5: {  	[sflag:s29] =	ssyncadd.s32 $0xFFFFFFFF  }
0xb6: {  	_ =	strace $0x90000051  }
0xb7: {  	_ =	sfence  }
0xb8: {  	s30 =	sld [smem:$0x0];
	_ =	sdelay $0x2  }
0xb9: {  	s31 =	sshll.u32 s1, $0xD;
	s1 =	sshrl.u32 s1, $0x2  }
0xba: {  	s3 =	sand.u32 $0x4000, s31;
	s1 =	sadd.s32 s1, s30  }
0xbb: {  	s0 =	sor.u32 s3, s0;
	s1 =	sshll.u32 s1, $0x11  }
0xbc: {  	s0 =	sor.u32 s1, s0  }
0xbd: {  	s0 =	sadd.s32 $0x8F2B, s0  }
0xbe: {  	[sflag:s0] =	ssyncadd.remote.s32 $0x1  }
0xbf: {  	_ =	sfence.sel $0xFFFF  }
0xc0: {  	[dreg:$0x0] =	wrdreg $0xFFFFFFFF;
	(pc) =	sbr.abs _section_cstart, $3  }
0xc1: {  	[dreg:$0x1] =	wrdreg $0xFFFFFFFF  }
0xc2: {  	_ =	task.clear_ibuf [dreg:s7], $0x2FFFF;
	_ =	strace $0x9FFFFFFF  }
0xc3: {  	(tm) =	ssettm $0x7FFFFFFF  }
tec
execute0_lowered:
.L_overlay_start_1:
0x0: {  	(tag) =	ssettag $0x1  }
0x1: {  	s0 =	rddreg [dreg:$0x0]  }
0x2: {  	s1 =	rddreg [dreg:$0x1]  }
0x3: {  	s2 =	rddreg [dreg:$0x2]  }
0x4: {  	s13 =	stileid.u32;
	s4 =	srdreg.scid;
	s3 =	simm.s32 $0x0  }
0x5: {  	s16 =	simm.s32 $0x7;
	s17 =	simm.s32 $0x1;
	s18 =	simm.s32 $0x80  }
0x6: {  	s19 =	simm.s32 $0x200;
	s20 =	simm.s32 $0x100;
	s5 =	smul.u32 $0x14000, s13  }
0x7: {  	s6 =	sand.u32 $0x1, s4;
	[smem:$0x7FF] =	sst s3;
	s10 =	smul.u32 $0x50000, s13  }
0x8: {  	s4 =	sadd.s32 $0x4200, s0;
	s11 =	smul.u32 $0x6100, s13;
	s24 =	sshll.u32 s13, $0x6  }
0x9: {  	s7 =	smul.u32 $0x140000, s6;
	_ =	strace $0x80000050;
	s22 =	ssub.s32 $0x2, s6  }
0xa: {  	p0 =	seq.s32 s6, $0x0;
	s6 =	smul.u32 $0x61000, s6;
	s8 =	sshrl.u32 s5, $0x3  }
0xb: {  	s9 =	sshrl.u32 s22, $0x1;
	s10 =	sshrl.u32 s10, $0x2;
	s5 =	sadd.s32 s5, s7  }
0xc: {  	s21 =	sadd.s32 s8, s0;
	s12 =	ssub.s32 s22, s9;
	s10 =	sadd.s32 s10, s2  }
0xd: {  	s6 =	sadd.s32 s11, s6;
	s5 =	sshrl.u32 s5, $0x3;
	s7 =	sadd.s32 $0x2C200, s21  }
0xe: {  	s25 =	sshrl.u32 s6, $0x3;
	s29 =	sadd.s32 $0x300, s6;
	s6 =	sadd.s32 $0x200, s6  }
0xf: {  	s31 =	smax.u32 s12, $0x1;
	s15 =	sshrl.u32 s10, $0x3;
	s21 =	simm.s32 $0x3  }
0x10: {  	s0 =	sadd.s32 s5, s0;
	s5 =	simm.s32 $0x61;
	[dreg:$0x4] =	wrdreg s7  }
0x11: {  	s7 =	sor.u32 $0x1C07, s24;
	s28 =	sadd.s32 s1, s25;
	s30 =	sshrl.u32 s29, $0x3  }
0x12: {  	[dreg:$0x6] =	wrdreg s31;
	s6 =	sshrl.u32 s6, $0x3;
	s5 =	simm.s32 @!p0 $0x3C  }
0x13: {  	s0 =	sadd.s32 $0xA4200, s0;
	s12 =	smov.u32 s28;
	s8 =	sadd.s32 $0x20, s28  }
0x14: {  	s14 =	sadd.s32 s6, s1;
	s23 =	sxor.u32 $0xFFFFFFFF, s5;
	[dreg:$0x5] =	wrdreg s0  }
0x15: {  	s0 =	sadd.s32 s30, s1;
	[dreg:$0x7] =	wrdreg s8;
	s26 =	sand.u32 $0x1, s23  }
0x16: {  	s13 =	ssub.s32 $0x20, s0;
	s23 =	simm.s32 $0x0;
	s9 =	sadd.s32 $0x5, s26  }
.LBB2_1:
0x17: {  	s0 =	rddreg [dreg:$0x4]  }
0x18: {  	[spmem:s15], [sflag:s7] =	dma.local [hbm:s0], $0x2800  }
0x19: {  	_ =	swait.ge [sflag:s16], $0x2800  }
0x1a: {  	[sflag:s16] =	ssyncset.done $0x0  }
0x1b: {  	[sflag:s16] =	ssyncadd.s32 $0xFFFFD800  }
0x1c: {  	[bflag:$0x0] =	sbarrier.arrive $0xFFFF  }
0x1d: {  	[tilespmem:s3], [sflag:$0x1] =	stream.linear.gather [hbm4b:s12+s3], $0x100, $0x38;
	[tilespmem:$0x1C200] =	vst v63  }
0x1e: {  	_ =	swait.ge [sflag:s17], $0x100  }
0x1f: {  	[sflag:s17] =	ssyncset.done $0x0  }
0x20: {  	[sflag:s17] =	ssyncadd.s32 $0xFFFFFF00  }
0x21: {  	[tilespmem:s19], [sflag:$0x3] =	stream.indirect.gather [hbm4b:s4+s18], $0x80, s3, s18, $0xb8;
	[tilespmem:$0x1C200] =	vst v63  }
0x22: {  	s30 =	rddreg [dreg:$0x7]  }
0x23: {  	[tilespmem:s20], [sflag:$0x2] =	stream.linear.gather [hbm4b:s30+s3], $0x100, $0x38;
	[tilespmem:$0x1C200] =	vst v63  }
0x24: {  	_ =	swait.ge [sflag:s21], $0x4000  }
0x25: {  	[sflag:s21] =	ssyncset.done $0x0  }
0x26: {  	p1 =	sne.s32 s5, $0x3;
	[sflag:s21] =	ssyncadd.s32 $0xFFFFC000  }
0x27: {  	[spmem:s2] =	stream.indirect.scatter.add.f32 [tilespmem:s19], [sflag:$0x5], $0x80, s18, s18, $0xb8;
	[tilespmem:$0x1C200] =	vst v63  }
.Ltmp0:
0x28: {  	s29 =	simm.s32 $0x2;
	(pc) =	sbr.rel @!p1 .LBB2_2-.Ltmp0, $4  }
0x29: {  	s31 =	simm.s32 $0x4200;
	s22 =	simm.s32 $0x3;
	_ =	swait.ge [sflag:s29], $0x100  }
0x2a: {  	p0 =	por $0x0, $0x0;
	s0 =	sand.u32 $0x1, s29;
	[sflag:s29] =	ssyncset.done $0x0  }
0x2b: {  	s1 =	sshll.u32 s0, $0xE;
	s24 =	sadd.s32 $0x5, s0;
	[sflag:s29] =	ssyncadd.s32 $0xFFFFFF00  }
0x2c: {  	[tilespmem:s31], [sflag:$0x4] =	stream.indirect.gather [hbm4b:s4+s18], $0x80, s20, s18, $0xb8;
	[tilespmem:$0x1C200] =	vst v63  }
0x2d: {  	_ =	swait.ge [sflag:s24], $0x4000;
	s6 =	simm.s32 $0x1  }
0x2e: {  	s26 =	sadd.s32 $0x1, s0;
	s28 =	sshll.u32 s0, $0x8;
	s29 =	sand.u32 $0x1, s22  }
0x2f: {  	s30 =	simm.s32 $0x4;
	p1 =	sne.s32 s5, $0x4;
	p0 =	por $0x1, $0x1  }
0x30: {  	[sflag:s24] =	ssyncset.done $0x0;
	s6 =	sand.u32 $0x1, s6;
	s31 =	sshll.u32 s29, $0xE  }
0x31: {  	[sflag:s24] =	ssyncadd.s32 $0xFFFFC000;
	s10 =	sadd.s32 $0x3, s6;
	s11 =	sshll.u32 s6, $0x8  }
0x32: {  	[tilespmem:s28], [sflag:s26] =	stream.linear.gather [hbm4b:s14+s3], $0x100, $0x38;
	[tilespmem:$0x1C200] =	vst v63  }
0x33: {  	s25 =	sshll.u32 s6, $0xE;
	s6 =	sadd.s32 $0x5, s6;
	_ =	swait.ge [sflag:s10], $0x4000  }
.Ltmp1:
0x34: {  	s24 =	sor.u32 $0x80, s11;
	[sflag:s10] =	ssyncset.done $0x0;
	(pc) =	sbr.rel @!p1 .LBB2_4-.Ltmp1, $4  }
0x35: {  	s25 =	sor.u32 $0x200, s25;
	[sflag:s10] =	ssyncadd.s32 $0xFFFFC000;
	s10 =	sor.u32 $0x200, s1  }
0x36: {  	[spmem:s2] =	stream.indirect.scatter.add.f32 [tilespmem:s25], [sflag:s6], $0x80, s24, s18, $0xb8;
	[tilespmem:$0x1C200] =	vst v63  }
0x37: {  	s25 =	sadd.s32 $0x20, s14;
	s6 =	sadd.s32 $0x3, s0;
	_ =	swait.ge [sflag:s26], $0x100  }
0x38: {  	s0 =	sadd.s32 $0xFFFFFFE0, s13;
	s24 =	sadd.s32 $0x5, s29;
	[sflag:s26] =	ssyncset.done $0x0  }
.LBB2_5:
0x39: {  	[sflag:s26] =	ssyncadd.s32 $0xFFFFFF00;
	s1 =	smov.u32 s29;
	s29 =	sand.u32 $0x1, s30  }
0x3a: {  	s11 =	smov.u32 s30;
	s30 =	sadd.s32 $0x1, s30;
	s8 =	smov.u32 s31  }
0x3b: {  	[tilespmem:s10], [sflag:s6] =	stream.indirect.gather [hbm4b:s4+s18], $0x80, s28, s18, $0xb8;
	[tilespmem:$0x1C200] =	vst v63  }
0x3c: {  	s31 =	sshll.u32 s29, $0xE;
	p1 =	sne.s32 s5, s30;
	_ =	swait.ge [sflag:s24], $0x4000  }
0x3d: {  	s6 =	sadd.s32 $0xFFFFFFFF, s22;
	s26 =	sadd.s32 $0x1, s1;
	[sflag:s24] =	ssyncset.done $0x0  }
0x3e: {  	s28 =	sshll.u32 s1, $0x8;
	s6 =	sand.u32 $0x1, s6;
	[sflag:s24] =	ssyncadd.s32 $0xFFFFC000  }
0x3f: {  	[tilespmem:s28], [sflag:s26] =	stream.linear.gather [hbm4b:s25+s3], $0x100, $0x38;
	[tilespmem:$0x1C200] =	vst v63  }
0x40: {  	s10 =	sshll.u32 s6, $0xE;
	s22 =	sadd.s32 $0x3, s6;
	s24 =	sshll.u32 s6, $0x8  }
0x41: {  	s6 =	sadd.s32 $0x5, s6;
	s24 =	sor.u32 $0x80, s24;
	_ =	swait.ge [sflag:s22], $0x4000  }
.Ltmp2:
0x42: {  	s10 =	sor.u32 $0x200, s10;
	[sflag:s22] =	ssyncset.done $0x0;
	(pc) =	sbr.rel @p1 .LBB2_5-.Ltmp2, $4  }
0x43: {  	s25 =	sadd.s32 $0x20, s25;
	[sflag:s22] =	ssyncadd.s32 $0xFFFFC000;
	s22 =	smov.u32 s11  }
0x44: {  	[spmem:s2] =	stream.indirect.scatter.add.f32 [tilespmem:s10], [sflag:s6], $0x80, s24, s18, $0xb8;
	[tilespmem:$0x1C200] =	vst v63  }
0x45: {  	s0 =	sadd.s32 $0xFFFFFFE0, s0;
	s6 =	sadd.s32 $0x3, s1;
	_ =	swait.ge [sflag:s26], $0x100  }
0x46: {  	s24 =	sadd.s32 $0x5, s29;
	s10 =	sor.u32 $0x200, s8;
	[sflag:s26] =	ssyncset.done $0x0  }
0x47: {  	s0 =	smov.u32 s29;
	s1 =	smov.u32 s31;
	s29 =	smov.u32 s22  }
.LBB2_7:
0x48: {  	[sflag:s26] =	ssyncadd.s32 @p0 $0xFFFFFF00  }
0x49: {  	[tilespmem:s10], [sflag:s6] =	stream.indirect.gather @p0 [hbm4b:s4+s18], $0x80, s28, s18, $0xb8;
	[tilespmem:$0x1C200] =	vst v63  }
0x4a: {  	s30 =	sadd.s32 $0xFFFFFFFF, s29;
	_ =	swait.ge [sflag:s24], $0x4000  }
0x4b: {  	s8 =	sadd.s32 $0x1, s0;
	s6 =	sand.u32 $0x1, s30;
	[sflag:s24] =	ssyncset.done $0x0  }
0x4c: {  	s31 =	sshll.u32 s0, $0x8;
	s11 =	sadd.s32 $0x3, s6;
	[sflag:s24] =	ssyncadd.s32 $0xFFFFC000  }
0x4d: {  	[tilespmem:s31], [sflag:s8] =	stream.linear.gather [hbm4b:s25+s3], $0x100, $0x38;
	[tilespmem:$0x1C200] =	vst v63  }
0x4e: {  	s22 =	sshll.u32 s6, $0x8;
	_ =	swait.ge [sflag:s11], $0x4000  }
0x4f: {  	s26 =	sshll.u32 s6, $0xE;
	s6 =	sadd.s32 $0x5, s6;
	[sflag:s11] =	ssyncset.done $0x0  }
0x50: {  	s22 =	sor.u32 $0x80, s22;
	s25 =	sor.u32 $0x200, s26;
	[sflag:s11] =	ssyncadd.s32 $0xFFFFC000  }
0x51: {  	[spmem:s2] =	stream.indirect.scatter.add.f32 [tilespmem:s25], [sflag:s6], $0x80, s22, s18, $0xb8;
	[tilespmem:$0x1C200] =	vst v63  }
0x52: {  	_ =	swait.ge [sflag:s8], $0x100  }
0x53: {  	[sflag:s8] =	ssyncset.done $0x0  }
0x54: {  	s1 =	sor.u32 $0x200, s1;
	s28 =	sadd.s32 $0x3, s0;
	[sflag:s8] =	ssyncadd.s32 $0xFFFFFF00  }
0x55: {  	[tilespmem:s1], [sflag:s28] =	stream.indirect.gather [hbm4b:s4+s18], $0x80, s31, s18, $0xb8;
	[tilespmem:$0x1C200] =	vst v63  }
0x56: {  	_ =	swait.ge [sflag:s6], $0x4000  }
0x57: {  	[sflag:s6] =	ssyncset.done $0x0  }
0x58: {  	[sflag:s6] =	ssyncadd.s32 $0xFFFFC000  }
0x59: {  	_ =	swait.ge [sflag:s28], $0x4000  }
0x5a: {  	[sflag:s28] =	ssyncset.done $0x0  }
0x5b: {  	s29 =	sadd.s32 $0x80, s31;
	[sflag:s28] =	ssyncadd.s32 $0xFFFFC000  }
0x5c: {  	[spmem:s2] =	stream.indirect.scatter.add.f32 [tilespmem:s1], [sflag:s24], $0x80, s29, s18, $0xb8;
	[tilespmem:$0x1C200] =	vst v63  }
0x5d: {  	_ =	swait.ge [sflag:s9], $0x4000  }
0x5e: {  	[sflag:s9] =	ssyncset.done $0x0  }
0x5f: {  	[sflag:s9] =	ssyncadd.s32 $0xFFFFC000  }
0x60: {  	[bflag:$0x0] =	sbarrier.arrive $0xFFFF  }
0x61: {  	s30 =	rddreg [dreg:$0x5]  }
0x62: {  	[hbm:s30], [sflag:s7] =	dma.local [spmem:s15], $0x2800  }
0x63: {  	_ =	swait.ge [sflag:s16], $0x2800  }
0x64: {  	s23 =	sadd.s32 $0x1, s23;
	s31 =	rddreg [dreg:$0x6]  }
0x65: {  	p0 =	sne.s32 s23, s31  }
.Ltmp3:
0x66: {  	_ = 	snop;
	(pc) =	sbr.rel @p0 .LBB2_1-.Ltmp3, $4  }
.Ltmp4:
0x67: {  	_ = 	snop;
	(pc) =	sbr.rel @!p0 .LBB2_8-.Ltmp4, $4  }
0x68: {  	_ = 	snop  }
0x69: {  	[sflag:s16] =	ssyncset.done $0x0  }
0x6a: {  	[sflag:s16] =	ssyncadd.s32 $0xFFFFD800  }
0x6b: {  	_ = 	snop  }
.LBB2_2:
.Ltmp5:
0x6c: {  	(pc) =	sbr.rel .LBB2_7-.Ltmp5, $2  }
0x6d: {  	_ =	sdelay $0x2  }
0x6e: {  	s25 =	smov.u32 s14  }
.LBB2_4:
.Ltmp6:
0x6f: {  	(pc) =	sbr.rel .LBB2_7-.Ltmp6, $2  }
0x70: {  	_ =	sdelay $0x2  }
0x71: {  	s0 =	smov.u32 s29;
	s1 =	smov.u32 s31;
	s29 =	simm.s32 $0x3  }
.LBB2_8:
0x72: {  	_ =	sfence.sel $0x180000  }
0x73: {  	[bflag:$0x0] =	sbarrier.arrive $0xFFFF  }
0x74: {  	_ =	strace $0x90000050  }
0x75: {  	s0 =	stileid.u32;
	[bflag:$0x2] =	sbarrier.arrive $0xFFFF  }
0x76: {  	p0 =	sne.s32 s0, $0x0;
	s0 =	rddreg [dreg:$0x3]  }
0x77: {  	s0 =	sadd.s32 @!p0 $0x100000, s0  }
0x78: {  	[sflag:s0] =	ssyncadd.tile.s32 @!p0 $0x1;
	_ =	shalt  }
.Lfunc_end2:
_tile_overlayer_lowered:
.L_overlay_start_2:
0x79: {  	(tag) =	ssettag $0x2  }
0x7a: {  	s0 =	rddreg [dreg:$0x0];
	s2 =	stileid.u32  }
0x7b: {  	s1 =	rddreg [dreg:$0x1];
	p0 =	sne.s32 s2, $0x0  }
0x7c: {  	s3 =	rddreg [dreg:$0x2];
	[bflag:$0x3] =	sbarrier.arrive $0xFFFF;
	s2 =	simm.s32 @!p0 $0x1C07  }
0x7d: {  	[timem:s3], [sflag:s2] =	dma.local @!p0 [hbm:s0], s1  }
0x7e: {  	s0 =	simm.s32 @!p0 $0x7  }
0x7f: {  	_ =	swait.ge @!p0 [sflag:s0], s1  }
0x80: {  	s1 =	ssub.s32 @!p0 $0x0, s1;
	[sflag:s0] =	ssyncset.done @!p0 $0x0  }
0x81: {  	[sflag:s0] =	ssyncadd.s32 @!p0 s1  }
0x82: {  	[bflag:$0x3] =	sbarrier.arrive $0xFFFF  }
0x83: {  	_ =	shalt  }

// kernel: sage_sc_agg.5.cloned.1.call-start
scs
__scs_entry_jumppad:
0x0: {  	(pc) =	sbr.rel $0x88, $3  }
0x1: {  	(tag) =	ssettag $0x0;
	lr =	simm.s32 $0x1  }
0x2: {  	[smem:$0x3F96] =	sst lr;
	_ =	strace $0xD0000000  }
0x3: {  	_ = 	snop  }
0x4: {  	_ = 	snop  }
0x5: {  	_ = 	snop  }
0x6: {  	_ = 	snop  }
0x7: {  	_ = 	snop  }
__scs_overlays_trampoline_lowered:
0x8: {  	[smem:$0x3FA5] =	sst s0  }
0x9: {  	[smem:$0x3FA6] =	sst s1  }
0xa: {  	[smem:$0x3FA7] =	sst s2  }
0xb: {  	[smem:$0x3FA8] =	sst s3  }
0xc: {  	[smem:$0x3FA9] =	sst s4  }
0xd: {  	[smem:$0x3FAA] =	sst s5  }
0xe: {  	[smem:$0x3FAB] =	sst s6  }
0xf: {  	[smem:$0x3FAC] =	sst s7  }
0x10: {  	[smem:$0x3FAD] =	sst s8  }
0x11: {  	[smem:$0x3FAE] =	sst s9;
	s0 =	simm.s32 @!p0 $0x0  }
0x12: {  	s1 =	sld [smem:$0x3F94];
	s0 =	simm.s32 @p0 $0x1  }
0x13: {  	[smem:$0x3FAF] =	sst s0;
	s0 =	simm.s32 @!p1 $0x0  }
0x14: {  	s2 =	sld [smem:$0x3F93];
	s0 =	simm.s32 @p1 $0x1  }
0x15: {  	[smem:$0x3FB0] =	sst s0;
	s0 =	simm.s32 @!p2 $0x0  }
0x16: {  	s3 =	sld [smem:$0x3FDB];
	s0 =	simm.s32 @p2 $0x1  }
0x17: {  	s4 =	simm.s32 $0x1BF5;
	[smem:$0x3FB2] =	sst s0  }
0x18: {  	s0 =	sld [smem:$0x3F95];
	_ =	swait.ge [sflag:s4], $0x0  }
0x19: {  	s7 =	sld [smem:$0x3F96]  }
0x1a: {  	s8 =	sadd.s32 $0xFFFFE003, lr  }
0x1b: {  	s9 =	sadd.s32 $0xFFFFFEF7, lr;
	s5 =	simm.s32 $0xFFFFFFFF;
	p2 =	slt.u32 s8, $0xFFFFF086  }
0x1c: {  	p1 =	slt.u32 s9, $0xF7A;
	s5 =	simm.s32 @!p2 $0x0  }
0x1d: {  	s5 =	simm.s32 @p1 $0x1;
	p0 =	seq.s32 s7, s2  }
0x1e: {  	s7 =	smul.u32 @!p0 $0xF7A, s2;
	p2 =	seq.s32 @!p0 s5, $0x0  }
0x1f: {  	s9 =	smul.u32 $0xF7A, s1;
	s8 =	simm.s32 @!p0 $0x1BF5;
	p2 =	por !p2, p0  }
0x20: {  	[sflag:s8] =	ssyncset.s32 @!p0 $0xFFFFF086;
	s6 =	sadd.s32 @!p0 s3, s7;
	s7 =	simm.s32 @!p0 $0x108  }
0x21: {  	s3 =	sadd.s32 s3, s9;
	s6 =	sadd.s32 @!p0 $0x88, s6;
	s7 =	simm.s32 @p2 $0x1082  }
0x22: {  	[simem:s7], [sflag:s8] =	dma.local @!p0 [hbm:s6], $0xF7A  }
0x23: {  	s9 =	sor.u32 $0xD0000000, s2;
	s6 =	simm.s32 $0x108;
	_ =	swait.ge @!p0 [sflag:s8], $0x0  }
0x24: {  	s3 =	sadd.s32 $0x88, s3;
	s6 =	simm.s32 @!p1 $0x1082;
	[sflag:s4] =	ssyncset.s32 $0xFFFFF086  }
0x25: {  	[simem:s6], [sflag:s4] =	dma.local [hbm:s3], $0xF7A  }
0x26: {  	[smem:$0x3F96] =	sst s1;
	(tag) =	ssettag s2;
	_ =	strace s9  }
0x27: {  	s1 =	sld [smem:$0x3FA6]  }
0x28: {  	s2 =	sld [smem:$0x3FA7]  }
0x29: {  	s4 =	sld [smem:$0x3FA9]  }
0x2a: {  	p0 =	seq.s32 s5, $0x0;
	s5 =	sld [smem:$0x3FAA]  }
0x2b: {  	s6 =	sld [smem:$0x3FAB]  }
0x2c: {  	s7 =	sld [smem:$0x3FAC]  }
0x2d: {  	s3 =	simm.s32 $0x108;
	s8 =	sld [smem:$0x3FAD]  }
0x2e: {  	s3 =	simm.s32 @!p0 $0x1082;
	s9 =	sld [smem:$0x3FAE]  }
0x2f: {  	lr =	sadd.s32 s0, s3;
	s0 =	sld [smem:$0x3FA5]  }
0x30: {  	s3 =	sld [smem:$0x3FA8]  }
0x31: {  	[smem:$0x3FB1] =	sst s10  }
0x32: {  	s10 =	sld [smem:$0x3FAF];
	_ =	sdelay $0x3  }
0x33: {  	p0 =	seq.s32 s10, $0x1;
	s10 =	sld [smem:$0x3FB1];
	_ =	sdelay $0x3  }
0x34: {  	[smem:$0x3FB1] =	sst s10  }
0x35: {  	s10 =	sld [smem:$0x3FB0];
	_ =	sdelay $0x3  }
0x36: {  	p1 =	seq.s32 s10, $0x1;
	s10 =	sld [smem:$0x3FB1];
	_ =	sdelay $0x3  }
0x37: {  	[smem:$0x3FB1] =	sst s10  }
0x38: {  	s10 =	sld [smem:$0x3FB2]  }
0x39: {  	_ = 	snop;
	(pc) =	sbr.ind lr, $3  }
0x3a: {  	_ = 	snop  }
0x3b: {  	_ = 	snop  }
0x3c: {  	p2 =	seq.s32 s10, $0x1;
	s10 =	sld [smem:$0x3FB1]  }
0x3d: {  	_ =	shalt  }
0x3e: {  	_ =	shalt  }
0x3f: {  	_ =	shalt  }
0x40: {  	_ =	shalt  }
0x41: {  	_ =	shalt  }
0x42: {  	_ =	shalt  }
0x43: {  	_ =	shalt  }
0x44: {  	_ =	shalt  }
0x45: {  	_ =	shalt  }
0x46: {  	_ =	shalt  }
0x47: {  	_ =	shalt  }
0x48: {  	_ =	shalt  }
0x49: {  	_ =	shalt  }
0x4a: {  	_ =	shalt  }
0x4b: {  	_ =	shalt  }
0x4c: {  	_ =	shalt  }
0x4d: {  	_ =	shalt  }
0x4e: {  	_ =	shalt  }
0x4f: {  	_ =	shalt  }
0x50: {  	_ =	shalt  }
0x51: {  	_ =	shalt  }
0x52: {  	_ =	shalt  }
0x53: {  	_ =	shalt  }
0x54: {  	_ =	shalt  }
0x55: {  	_ =	shalt  }
0x56: {  	_ =	shalt  }
0x57: {  	_ =	shalt  }
0x58: {  	_ =	shalt  }
0x59: {  	_ =	shalt  }
0x5a: {  	_ =	shalt  }
0x5b: {  	_ =	shalt  }
0x5c: {  	_ =	shalt  }
0x5d: {  	_ =	shalt  }
0x5e: {  	_ =	shalt  }
0x5f: {  	_ =	shalt  }
0x60: {  	_ =	shalt  }
0x61: {  	_ =	shalt  }
0x62: {  	_ =	shalt  }
0x63: {  	_ =	shalt  }
0x64: {  	_ =	shalt  }
0x65: {  	_ =	shalt  }
0x66: {  	_ =	shalt  }
0x67: {  	_ =	shalt  }
0x68: {  	_ =	shalt  }
0x69: {  	_ =	shalt  }
0x6a: {  	_ =	shalt  }
0x6b: {  	_ =	shalt  }
0x6c: {  	_ =	shalt  }
0x6d: {  	_ =	shalt  }
0x6e: {  	_ =	shalt  }
0x6f: {  	_ =	shalt  }
0x70: {  	_ =	shalt  }
0x71: {  	_ =	shalt  }
0x72: {  	_ =	shalt  }
0x73: {  	_ =	shalt  }
0x74: {  	_ =	shalt  }
0x75: {  	_ =	shalt  }
0x76: {  	_ =	shalt  }
0x77: {  	_ =	shalt  }
0x78: {  	_ =	shalt  }
0x79: {  	_ =	shalt  }
0x7a: {  	_ =	shalt  }
0x7b: {  	_ =	shalt  }
0x7c: {  	_ =	shalt  }
0x7d: {  	_ =	shalt  }
0x7e: {  	_ =	shalt  }
0x7f: {  	_ =	shalt  }
0x80: {  	_ =	shalt  }
0x81: {  	_ =	shalt  }
0x82: {  	_ =	shalt  }
0x83: {  	_ =	shalt  }
0x84: {  	_ =	shalt  }
0x85: {  	_ =	shalt  }
0x86: {  	_ =	shalt  }
0x87: {  	_ =	shalt  }
.Lfunc_end0:
.L_simem_size_0:
called_computation.1_lowered:
.L_overlay_start_0:
0x88: {  	s2 =	sld [smem:$0x3FD9]  }
0x89: {  	s3 =	sld [smem:$0x3FFE];
	_ =	sdelay $0x1  }
0x8a: {  	s1 =	srdreg.scid  }
0x8b: {  	s0 =	sand.u32 $0x1, s1  }
0x8c: {  	s17 =	sshll.u32 s0, $0xA;
	s2 =	sadd.s32 s3, s2  }
0x8d: {  	s2 =	sadd.s32 s2, s17  }
0x8e: {  	[smem:$0x3FBD] =	sst s2  }
0x8f: {  	_ = 	snop  }
0x90: {  	s2 =	sld [smem:$0x3FD0];
	(tm) =	ssettm $0x1  }
0x91: {  	s18 =	sld [smem:$0x3FFB];
	_ =	sdelay $0x3  }
0x92: {  	_ =	strace s18  }
0x93: {  	s3 =	sld [smem:$0x3FFC];
	_ =	sdelay $0x3  }
0x94: {  	_ =	strace s3  }
0x95: {  	s3 =	sld [smem:$0x3FFD];
	_ =	sdelay $0x3  }
0x96: {  	_ =	strace s3  }
0x97: {  	_ =	strace $0x8FFFFFFF  }
0x98: {  	s19 =	sld [smem:$0x3FDB];
	_ =	sdelay $0x1  }
0x99: {  	s4 =	simm.s32 $_scs_section_size  }
0x9a: {  	s5 =	simm.s32 $_size__tile_overlayer_lowered;
	s6 =	simm.s32 $_tile_overlayer_lowered  }
0x9b: {  	s22 =	simm.s32 $0x1BFF;
	s21 =	sshll.u32 s6, $0x1;
	s3 =	sadd.s32 s4, s19  }
0x9c: {  	s7 =	simm.s32 $0x0;
	s20 =	sshll.u32 s5, $0x1;
	s5 =	sadd.s32 s21, s3  }
0x9d: {  	[timem:s7], [sflag:s22] =	dma.local [hbm:s5], s20  }
0x9e: {  	_ =	swait.ge [sflag:s22], s20  }
0x9f: {  	s4 =	ssub.s32 $0x0, s20;
	[sflag:s22] =	ssyncset.done $0x0  }
0xa0: {  	[sflag:s22] =	ssyncadd.s32 s4;
	_ =	sdelay $0x1  }
0xa1: {  	s23 =	simm.s32 $0x1B8B  }
0xa2: {  	_ =	swait.ge [sflag:s23], $0x1  }
0xa3: {  	[sflag:s23] =	ssyncset.done $0x0  }
0xa4: {  	s25 =	simm.s32 $0x1B8E;
	s24 =	sld [smem:$0x3FFE];
	[sflag:s23] =	ssyncadd.s32 $0xFFFFFFFF  }
0xa5: {  	s26 =	simm.s32 $execute0_lowered;
	[smem:$0x3FD2] =	sst s25  }
0xa6: {  	s5 =	sshll.u32 s26, $0x1;
	_ =	strace $0x80000046;
	[dreg:$0x1] =	wrdreg $0xFFFFFFFF  }
0xa7: {  	s28 =	simm.s32 $_size_execute0_lowered;
	s3 =	sadd.s32 s3, s5;
	[dreg:$0x0] =	wrdreg $0x0  }
0xa8: {  	s5 =	sshll.u32 s28, $0x1;
	[dreg:$0x2] =	wrdreg s3  }
0xa9: {  	[dreg:$0x3] =	wrdreg s5  }
0xaa: {  	[dreg:$0x4] =	wrdreg $0xC0  }
0xab: {  	_ =	task [dreg:s7], $0x5FFFF  }
0xac: {  	[dreg:$0x1] =	wrdreg $0xFFFFFFFF  }
0xad: {  	[dreg:$0x0] =	wrdreg $0x60  }
0xae: {  	[dreg:$0x2] =	wrdreg s24  }
0xaf: {  	[dreg:$0x3] =	wrdreg s2  }
0xb0: {  	[dreg:$0x4] =	wrdreg $0x82000  }
0xb1: {  	[dreg:$0x5] =	wrdreg $0xA  }
0xb2: {  	_ =	task.clear_ibuf [dreg:s7], $0x6FFFF;
	_ =	strace $0x90000046  }
0xb3: {  	s29 =	simm.s32 $0xA;
	_ =	strace $0x80000048  }
0xb4: {  	_ =	swait.ge [sflag:s29], $0x1  }
0xb5: {  	[sflag:s29] =	ssyncadd.s32 $0xFFFFFFFF  }
0xb6: {  	_ =	strace $0x90000048  }
0xb7: {  	_ =	sfence  }
0xb8: {  	s30 =	sld [smem:$0x0];
	_ =	sdelay $0x2  }
0xb9: {  	s31 =	sshll.u32 s1, $0xD;
	s1 =	sshrl.u32 s1, $0x2  }
0xba: {  	s3 =	sand.u32 $0x4000, s31;
	s1 =	sadd.s32 s1, s30  }
0xbb: {  	s0 =	sor.u32 s3, s0;
	s1 =	sshll.u32 s1, $0x11  }
0xbc: {  	s0 =	sor.u32 s1, s0  }
0xbd: {  	s0 =	sadd.s32 $0x8F2B, s0  }
0xbe: {  	[sflag:s0] =	ssyncadd.remote.s32 $0x1  }
0xbf: {  	_ =	sfence.sel $0xFFFF  }
0xc0: {  	[dreg:$0x0] =	wrdreg $0xFFFFFFFF;
	(pc) =	sbr.abs _section_cstart, $3  }
0xc1: {  	[dreg:$0x1] =	wrdreg $0xFFFFFFFF  }
0xc2: {  	_ =	task.clear_ibuf [dreg:s7], $0x2FFFF;
	_ =	strace $0x9FFFFFFF  }
0xc3: {  	(tm) =	ssettm $0x7FFFFFFF  }
tec
execute0_lowered:
.L_overlay_start_1:
0x0: {  	(tag) =	ssettag $0x1  }
0x1: {  	s0 =	rddreg [dreg:$0x0]  }
0x2: {  	s1 =	rddreg [dreg:$0x1]  }
0x3: {  	s2 =	rddreg [dreg:$0x2]  }
0x4: {  	s13 =	stileid.u32;
	s4 =	srdreg.scid;
	s3 =	simm.s32 $0x0  }
0x5: {  	s16 =	simm.s32 $0x7;
	s17 =	simm.s32 $0x1;
	s18 =	simm.s32 $0x80  }
0x6: {  	s19 =	simm.s32 $0x200;
	s20 =	simm.s32 $0x100;
	s5 =	smul.u32 $0x14000, s13  }
0x7: {  	s6 =	sand.u32 $0x1, s4;
	[smem:$0x7FF] =	sst s3;
	s10 =	smul.u32 $0x50000, s13  }
0x8: {  	s4 =	sadd.s32 $0x4200, s0;
	s11 =	smul.u32 $0x6100, s13;
	s24 =	sshll.u32 s13, $0x6  }
0x9: {  	s7 =	smul.u32 $0x140000, s6;
	_ =	strace $0x80000047;
	s22 =	ssub.s32 $0x2, s6  }
0xa: {  	p0 =	seq.s32 s6, $0x0;
	s6 =	smul.u32 $0x61000, s6;
	s8 =	sshrl.u32 s5, $0x3  }
0xb: {  	s9 =	sshrl.u32 s22, $0x1;
	s10 =	sshrl.u32 s10, $0x2;
	s5 =	sadd.s32 s5, s7  }
0xc: {  	s21 =	sadd.s32 s8, s0;
	s12 =	ssub.s32 s22, s9;
	s10 =	sadd.s32 s10, s2  }
0xd: {  	s6 =	sadd.s32 s11, s6;
	s5 =	sshrl.u32 s5, $0x3;
	s7 =	sadd.s32 $0x2C200, s21  }
0xe: {  	s25 =	sshrl.u32 s6, $0x3;
	s29 =	sadd.s32 $0x300, s6;
	s6 =	sadd.s32 $0x200, s6  }
0xf: {  	s31 =	smax.u32 s12, $0x1;
	s15 =	sshrl.u32 s10, $0x3;
	s21 =	simm.s32 $0x3  }
0x10: {  	s0 =	sadd.s32 s5, s0;
	s5 =	simm.s32 $0x61;
	[dreg:$0x4] =	wrdreg s7  }
0x11: {  	s7 =	sor.u32 $0x1C07, s24;
	s28 =	sadd.s32 s1, s25;
	s30 =	sshrl.u32 s29, $0x3  }
0x12: {  	[dreg:$0x6] =	wrdreg s31;
	s6 =	sshrl.u32 s6, $0x3;
	s5 =	simm.s32 @!p0 $0x3C  }
0x13: {  	s0 =	sadd.s32 $0x54200, s0;
	s12 =	smov.u32 s28;
	s8 =	sadd.s32 $0x20, s28  }
0x14: {  	s14 =	sadd.s32 s6, s1;
	s23 =	sxor.u32 $0xFFFFFFFF, s5;
	[dreg:$0x5] =	wrdreg s0  }
0x15: {  	s0 =	sadd.s32 s30, s1;
	[dreg:$0x7] =	wrdreg s8;
	s26 =	sand.u32 $0x1, s23  }
0x16: {  	s13 =	ssub.s32 $0x20, s0;
	s23 =	simm.s32 $0x0;
	s9 =	sadd.s32 $0x5, s26  }
.LBB2_1:
0x17: {  	s0 =	rddreg [dreg:$0x4]  }
0x18: {  	[spmem:s15], [sflag:s7] =	dma.local [hbm:s0], $0x2800  }
0x19: {  	_ =	swait.ge [sflag:s16], $0x2800  }
0x1a: {  	[sflag:s16] =	ssyncset.done $0x0  }
0x1b: {  	[sflag:s16] =	ssyncadd.s32 $0xFFFFD800  }
0x1c: {  	[bflag:$0x0] =	sbarrier.arrive $0xFFFF  }
0x1d: {  	[tilespmem:s3], [sflag:$0x1] =	stream.linear.gather [hbm4b:s12+s3], $0x100, $0x38;
	[tilespmem:$0x1C200] =	vst v63  }
0x1e: {  	_ =	swait.ge [sflag:s17], $0x100  }
0x1f: {  	[sflag:s17] =	ssyncset.done $0x0  }
0x20: {  	[sflag:s17] =	ssyncadd.s32 $0xFFFFFF00  }
0x21: {  	[tilespmem:s19], [sflag:$0x3] =	stream.indirect.gather [hbm4b:s4+s18], $0x80, s3, s18, $0xb8;
	[tilespmem:$0x1C200] =	vst v63  }
0x22: {  	s30 =	rddreg [dreg:$0x7]  }
0x23: {  	[tilespmem:s20], [sflag:$0x2] =	stream.linear.gather [hbm4b:s30+s3], $0x100, $0x38;
	[tilespmem:$0x1C200] =	vst v63  }
0x24: {  	_ =	swait.ge [sflag:s21], $0x4000  }
0x25: {  	[sflag:s21] =	ssyncset.done $0x0  }
0x26: {  	p1 =	sne.s32 s5, $0x3;
	[sflag:s21] =	ssyncadd.s32 $0xFFFFC000  }
0x27: {  	[spmem:s2] =	stream.indirect.scatter.add.f32 [tilespmem:s19], [sflag:$0x5], $0x80, s18, s18, $0xb8;
	[tilespmem:$0x1C200] =	vst v63  }
.Ltmp0:
0x28: {  	s29 =	simm.s32 $0x2;
	(pc) =	sbr.rel @!p1 .LBB2_2-.Ltmp0, $4  }
0x29: {  	s31 =	simm.s32 $0x4200;
	s22 =	simm.s32 $0x3;
	_ =	swait.ge [sflag:s29], $0x100  }
0x2a: {  	p0 =	por $0x0, $0x0;
	s0 =	sand.u32 $0x1, s29;
	[sflag:s29] =	ssyncset.done $0x0  }
0x2b: {  	s1 =	sshll.u32 s0, $0xE;
	s24 =	sadd.s32 $0x5, s0;
	[sflag:s29] =	ssyncadd.s32 $0xFFFFFF00  }
0x2c: {  	[tilespmem:s31], [sflag:$0x4] =	stream.indirect.gather [hbm4b:s4+s18], $0x80, s20, s18, $0xb8;
	[tilespmem:$0x1C200] =	vst v63  }
0x2d: {  	_ =	swait.ge [sflag:s24], $0x4000;
	s6 =	simm.s32 $0x1  }
0x2e: {  	s26 =	sadd.s32 $0x1, s0;
	s28 =	sshll.u32 s0, $0x8;
	s29 =	sand.u32 $0x1, s22  }
0x2f: {  	s30 =	simm.s32 $0x4;
	p1 =	sne.s32 s5, $0x4;
	p0 =	por $0x1, $0x1  }
0x30: {  	[sflag:s24] =	ssyncset.done $0x0;
	s6 =	sand.u32 $0x1, s6;
	s31 =	sshll.u32 s29, $0xE  }
0x31: {  	[sflag:s24] =	ssyncadd.s32 $0xFFFFC000;
	s10 =	sadd.s32 $0x3, s6;
	s11 =	sshll.u32 s6, $0x8  }
0x32: {  	[tilespmem:s28], [sflag:s26] =	stream.linear.gather [hbm4b:s14+s3], $0x100, $0x38;
	[tilespmem:$0x1C200] =	vst v63  }
0x33: {  	s25 =	sshll.u32 s6, $0xE;
	s6 =	sadd.s32 $0x5, s6;
	_ =	swait.ge [sflag:s10], $0x4000  }
.Ltmp1:
0x34: {  	s24 =	sor.u32 $0x80, s11;
	[sflag:s10] =	ssyncset.done $0x0;
	(pc) =	sbr.rel @!p1 .LBB2_4-.Ltmp1, $4  }
0x35: {  	s25 =	sor.u32 $0x200, s25;
	[sflag:s10] =	ssyncadd.s32 $0xFFFFC000;
	s10 =	sor.u32 $0x200, s1  }
0x36: {  	[spmem:s2] =	stream.indirect.scatter.add.f32 [tilespmem:s25], [sflag:s6], $0x80, s24, s18, $0xb8;
	[tilespmem:$0x1C200] =	vst v63  }
0x37: {  	s25 =	sadd.s32 $0x20, s14;
	s6 =	sadd.s32 $0x3, s0;
	_ =	swait.ge [sflag:s26], $0x100  }
0x38: {  	s0 =	sadd.s32 $0xFFFFFFE0, s13;
	s24 =	sadd.s32 $0x5, s29;
	[sflag:s26] =	ssyncset.done $0x0  }
.LBB2_5:
0x39: {  	[sflag:s26] =	ssyncadd.s32 $0xFFFFFF00;
	s1 =	smov.u32 s29;
	s29 =	sand.u32 $0x1, s30  }
0x3a: {  	s11 =	smov.u32 s30;
	s30 =	sadd.s32 $0x1, s30;
	s8 =	smov.u32 s31  }
0x3b: {  	[tilespmem:s10], [sflag:s6] =	stream.indirect.gather [hbm4b:s4+s18], $0x80, s28, s18, $0xb8;
	[tilespmem:$0x1C200] =	vst v63  }
0x3c: {  	s31 =	sshll.u32 s29, $0xE;
	p1 =	sne.s32 s5, s30;
	_ =	swait.ge [sflag:s24], $0x4000  }
0x3d: {  	s6 =	sadd.s32 $0xFFFFFFFF, s22;
	s26 =	sadd.s32 $0x1, s1;
	[sflag:s24] =	ssyncset.done $0x0  }
0x3e: {  	s28 =	sshll.u32 s1, $0x8;
	s6 =	sand.u32 $0x1, s6;
	[sflag:s24] =	ssyncadd.s32 $0xFFFFC000  }
0x3f: {  	[tilespmem:s28], [sflag:s26] =	stream.linear.gather [hbm4b:s25+s3], $0x100, $0x38;
	[tilespmem:$0x1C200] =	vst v63  }
0x40: {  	s10 =	sshll.u32 s6, $0xE;
	s22 =	sadd.s32 $0x3, s6;
	s24 =	sshll.u32 s6, $0x8  }
0x41: {  	s6 =	sadd.s32 $0x5, s6;
	s24 =	sor.u32 $0x80, s24;
	_ =	swait.ge [sflag:s22], $0x4000  }
.Ltmp2:
0x42: {  	s10 =	sor.u32 $0x200, s10;
	[sflag:s22] =	ssyncset.done $0x0;
	(pc) =	sbr.rel @p1 .LBB2_5-.Ltmp2, $4  }
0x43: {  	s25 =	sadd.s32 $0x20, s25;
	[sflag:s22] =	ssyncadd.s32 $0xFFFFC000;
	s22 =	smov.u32 s11  }
0x44: {  	[spmem:s2] =	stream.indirect.scatter.add.f32 [tilespmem:s10], [sflag:s6], $0x80, s24, s18, $0xb8;
	[tilespmem:$0x1C200] =	vst v63  }
0x45: {  	s0 =	sadd.s32 $0xFFFFFFE0, s0;
	s6 =	sadd.s32 $0x3, s1;
	_ =	swait.ge [sflag:s26], $0x100  }
0x46: {  	s24 =	sadd.s32 $0x5, s29;
	s10 =	sor.u32 $0x200, s8;
	[sflag:s26] =	ssyncset.done $0x0  }
0x47: {  	s0 =	smov.u32 s29;
	s1 =	smov.u32 s31;
	s29 =	smov.u32 s22  }
.LBB2_7:
0x48: {  	[sflag:s26] =	ssyncadd.s32 @p0 $0xFFFFFF00  }
0x49: {  	[tilespmem:s10], [sflag:s6] =	stream.indirect.gather @p0 [hbm4b:s4+s18], $0x80, s28, s18, $0xb8;
	[tilespmem:$0x1C200] =	vst v63  }
0x4a: {  	s30 =	sadd.s32 $0xFFFFFFFF, s29;
	_ =	swait.ge [sflag:s24], $0x4000  }
0x4b: {  	s8 =	sadd.s32 $0x1, s0;
	s6 =	sand.u32 $0x1, s30;
	[sflag:s24] =	ssyncset.done $0x0  }
0x4c: {  	s31 =	sshll.u32 s0, $0x8;
	s11 =	sadd.s32 $0x3, s6;
	[sflag:s24] =	ssyncadd.s32 $0xFFFFC000  }
0x4d: {  	[tilespmem:s31], [sflag:s8] =	stream.linear.gather [hbm4b:s25+s3], $0x100, $0x38;
	[tilespmem:$0x1C200] =	vst v63  }
0x4e: {  	s22 =	sshll.u32 s6, $0x8;
	_ =	swait.ge [sflag:s11], $0x4000  }
0x4f: {  	s26 =	sshll.u32 s6, $0xE;
	s6 =	sadd.s32 $0x5, s6;
	[sflag:s11] =	ssyncset.done $0x0  }
0x50: {  	s22 =	sor.u32 $0x80, s22;
	s25 =	sor.u32 $0x200, s26;
	[sflag:s11] =	ssyncadd.s32 $0xFFFFC000  }
0x51: {  	[spmem:s2] =	stream.indirect.scatter.add.f32 [tilespmem:s25], [sflag:s6], $0x80, s22, s18, $0xb8;
	[tilespmem:$0x1C200] =	vst v63  }
0x52: {  	_ =	swait.ge [sflag:s8], $0x100  }
0x53: {  	[sflag:s8] =	ssyncset.done $0x0  }
0x54: {  	s1 =	sor.u32 $0x200, s1;
	s28 =	sadd.s32 $0x3, s0;
	[sflag:s8] =	ssyncadd.s32 $0xFFFFFF00  }
0x55: {  	[tilespmem:s1], [sflag:s28] =	stream.indirect.gather [hbm4b:s4+s18], $0x80, s31, s18, $0xb8;
	[tilespmem:$0x1C200] =	vst v63  }
0x56: {  	_ =	swait.ge [sflag:s6], $0x4000  }
0x57: {  	[sflag:s6] =	ssyncset.done $0x0  }
0x58: {  	[sflag:s6] =	ssyncadd.s32 $0xFFFFC000  }
0x59: {  	_ =	swait.ge [sflag:s28], $0x4000  }
0x5a: {  	[sflag:s28] =	ssyncset.done $0x0  }
0x5b: {  	s29 =	sadd.s32 $0x80, s31;
	[sflag:s28] =	ssyncadd.s32 $0xFFFFC000  }
0x5c: {  	[spmem:s2] =	stream.indirect.scatter.add.f32 [tilespmem:s1], [sflag:s24], $0x80, s29, s18, $0xb8;
	[tilespmem:$0x1C200] =	vst v63  }
0x5d: {  	_ =	swait.ge [sflag:s9], $0x4000  }
0x5e: {  	[sflag:s9] =	ssyncset.done $0x0  }
0x5f: {  	[sflag:s9] =	ssyncadd.s32 $0xFFFFC000  }
0x60: {  	[bflag:$0x0] =	sbarrier.arrive $0xFFFF  }
0x61: {  	s30 =	rddreg [dreg:$0x5]  }
0x62: {  	[hbm:s30], [sflag:s7] =	dma.local [spmem:s15], $0x2800  }
0x63: {  	_ =	swait.ge [sflag:s16], $0x2800  }
0x64: {  	s23 =	sadd.s32 $0x1, s23;
	s31 =	rddreg [dreg:$0x6]  }
0x65: {  	p0 =	sne.s32 s23, s31  }
.Ltmp3:
0x66: {  	_ = 	snop;
	(pc) =	sbr.rel @p0 .LBB2_1-.Ltmp3, $4  }
.Ltmp4:
0x67: {  	_ = 	snop;
	(pc) =	sbr.rel @!p0 .LBB2_8-.Ltmp4, $4  }
0x68: {  	_ = 	snop  }
0x69: {  	[sflag:s16] =	ssyncset.done $0x0  }
0x6a: {  	[sflag:s16] =	ssyncadd.s32 $0xFFFFD800  }
0x6b: {  	_ = 	snop  }
.LBB2_2:
.Ltmp5:
0x6c: {  	(pc) =	sbr.rel .LBB2_7-.Ltmp5, $2  }
0x6d: {  	_ =	sdelay $0x2  }
0x6e: {  	s25 =	smov.u32 s14  }
.LBB2_4:
.Ltmp6:
0x6f: {  	(pc) =	sbr.rel .LBB2_7-.Ltmp6, $2  }
0x70: {  	_ =	sdelay $0x2  }
0x71: {  	s0 =	smov.u32 s29;
	s1 =	smov.u32 s31;
	s29 =	simm.s32 $0x3  }
.LBB2_8:
0x72: {  	_ =	sfence.sel $0x180000  }
0x73: {  	[bflag:$0x0] =	sbarrier.arrive $0xFFFF  }
0x74: {  	_ =	strace $0x90000047  }
0x75: {  	s0 =	stileid.u32;
	[bflag:$0x2] =	sbarrier.arrive $0xFFFF  }
0x76: {  	p0 =	sne.s32 s0, $0x0;
	s0 =	rddreg [dreg:$0x3]  }
0x77: {  	s0 =	sadd.s32 @!p0 $0x100000, s0  }
0x78: {  	[sflag:s0] =	ssyncadd.tile.s32 @!p0 $0x1;
	_ =	shalt  }
.Lfunc_end2:
_tile_overlayer_lowered:
.L_overlay_start_2:
0x79: {  	(tag) =	ssettag $0x2  }
0x7a: {  	s0 =	rddreg [dreg:$0x0];
	s2 =	stileid.u32  }
0x7b: {  	s1 =	rddreg [dreg:$0x1];
	p0 =	sne.s32 s2, $0x0  }
0x7c: {  	s3 =	rddreg [dreg:$0x2];
	[bflag:$0x3] =	sbarrier.arrive $0xFFFF;
	s2 =	simm.s32 @!p0 $0x1C07  }
0x7d: {  	[timem:s3], [sflag:s2] =	dma.local @!p0 [hbm:s0], s1  }
0x7e: {  	s0 =	simm.s32 @!p0 $0x7  }
0x7f: {  	_ =	swait.ge @!p0 [sflag:s0], s1  }
0x80: {  	s1 =	ssub.s32 @!p0 $0x0, s1;
	[sflag:s0] =	ssyncset.done @!p0 $0x0  }
0x81: {  	[sflag:s0] =	ssyncadd.s32 @!p0 s1  }
0x82: {  	[bflag:$0x3] =	sbarrier.arrive $0xFFFF  }
0x83: {  	_ =	shalt  }

// kernel: sage_sc_agg.8.cloned.1.call-start
scs
__scs_entry_jumppad:
0x0: {  	(pc) =	sbr.rel $0x88, $3  }
0x1: {  	(tag) =	ssettag $0x0;
	lr =	simm.s32 $0x1  }
0x2: {  	[smem:$0x3F96] =	sst lr;
	_ =	strace $0xD0000000  }
0x3: {  	_ = 	snop  }
0x4: {  	_ = 	snop  }
0x5: {  	_ = 	snop  }
0x6: {  	_ = 	snop  }
0x7: {  	_ = 	snop  }
__scs_overlays_trampoline_lowered:
0x8: {  	[smem:$0x3FA5] =	sst s0  }
0x9: {  	[smem:$0x3FA6] =	sst s1  }
0xa: {  	[smem:$0x3FA7] =	sst s2  }
0xb: {  	[smem:$0x3FA8] =	sst s3  }
0xc: {  	[smem:$0x3FA9] =	sst s4  }
0xd: {  	[smem:$0x3FAA] =	sst s5  }
0xe: {  	[smem:$0x3FAB] =	sst s6  }
0xf: {  	[smem:$0x3FAC] =	sst s7  }
0x10: {  	[smem:$0x3FAD] =	sst s8  }
0x11: {  	[smem:$0x3FAE] =	sst s9;
	s0 =	simm.s32 @!p0 $0x0  }
0x12: {  	s1 =	sld [smem:$0x3F94];
	s0 =	simm.s32 @p0 $0x1  }
0x13: {  	[smem:$0x3FAF] =	sst s0;
	s0 =	simm.s32 @!p1 $0x0  }
0x14: {  	s2 =	sld [smem:$0x3F93];
	s0 =	simm.s32 @p1 $0x1  }
0x15: {  	[smem:$0x3FB0] =	sst s0;
	s0 =	simm.s32 @!p2 $0x0  }
0x16: {  	s3 =	sld [smem:$0x3FDB];
	s0 =	simm.s32 @p2 $0x1  }
0x17: {  	s4 =	simm.s32 $0x1BF5;
	[smem:$0x3FB2] =	sst s0  }
0x18: {  	s0 =	sld [smem:$0x3F95];
	_ =	swait.ge [sflag:s4], $0x0  }
0x19: {  	s7 =	sld [smem:$0x3F96]  }
0x1a: {  	s8 =	sadd.s32 $0xFFFFE003, lr  }
0x1b: {  	s9 =	sadd.s32 $0xFFFFFEF7, lr;
	s5 =	simm.s32 $0xFFFFFFFF;
	p2 =	slt.u32 s8, $0xFFFFF086  }
0x1c: {  	p1 =	slt.u32 s9, $0xF7A;
	s5 =	simm.s32 @!p2 $0x0  }
0x1d: {  	s5 =	simm.s32 @p1 $0x1;
	p0 =	seq.s32 s7, s2  }
0x1e: {  	s7 =	smul.u32 @!p0 $0xF7A, s2;
	p2 =	seq.s32 @!p0 s5, $0x0  }
0x1f: {  	s9 =	smul.u32 $0xF7A, s1;
	s8 =	simm.s32 @!p0 $0x1BF5;
	p2 =	por !p2, p0  }
0x20: {  	[sflag:s8] =	ssyncset.s32 @!p0 $0xFFFFF086;
	s6 =	sadd.s32 @!p0 s3, s7;
	s7 =	simm.s32 @!p0 $0x108  }
0x21: {  	s3 =	sadd.s32 s3, s9;
	s6 =	sadd.s32 @!p0 $0x88, s6;
	s7 =	simm.s32 @p2 $0x1082  }
0x22: {  	[simem:s7], [sflag:s8] =	dma.local @!p0 [hbm:s6], $0xF7A  }
0x23: {  	s9 =	sor.u32 $0xD0000000, s2;
	s6 =	simm.s32 $0x108;
	_ =	swait.ge @!p0 [sflag:s8], $0x0  }
0x24: {  	s3 =	sadd.s32 $0x88, s3;
	s6 =	simm.s32 @!p1 $0x1082;
	[sflag:s4] =	ssyncset.s32 $0xFFFFF086  }
0x25: {  	[simem:s6], [sflag:s4] =	dma.local [hbm:s3], $0xF7A  }
0x26: {  	[smem:$0x3F96] =	sst s1;
	(tag) =	ssettag s2;
	_ =	strace s9  }
0x27: {  	s1 =	sld [smem:$0x3FA6]  }
0x28: {  	s2 =	sld [smem:$0x3FA7]  }
0x29: {  	s4 =	sld [smem:$0x3FA9]  }
0x2a: {  	p0 =	seq.s32 s5, $0x0;
	s5 =	sld [smem:$0x3FAA]  }
0x2b: {  	s6 =	sld [smem:$0x3FAB]  }
0x2c: {  	s7 =	sld [smem:$0x3FAC]  }
0x2d: {  	s3 =	simm.s32 $0x108;
	s8 =	sld [smem:$0x3FAD]  }
0x2e: {  	s3 =	simm.s32 @!p0 $0x1082;
	s9 =	sld [smem:$0x3FAE]  }
0x2f: {  	lr =	sadd.s32 s0, s3;
	s0 =	sld [smem:$0x3FA5]  }
0x30: {  	s3 =	sld [smem:$0x3FA8]  }
0x31: {  	[smem:$0x3FB1] =	sst s10  }
0x32: {  	s10 =	sld [smem:$0x3FAF];
	_ =	sdelay $0x3  }
0x33: {  	p0 =	seq.s32 s10, $0x1;
	s10 =	sld [smem:$0x3FB1];
	_ =	sdelay $0x3  }
0x34: {  	[smem:$0x3FB1] =	sst s10  }
0x35: {  	s10 =	sld [smem:$0x3FB0];
	_ =	sdelay $0x3  }
0x36: {  	p1 =	seq.s32 s10, $0x1;
	s10 =	sld [smem:$0x3FB1];
	_ =	sdelay $0x3  }
0x37: {  	[smem:$0x3FB1] =	sst s10  }
0x38: {  	s10 =	sld [smem:$0x3FB2]  }
0x39: {  	_ = 	snop;
	(pc) =	sbr.ind lr, $3  }
0x3a: {  	_ = 	snop  }
0x3b: {  	_ = 	snop  }
0x3c: {  	p2 =	seq.s32 s10, $0x1;
	s10 =	sld [smem:$0x3FB1]  }
0x3d: {  	_ =	shalt  }
0x3e: {  	_ =	shalt  }
0x3f: {  	_ =	shalt  }
0x40: {  	_ =	shalt  }
0x41: {  	_ =	shalt  }
0x42: {  	_ =	shalt  }
0x43: {  	_ =	shalt  }
0x44: {  	_ =	shalt  }
0x45: {  	_ =	shalt  }
0x46: {  	_ =	shalt  }
0x47: {  	_ =	shalt  }
0x48: {  	_ =	shalt  }
0x49: {  	_ =	shalt  }
0x4a: {  	_ =	shalt  }
0x4b: {  	_ =	shalt  }
0x4c: {  	_ =	shalt  }
0x4d: {  	_ =	shalt  }
0x4e: {  	_ =	shalt  }
0x4f: {  	_ =	shalt  }
0x50: {  	_ =	shalt  }
0x51: {  	_ =	shalt  }
0x52: {  	_ =	shalt  }
0x53: {  	_ =	shalt  }
0x54: {  	_ =	shalt  }
0x55: {  	_ =	shalt  }
0x56: {  	_ =	shalt  }
0x57: {  	_ =	shalt  }
0x58: {  	_ =	shalt  }
0x59: {  	_ =	shalt  }
0x5a: {  	_ =	shalt  }
0x5b: {  	_ =	shalt  }
0x5c: {  	_ =	shalt  }
0x5d: {  	_ =	shalt  }
0x5e: {  	_ =	shalt  }
0x5f: {  	_ =	shalt  }
0x60: {  	_ =	shalt  }
0x61: {  	_ =	shalt  }
0x62: {  	_ =	shalt  }
0x63: {  	_ =	shalt  }
0x64: {  	_ =	shalt  }
0x65: {  	_ =	shalt  }
0x66: {  	_ =	shalt  }
0x67: {  	_ =	shalt  }
0x68: {  	_ =	shalt  }
0x69: {  	_ =	shalt  }
0x6a: {  	_ =	shalt  }
0x6b: {  	_ =	shalt  }
0x6c: {  	_ =	shalt  }
0x6d: {  	_ =	shalt  }
0x6e: {  	_ =	shalt  }
0x6f: {  	_ =	shalt  }
0x70: {  	_ =	shalt  }
0x71: {  	_ =	shalt  }
0x72: {  	_ =	shalt  }
0x73: {  	_ =	shalt  }
0x74: {  	_ =	shalt  }
0x75: {  	_ =	shalt  }
0x76: {  	_ =	shalt  }
0x77: {  	_ =	shalt  }
0x78: {  	_ =	shalt  }
0x79: {  	_ =	shalt  }
0x7a: {  	_ =	shalt  }
0x7b: {  	_ =	shalt  }
0x7c: {  	_ =	shalt  }
0x7d: {  	_ =	shalt  }
0x7e: {  	_ =	shalt  }
0x7f: {  	_ =	shalt  }
0x80: {  	_ =	shalt  }
0x81: {  	_ =	shalt  }
0x82: {  	_ =	shalt  }
0x83: {  	_ =	shalt  }
0x84: {  	_ =	shalt  }
0x85: {  	_ =	shalt  }
0x86: {  	_ =	shalt  }
0x87: {  	_ =	shalt  }
.Lfunc_end0:
.L_simem_size_0:
called_computation.2_lowered:
.L_overlay_start_0:
0x88: {  	s2 =	sld [smem:$0x3FD9]  }
0x89: {  	s3 =	sld [smem:$0x3FFE];
	_ =	sdelay $0x1  }
0x8a: {  	s1 =	srdreg.scid  }
0x8b: {  	s0 =	sand.u32 $0x1, s1  }
0x8c: {  	s17 =	sshll.u32 s0, $0xA;
	s2 =	sadd.s32 s3, s2  }
0x8d: {  	s2 =	sadd.s32 s2, s17  }
0x8e: {  	[smem:$0x3FBD] =	sst s2  }
0x8f: {  	_ = 	snop  }
0x90: {  	s2 =	sld [smem:$0x3FD0];
	(tm) =	ssettm $0x1  }
0x91: {  	s18 =	sld [smem:$0x3FFB];
	_ =	sdelay $0x3  }
0x92: {  	_ =	strace s18  }
0x93: {  	s3 =	sld [smem:$0x3FFC];
	_ =	sdelay $0x3  }
0x94: {  	_ =	strace s3  }
0x95: {  	s3 =	sld [smem:$0x3FFD];
	_ =	sdelay $0x3  }
0x96: {  	_ =	strace s3  }
0x97: {  	_ =	strace $0x8FFFFFFF  }
0x98: {  	s19 =	sld [smem:$0x3FDB];
	_ =	sdelay $0x1  }
0x99: {  	s4 =	simm.s32 $_scs_section_size  }
0x9a: {  	s5 =	simm.s32 $_size__tile_overlayer_lowered;
	s6 =	simm.s32 $_tile_overlayer_lowered  }
0x9b: {  	s22 =	simm.s32 $0x1BFF;
	s21 =	sshll.u32 s6, $0x1;
	s3 =	sadd.s32 s4, s19  }
0x9c: {  	s7 =	simm.s32 $0x0;
	s20 =	sshll.u32 s5, $0x1;
	s5 =	sadd.s32 s21, s3  }
0x9d: {  	[timem:s7], [sflag:s22] =	dma.local [hbm:s5], s20  }
0x9e: {  	_ =	swait.ge [sflag:s22], s20  }
0x9f: {  	s4 =	ssub.s32 $0x0, s20;
	[sflag:s22] =	ssyncset.done $0x0  }
0xa0: {  	[sflag:s22] =	ssyncadd.s32 s4;
	_ =	sdelay $0x1  }
0xa1: {  	s23 =	simm.s32 $0x1B8B  }
0xa2: {  	_ =	swait.ge [sflag:s23], $0x1  }
0xa3: {  	[sflag:s23] =	ssyncset.done $0x0  }
0xa4: {  	s25 =	simm.s32 $0x1B8E;
	s24 =	sld [smem:$0x3FFE];
	[sflag:s23] =	ssyncadd.s32 $0xFFFFFFFF  }
0xa5: {  	s26 =	simm.s32 $execute0_lowered;
	[smem:$0x3FD2] =	sst s25  }
0xa6: {  	s5 =	sshll.u32 s26, $0x1;
	_ =	strace $0x8000004C;
	[dreg:$0x1] =	wrdreg $0xFFFFFFFF  }
0xa7: {  	s28 =	simm.s32 $_size_execute0_lowered;
	s3 =	sadd.s32 s3, s5;
	[dreg:$0x0] =	wrdreg $0x0  }
0xa8: {  	s5 =	sshll.u32 s28, $0x1;
	[dreg:$0x2] =	wrdreg s3  }
0xa9: {  	[dreg:$0x3] =	wrdreg s5  }
0xaa: {  	[dreg:$0x4] =	wrdreg $0xC0  }
0xab: {  	_ =	task [dreg:s7], $0x5FFFF  }
0xac: {  	[dreg:$0x1] =	wrdreg $0xFFFFFFFF  }
0xad: {  	[dreg:$0x0] =	wrdreg $0x60  }
0xae: {  	[dreg:$0x2] =	wrdreg s24  }
0xaf: {  	[dreg:$0x3] =	wrdreg s2  }
0xb0: {  	[dreg:$0x4] =	wrdreg $0x82000  }
0xb1: {  	[dreg:$0x5] =	wrdreg $0x9  }
0xb2: {  	_ =	task.clear_ibuf [dreg:s7], $0x6FFFF;
	_ =	strace $0x9000004C  }
0xb3: {  	s29 =	simm.s32 $0x9;
	_ =	strace $0x8000004E  }
0xb4: {  	_ =	swait.ge [sflag:s29], $0x1  }
0xb5: {  	[sflag:s29] =	ssyncadd.s32 $0xFFFFFFFF  }
0xb6: {  	_ =	strace $0x9000004E  }
0xb7: {  	_ =	sfence  }
0xb8: {  	s30 =	sld [smem:$0x0];
	_ =	sdelay $0x2  }
0xb9: {  	s31 =	sshll.u32 s1, $0xD;
	s1 =	sshrl.u32 s1, $0x2  }
0xba: {  	s3 =	sand.u32 $0x4000, s31;
	s1 =	sadd.s32 s1, s30  }
0xbb: {  	s0 =	sor.u32 s3, s0;
	s1 =	sshll.u32 s1, $0x11  }
0xbc: {  	s0 =	sor.u32 s1, s0  }
0xbd: {  	s0 =	sadd.s32 $0x8F2B, s0  }
0xbe: {  	[sflag:s0] =	ssyncadd.remote.s32 $0x1  }
0xbf: {  	_ =	sfence.sel $0xFFFF  }
0xc0: {  	[dreg:$0x0] =	wrdreg $0xFFFFFFFF;
	(pc) =	sbr.abs _section_cstart, $3  }
0xc1: {  	[dreg:$0x1] =	wrdreg $0xFFFFFFFF  }
0xc2: {  	_ =	task.clear_ibuf [dreg:s7], $0x2FFFF;
	_ =	strace $0x9FFFFFFF  }
0xc3: {  	(tm) =	ssettm $0x7FFFFFFF  }
tec
execute0_lowered:
.L_overlay_start_1:
0x0: {  	(tag) =	ssettag $0x1  }
0x1: {  	s0 =	rddreg [dreg:$0x0]  }
0x2: {  	s1 =	rddreg [dreg:$0x1]  }
0x3: {  	s2 =	rddreg [dreg:$0x2]  }
0x4: {  	s13 =	stileid.u32;
	s4 =	srdreg.scid;
	s3 =	simm.s32 $0x0  }
0x5: {  	s16 =	simm.s32 $0x7;
	s17 =	simm.s32 $0x1;
	s18 =	simm.s32 $0x80  }
0x6: {  	s19 =	simm.s32 $0x200;
	s20 =	simm.s32 $0x100;
	s5 =	smul.u32 $0x14000, s13  }
0x7: {  	s6 =	sand.u32 $0x1, s4;
	[smem:$0x7FF] =	sst s3;
	s10 =	smul.u32 $0x50000, s13  }
0x8: {  	s4 =	sadd.s32 $0x4200, s0;
	s11 =	smul.u32 $0x6100, s13;
	s24 =	sshll.u32 s13, $0x6  }
0x9: {  	s7 =	smul.u32 $0x140000, s6;
	_ =	strace $0x8000004D;
	s22 =	ssub.s32 $0x2, s6  }
0xa: {  	p0 =	seq.s32 s6, $0x0;
	s6 =	smul.u32 $0x61000, s6;
	s8 =	sshrl.u32 s5, $0x3  }
0xb: {  	s9 =	sshrl.u32 s22, $0x1;
	s10 =	sshrl.u32 s10, $0x2;
	s5 =	sadd.s32 s5, s7  }
0xc: {  	s21 =	sadd.s32 s8, s0;
	s12 =	ssub.s32 s22, s9;
	s10 =	sadd.s32 s10, s2  }
0xd: {  	s6 =	sadd.s32 s11, s6;
	s5 =	sshrl.u32 s5, $0x3;
	s7 =	sadd.s32 $0x2C200, s21  }
0xe: {  	s25 =	sshrl.u32 s6, $0x3;
	s29 =	sadd.s32 $0x300, s6;
	s6 =	sadd.s32 $0x200, s6  }
0xf: {  	s31 =	smax.u32 s12, $0x1;
	s15 =	sshrl.u32 s10, $0x3;
	s21 =	simm.s32 $0x3  }
0x10: {  	s0 =	sadd.s32 s5, s0;
	s5 =	simm.s32 $0x61;
	[dreg:$0x4] =	wrdreg s7  }
0x11: {  	s7 =	sor.u32 $0x1C07, s24;
	s28 =	sadd.s32 s1, s25;
	s30 =	sshrl.u32 s29, $0x3  }
0x12: {  	[dreg:$0x6] =	wrdreg s31;
	s6 =	sshrl.u32 s6, $0x3;
	s5 =	simm.s32 @!p0 $0x3C  }
0x13: {  	s0 =	sadd.s32 $0xA4200, s0;
	s12 =	smov.u32 s28;
	s8 =	sadd.s32 $0x20, s28  }
0x14: {  	s14 =	sadd.s32 s6, s1;
	s23 =	sxor.u32 $0xFFFFFFFF, s5;
	[dreg:$0x5] =	wrdreg s0  }
0x15: {  	s0 =	sadd.s32 s30, s1;
	[dreg:$0x7] =	wrdreg s8;
	s26 =	sand.u32 $0x1, s23  }
0x16: {  	s13 =	ssub.s32 $0x20, s0;
	s23 =	simm.s32 $0x0;
	s9 =	sadd.s32 $0x5, s26  }
.LBB2_1:
0x17: {  	s0 =	rddreg [dreg:$0x4]  }
0x18: {  	[spmem:s15], [sflag:s7] =	dma.local [hbm:s0], $0x2800  }
0x19: {  	_ =	swait.ge [sflag:s16], $0x2800  }
0x1a: {  	[sflag:s16] =	ssyncset.done $0x0  }
0x1b: {  	[sflag:s16] =	ssyncadd.s32 $0xFFFFD800  }
0x1c: {  	[bflag:$0x0] =	sbarrier.arrive $0xFFFF  }
0x1d: {  	[tilespmem:s3], [sflag:$0x1] =	stream.linear.gather [hbm4b:s12+s3], $0x100, $0x38;
	[tilespmem:$0x1C200] =	vst v63  }
0x1e: {  	_ =	swait.ge [sflag:s17], $0x100  }
0x1f: {  	[sflag:s17] =	ssyncset.done $0x0  }
0x20: {  	[sflag:s17] =	ssyncadd.s32 $0xFFFFFF00  }
0x21: {  	[tilespmem:s19], [sflag:$0x3] =	stream.indirect.gather [hbm4b:s4+s18], $0x80, s3, s18, $0xb8;
	[tilespmem:$0x1C200] =	vst v63  }
0x22: {  	s30 =	rddreg [dreg:$0x7]  }
0x23: {  	[tilespmem:s20], [sflag:$0x2] =	stream.linear.gather [hbm4b:s30+s3], $0x100, $0x38;
	[tilespmem:$0x1C200] =	vst v63  }
0x24: {  	_ =	swait.ge [sflag:s21], $0x4000  }
0x25: {  	[sflag:s21] =	ssyncset.done $0x0  }
0x26: {  	p1 =	sne.s32 s5, $0x3;
	[sflag:s21] =	ssyncadd.s32 $0xFFFFC000  }
0x27: {  	[spmem:s2] =	stream.indirect.scatter.add.f32 [tilespmem:s19], [sflag:$0x5], $0x80, s18, s18, $0xb8;
	[tilespmem:$0x1C200] =	vst v63  }
.Ltmp0:
0x28: {  	s29 =	simm.s32 $0x2;
	(pc) =	sbr.rel @!p1 .LBB2_2-.Ltmp0, $4  }
0x29: {  	s31 =	simm.s32 $0x4200;
	s22 =	simm.s32 $0x3;
	_ =	swait.ge [sflag:s29], $0x100  }
0x2a: {  	p0 =	por $0x0, $0x0;
	s0 =	sand.u32 $0x1, s29;
	[sflag:s29] =	ssyncset.done $0x0  }
0x2b: {  	s1 =	sshll.u32 s0, $0xE;
	s24 =	sadd.s32 $0x5, s0;
	[sflag:s29] =	ssyncadd.s32 $0xFFFFFF00  }
0x2c: {  	[tilespmem:s31], [sflag:$0x4] =	stream.indirect.gather [hbm4b:s4+s18], $0x80, s20, s18, $0xb8;
	[tilespmem:$0x1C200] =	vst v63  }
0x2d: {  	_ =	swait.ge [sflag:s24], $0x4000;
	s6 =	simm.s32 $0x1  }
0x2e: {  	s26 =	sadd.s32 $0x1, s0;
	s28 =	sshll.u32 s0, $0x8;
	s29 =	sand.u32 $0x1, s22  }
0x2f: {  	s30 =	simm.s32 $0x4;
	p1 =	sne.s32 s5, $0x4;
	p0 =	por $0x1, $0x1  }
0x30: {  	[sflag:s24] =	ssyncset.done $0x0;
	s6 =	sand.u32 $0x1, s6;
	s31 =	sshll.u32 s29, $0xE  }
0x31: {  	[sflag:s24] =	ssyncadd.s32 $0xFFFFC000;
	s10 =	sadd.s32 $0x3, s6;
	s11 =	sshll.u32 s6, $0x8  }
0x32: {  	[tilespmem:s28], [sflag:s26] =	stream.linear.gather [hbm4b:s14+s3], $0x100, $0x38;
	[tilespmem:$0x1C200] =	vst v63  }
0x33: {  	s25 =	sshll.u32 s6, $0xE;
	s6 =	sadd.s32 $0x5, s6;
	_ =	swait.ge [sflag:s10], $0x4000  }
.Ltmp1:
0x34: {  	s24 =	sor.u32 $0x80, s11;
	[sflag:s10] =	ssyncset.done $0x0;
	(pc) =	sbr.rel @!p1 .LBB2_4-.Ltmp1, $4  }
0x35: {  	s25 =	sor.u32 $0x200, s25;
	[sflag:s10] =	ssyncadd.s32 $0xFFFFC000;
	s10 =	sor.u32 $0x200, s1  }
0x36: {  	[spmem:s2] =	stream.indirect.scatter.add.f32 [tilespmem:s25], [sflag:s6], $0x80, s24, s18, $0xb8;
	[tilespmem:$0x1C200] =	vst v63  }
0x37: {  	s25 =	sadd.s32 $0x20, s14;
	s6 =	sadd.s32 $0x3, s0;
	_ =	swait.ge [sflag:s26], $0x100  }
0x38: {  	s0 =	sadd.s32 $0xFFFFFFE0, s13;
	s24 =	sadd.s32 $0x5, s29;
	[sflag:s26] =	ssyncset.done $0x0  }
.LBB2_5:
0x39: {  	[sflag:s26] =	ssyncadd.s32 $0xFFFFFF00;
	s1 =	smov.u32 s29;
	s29 =	sand.u32 $0x1, s30  }
0x3a: {  	s11 =	smov.u32 s30;
	s30 =	sadd.s32 $0x1, s30;
	s8 =	smov.u32 s31  }
0x3b: {  	[tilespmem:s10], [sflag:s6] =	stream.indirect.gather [hbm4b:s4+s18], $0x80, s28, s18, $0xb8;
	[tilespmem:$0x1C200] =	vst v63  }
0x3c: {  	s31 =	sshll.u32 s29, $0xE;
	p1 =	sne.s32 s5, s30;
	_ =	swait.ge [sflag:s24], $0x4000  }
0x3d: {  	s6 =	sadd.s32 $0xFFFFFFFF, s22;
	s26 =	sadd.s32 $0x1, s1;
	[sflag:s24] =	ssyncset.done $0x0  }
0x3e: {  	s28 =	sshll.u32 s1, $0x8;
	s6 =	sand.u32 $0x1, s6;
	[sflag:s24] =	ssyncadd.s32 $0xFFFFC000  }
0x3f: {  	[tilespmem:s28], [sflag:s26] =	stream.linear.gather [hbm4b:s25+s3], $0x100, $0x38;
	[tilespmem:$0x1C200] =	vst v63  }
0x40: {  	s10 =	sshll.u32 s6, $0xE;
	s22 =	sadd.s32 $0x3, s6;
	s24 =	sshll.u32 s6, $0x8  }
0x41: {  	s6 =	sadd.s32 $0x5, s6;
	s24 =	sor.u32 $0x80, s24;
	_ =	swait.ge [sflag:s22], $0x4000  }
.Ltmp2:
0x42: {  	s10 =	sor.u32 $0x200, s10;
	[sflag:s22] =	ssyncset.done $0x0;
	(pc) =	sbr.rel @p1 .LBB2_5-.Ltmp2, $4  }
0x43: {  	s25 =	sadd.s32 $0x20, s25;
	[sflag:s22] =	ssyncadd.s32 $0xFFFFC000;
	s22 =	smov.u32 s11  }
0x44: {  	[spmem:s2] =	stream.indirect.scatter.add.f32 [tilespmem:s10], [sflag:s6], $0x80, s24, s18, $0xb8;
	[tilespmem:$0x1C200] =	vst v63  }
0x45: {  	s0 =	sadd.s32 $0xFFFFFFE0, s0;
	s6 =	sadd.s32 $0x3, s1;
	_ =	swait.ge [sflag:s26], $0x100  }
0x46: {  	s24 =	sadd.s32 $0x5, s29;
	s10 =	sor.u32 $0x200, s8;
	[sflag:s26] =	ssyncset.done $0x0  }
0x47: {  	s0 =	smov.u32 s29;
	s1 =	smov.u32 s31;
	s29 =	smov.u32 s22  }
.LBB2_7:
0x48: {  	[sflag:s26] =	ssyncadd.s32 @p0 $0xFFFFFF00  }
0x49: {  	[tilespmem:s10], [sflag:s6] =	stream.indirect.gather @p0 [hbm4b:s4+s18], $0x80, s28, s18, $0xb8;
	[tilespmem:$0x1C200] =	vst v63  }
0x4a: {  	s30 =	sadd.s32 $0xFFFFFFFF, s29;
	_ =	swait.ge [sflag:s24], $0x4000  }
0x4b: {  	s8 =	sadd.s32 $0x1, s0;
	s6 =	sand.u32 $0x1, s30;
	[sflag:s24] =	ssyncset.done $0x0  }
0x4c: {  	s31 =	sshll.u32 s0, $0x8;
	s11 =	sadd.s32 $0x3, s6;
	[sflag:s24] =	ssyncadd.s32 $0xFFFFC000  }
0x4d: {  	[tilespmem:s31], [sflag:s8] =	stream.linear.gather [hbm4b:s25+s3], $0x100, $0x38;
	[tilespmem:$0x1C200] =	vst v63  }
0x4e: {  	s22 =	sshll.u32 s6, $0x8;
	_ =	swait.ge [sflag:s11], $0x4000  }
0x4f: {  	s26 =	sshll.u32 s6, $0xE;
	s6 =	sadd.s32 $0x5, s6;
	[sflag:s11] =	ssyncset.done $0x0  }
0x50: {  	s22 =	sor.u32 $0x80, s22;
	s25 =	sor.u32 $0x200, s26;
	[sflag:s11] =	ssyncadd.s32 $0xFFFFC000  }
0x51: {  	[spmem:s2] =	stream.indirect.scatter.add.f32 [tilespmem:s25], [sflag:s6], $0x80, s22, s18, $0xb8;
	[tilespmem:$0x1C200] =	vst v63  }
0x52: {  	_ =	swait.ge [sflag:s8], $0x100  }
0x53: {  	[sflag:s8] =	ssyncset.done $0x0  }
0x54: {  	s1 =	sor.u32 $0x200, s1;
	s28 =	sadd.s32 $0x3, s0;
	[sflag:s8] =	ssyncadd.s32 $0xFFFFFF00  }
0x55: {  	[tilespmem:s1], [sflag:s28] =	stream.indirect.gather [hbm4b:s4+s18], $0x80, s31, s18, $0xb8;
	[tilespmem:$0x1C200] =	vst v63  }
0x56: {  	_ =	swait.ge [sflag:s6], $0x4000  }
0x57: {  	[sflag:s6] =	ssyncset.done $0x0  }
0x58: {  	[sflag:s6] =	ssyncadd.s32 $0xFFFFC000  }
0x59: {  	_ =	swait.ge [sflag:s28], $0x4000  }
0x5a: {  	[sflag:s28] =	ssyncset.done $0x0  }
0x5b: {  	s29 =	sadd.s32 $0x80, s31;
	[sflag:s28] =	ssyncadd.s32 $0xFFFFC000  }
0x5c: {  	[spmem:s2] =	stream.indirect.scatter.add.f32 [tilespmem:s1], [sflag:s24], $0x80, s29, s18, $0xb8;
	[tilespmem:$0x1C200] =	vst v63  }
0x5d: {  	_ =	swait.ge [sflag:s9], $0x4000  }
0x5e: {  	[sflag:s9] =	ssyncset.done $0x0  }
0x5f: {  	[sflag:s9] =	ssyncadd.s32 $0xFFFFC000  }
0x60: {  	[bflag:$0x0] =	sbarrier.arrive $0xFFFF  }
0x61: {  	s30 =	rddreg [dreg:$0x5]  }
0x62: {  	[hbm:s30], [sflag:s7] =	dma.local [spmem:s15], $0x2800  }
0x63: {  	_ =	swait.ge [sflag:s16], $0x2800  }
0x64: {  	s23 =	sadd.s32 $0x1, s23;
	s31 =	rddreg [dreg:$0x6]  }
0x65: {  	p0 =	sne.s32 s23, s31  }
.Ltmp3:
0x66: {  	_ = 	snop;
	(pc) =	sbr.rel @p0 .LBB2_1-.Ltmp3, $4  }
.Ltmp4:
0x67: {  	_ = 	snop;
	(pc) =	sbr.rel @!p0 .LBB2_8-.Ltmp4, $4  }
0x68: {  	_ = 	snop  }
0x69: {  	[sflag:s16] =	ssyncset.done $0x0  }
0x6a: {  	[sflag:s16] =	ssyncadd.s32 $0xFFFFD800  }
0x6b: {  	_ = 	snop  }
.LBB2_2:
.Ltmp5:
0x6c: {  	(pc) =	sbr.rel .LBB2_7-.Ltmp5, $2  }
0x6d: {  	_ =	sdelay $0x2  }
0x6e: {  	s25 =	smov.u32 s14  }
.LBB2_4:
.Ltmp6:
0x6f: {  	(pc) =	sbr.rel .LBB2_7-.Ltmp6, $2  }
0x70: {  	_ =	sdelay $0x2  }
0x71: {  	s0 =	smov.u32 s29;
	s1 =	smov.u32 s31;
	s29 =	simm.s32 $0x3  }
.LBB2_8:
0x72: {  	_ =	sfence.sel $0x180000  }
0x73: {  	[bflag:$0x0] =	sbarrier.arrive $0xFFFF  }
0x74: {  	_ =	strace $0x9000004D  }
0x75: {  	s0 =	stileid.u32;
	[bflag:$0x2] =	sbarrier.arrive $0xFFFF  }
0x76: {  	p0 =	sne.s32 s0, $0x0;
	s0 =	rddreg [dreg:$0x3]  }
0x77: {  	s0 =	sadd.s32 @!p0 $0x100000, s0  }
0x78: {  	[sflag:s0] =	ssyncadd.tile.s32 @!p0 $0x1;
	_ =	shalt  }
.Lfunc_end2:
_tile_overlayer_lowered:
.L_overlay_start_2:
0x79: {  	(tag) =	ssettag $0x2  }
0x7a: {  	s0 =	rddreg [dreg:$0x0];
	s2 =	stileid.u32  }
0x7b: {  	s1 =	rddreg [dreg:$0x1];
	p0 =	sne.s32 s2, $0x0  }
0x7c: {  	s3 =	rddreg [dreg:$0x2];
	[bflag:$0x3] =	sbarrier.arrive $0xFFFF;
	s2 =	simm.s32 @!p0 $0x1C07  }
0x7d: {  	[timem:s3], [sflag:s2] =	dma.local @!p0 [hbm:s0], s1  }
0x7e: {  	s0 =	simm.s32 @!p0 $0x7  }
0x7f: {  	_ =	swait.ge @!p0 [sflag:s0], s1  }
0x80: {  	s1 =	ssub.s32 @!p0 $0x0, s1;
	[sflag:s0] =	ssyncset.done @!p0 $0x0  }
0x81: {  	[sflag:s0] =	ssyncadd.s32 @!p0 s1  }
0x82: {  	[bflag:$0x3] =	sbarrier.arrive $0xFFFF  }
0x83: {  	_ =	shalt  }

// kernel: sage_sc_deg.3.cloned.1.call-start
scs
__scs_entry_jumppad:
0x0: {  	(pc) =	sbr.rel $0x88, $3  }
0x1: {  	(tag) =	ssettag $0x0;
	lr =	simm.s32 $0x1  }
0x2: {  	[smem:$0x3F96] =	sst lr;
	_ =	strace $0xD0000000  }
0x3: {  	_ = 	snop  }
0x4: {  	_ = 	snop  }
0x5: {  	_ = 	snop  }
0x6: {  	_ = 	snop  }
0x7: {  	_ = 	snop  }
__scs_overlays_trampoline_lowered:
0x8: {  	[smem:$0x3FA5] =	sst s0  }
0x9: {  	[smem:$0x3FA6] =	sst s1  }
0xa: {  	[smem:$0x3FA7] =	sst s2  }
0xb: {  	[smem:$0x3FA8] =	sst s3  }
0xc: {  	[smem:$0x3FA9] =	sst s4  }
0xd: {  	[smem:$0x3FAA] =	sst s5  }
0xe: {  	[smem:$0x3FAB] =	sst s6  }
0xf: {  	[smem:$0x3FAC] =	sst s7  }
0x10: {  	[smem:$0x3FAD] =	sst s8  }
0x11: {  	[smem:$0x3FAE] =	sst s9;
	s0 =	simm.s32 @!p0 $0x0  }
0x12: {  	s1 =	sld [smem:$0x3F94];
	s0 =	simm.s32 @p0 $0x1  }
0x13: {  	[smem:$0x3FAF] =	sst s0;
	s0 =	simm.s32 @!p1 $0x0  }
0x14: {  	s2 =	sld [smem:$0x3F93];
	s0 =	simm.s32 @p1 $0x1  }
0x15: {  	[smem:$0x3FB0] =	sst s0;
	s0 =	simm.s32 @!p2 $0x0  }
0x16: {  	s3 =	sld [smem:$0x3FDB];
	s0 =	simm.s32 @p2 $0x1  }
0x17: {  	s4 =	simm.s32 $0x1BF5;
	[smem:$0x3FB2] =	sst s0  }
0x18: {  	s0 =	sld [smem:$0x3F95];
	_ =	swait.ge [sflag:s4], $0x0  }
0x19: {  	s7 =	sld [smem:$0x3F96]  }
0x1a: {  	s8 =	sadd.s32 $0xFFFFE003, lr  }
0x1b: {  	s9 =	sadd.s32 $0xFFFFFEF7, lr;
	s5 =	simm.s32 $0xFFFFFFFF;
	p2 =	slt.u32 s8, $0xFFFFF086  }
0x1c: {  	p1 =	slt.u32 s9, $0xF7A;
	s5 =	simm.s32 @!p2 $0x0  }
0x1d: {  	s5 =	simm.s32 @p1 $0x1;
	p0 =	seq.s32 s7, s2  }
0x1e: {  	s7 =	smul.u32 @!p0 $0xF7A, s2;
	p2 =	seq.s32 @!p0 s5, $0x0  }
0x1f: {  	s9 =	smul.u32 $0xF7A, s1;
	s8 =	simm.s32 @!p0 $0x1BF5;
	p2 =	por !p2, p0  }
0x20: {  	[sflag:s8] =	ssyncset.s32 @!p0 $0xFFFFF086;
	s6 =	sadd.s32 @!p0 s3, s7;
	s7 =	simm.s32 @!p0 $0x108  }
0x21: {  	s3 =	sadd.s32 s3, s9;
	s6 =	sadd.s32 @!p0 $0x88, s6;
	s7 =	simm.s32 @p2 $0x1082  }
0x22: {  	[simem:s7], [sflag:s8] =	dma.local @!p0 [hbm:s6], $0xF7A  }
0x23: {  	s9 =	sor.u32 $0xD0000000, s2;
	s6 =	simm.s32 $0x108;
	_ =	swait.ge @!p0 [sflag:s8], $0x0  }
0x24: {  	s3 =	sadd.s32 $0x88, s3;
	s6 =	simm.s32 @!p1 $0x1082;
	[sflag:s4] =	ssyncset.s32 $0xFFFFF086  }
0x25: {  	[simem:s6], [sflag:s4] =	dma.local [hbm:s3], $0xF7A  }
0x26: {  	[smem:$0x3F96] =	sst s1;
	(tag) =	ssettag s2;
	_ =	strace s9  }
0x27: {  	s1 =	sld [smem:$0x3FA6]  }
0x28: {  	s2 =	sld [smem:$0x3FA7]  }
0x29: {  	s4 =	sld [smem:$0x3FA9]  }
0x2a: {  	p0 =	seq.s32 s5, $0x0;
	s5 =	sld [smem:$0x3FAA]  }
0x2b: {  	s6 =	sld [smem:$0x3FAB]  }
0x2c: {  	s7 =	sld [smem:$0x3FAC]  }
0x2d: {  	s3 =	simm.s32 $0x108;
	s8 =	sld [smem:$0x3FAD]  }
0x2e: {  	s3 =	simm.s32 @!p0 $0x1082;
	s9 =	sld [smem:$0x3FAE]  }
0x2f: {  	lr =	sadd.s32 s0, s3;
	s0 =	sld [smem:$0x3FA5]  }
0x30: {  	s3 =	sld [smem:$0x3FA8]  }
0x31: {  	[smem:$0x3FB1] =	sst s10  }
0x32: {  	s10 =	sld [smem:$0x3FAF];
	_ =	sdelay $0x3  }
0x33: {  	p0 =	seq.s32 s10, $0x1;
	s10 =	sld [smem:$0x3FB1];
	_ =	sdelay $0x3  }
0x34: {  	[smem:$0x3FB1] =	sst s10  }
0x35: {  	s10 =	sld [smem:$0x3FB0];
	_ =	sdelay $0x3  }
0x36: {  	p1 =	seq.s32 s10, $0x1;
	s10 =	sld [smem:$0x3FB1];
	_ =	sdelay $0x3  }
0x37: {  	[smem:$0x3FB1] =	sst s10  }
0x38: {  	s10 =	sld [smem:$0x3FB2]  }
0x39: {  	_ = 	snop;
	(pc) =	sbr.ind lr, $3  }
0x3a: {  	_ = 	snop  }
0x3b: {  	_ = 	snop  }
0x3c: {  	p2 =	seq.s32 s10, $0x1;
	s10 =	sld [smem:$0x3FB1]  }
0x3d: {  	_ =	shalt  }
0x3e: {  	_ =	shalt  }
0x3f: {  	_ =	shalt  }
0x40: {  	_ =	shalt  }
0x41: {  	_ =	shalt  }
0x42: {  	_ =	shalt  }
0x43: {  	_ =	shalt  }
0x44: {  	_ =	shalt  }
0x45: {  	_ =	shalt  }
0x46: {  	_ =	shalt  }
0x47: {  	_ =	shalt  }
0x48: {  	_ =	shalt  }
0x49: {  	_ =	shalt  }
0x4a: {  	_ =	shalt  }
0x4b: {  	_ =	shalt  }
0x4c: {  	_ =	shalt  }
0x4d: {  	_ =	shalt  }
0x4e: {  	_ =	shalt  }
0x4f: {  	_ =	shalt  }
0x50: {  	_ =	shalt  }
0x51: {  	_ =	shalt  }
0x52: {  	_ =	shalt  }
0x53: {  	_ =	shalt  }
0x54: {  	_ =	shalt  }
0x55: {  	_ =	shalt  }
0x56: {  	_ =	shalt  }
0x57: {  	_ =	shalt  }
0x58: {  	_ =	shalt  }
0x59: {  	_ =	shalt  }
0x5a: {  	_ =	shalt  }
0x5b: {  	_ =	shalt  }
0x5c: {  	_ =	shalt  }
0x5d: {  	_ =	shalt  }
0x5e: {  	_ =	shalt  }
0x5f: {  	_ =	shalt  }
0x60: {  	_ =	shalt  }
0x61: {  	_ =	shalt  }
0x62: {  	_ =	shalt  }
0x63: {  	_ =	shalt  }
0x64: {  	_ =	shalt  }
0x65: {  	_ =	shalt  }
0x66: {  	_ =	shalt  }
0x67: {  	_ =	shalt  }
0x68: {  	_ =	shalt  }
0x69: {  	_ =	shalt  }
0x6a: {  	_ =	shalt  }
0x6b: {  	_ =	shalt  }
0x6c: {  	_ =	shalt  }
0x6d: {  	_ =	shalt  }
0x6e: {  	_ =	shalt  }
0x6f: {  	_ =	shalt  }
0x70: {  	_ =	shalt  }
0x71: {  	_ =	shalt  }
0x72: {  	_ =	shalt  }
0x73: {  	_ =	shalt  }
0x74: {  	_ =	shalt  }
0x75: {  	_ =	shalt  }
0x76: {  	_ =	shalt  }
0x77: {  	_ =	shalt  }
0x78: {  	_ =	shalt  }
0x79: {  	_ =	shalt  }
0x7a: {  	_ =	shalt  }
0x7b: {  	_ =	shalt  }
0x7c: {  	_ =	shalt  }
0x7d: {  	_ =	shalt  }
0x7e: {  	_ =	shalt  }
0x7f: {  	_ =	shalt  }
0x80: {  	_ =	shalt  }
0x81: {  	_ =	shalt  }
0x82: {  	_ =	shalt  }
0x83: {  	_ =	shalt  }
0x84: {  	_ =	shalt  }
0x85: {  	_ =	shalt  }
0x86: {  	_ =	shalt  }
0x87: {  	_ =	shalt  }
.Lfunc_end0:
.L_simem_size_0:
called_computation_lowered:
.L_overlay_start_0:
0x88: {  	s2 =	sld [smem:$0x3FD9]  }
0x89: {  	s3 =	sld [smem:$0x3FFE];
	_ =	sdelay $0x1  }
0x8a: {  	s1 =	srdreg.scid  }
0x8b: {  	s0 =	sand.u32 $0x1, s1  }
0x8c: {  	s17 =	sshll.u32 s0, $0xA;
	s2 =	sadd.s32 s3, s2  }
0x8d: {  	s2 =	sadd.s32 s2, s17  }
0x8e: {  	[smem:$0x3FBD] =	sst s2  }
0x8f: {  	_ = 	snop  }
0x90: {  	(tm) =	ssettm $0x1  }
0x91: {  	s18 =	sld [smem:$0x3FFB];
	_ =	sdelay $0x3  }
0x92: {  	_ =	strace s18  }
0x93: {  	s2 =	sld [smem:$0x3FFC];
	_ =	sdelay $0x3  }
0x94: {  	_ =	strace s2  }
0x95: {  	s2 =	sld [smem:$0x3FFD];
	_ =	sdelay $0x3  }
0x96: {  	_ =	strace s2  }
0x97: {  	_ =	strace $0x8FFFFFFF  }
0x98: {  	s19 =	sld [smem:$0x3FDB];
	_ =	sdelay $0x1  }
0x99: {  	s20 =	simm.s32 $_scs_section_size  }
0x9a: {  	s4 =	simm.s32 $_size__tile_overlayer_lowered;
	s5 =	simm.s32 $_tile_overlayer_lowered  }
0x9b: {  	s6 =	simm.s32 $0x1BFF;
	s21 =	sshll.u32 s5, $0x1;
	s3 =	sadd.s32 s20, s19  }
0x9c: {  	s22 =	simm.s32 $0x0;
	s4 =	sshll.u32 s4, $0x1;
	s5 =	sadd.s32 s21, s3  }
0x9d: {  	[timem:s22], [sflag:s6] =	dma.local [hbm:s5], s4  }
0x9e: {  	_ =	swait.ge [sflag:s6], s4  }
0x9f: {  	s4 =	ssub.s32 $0x0, s4;
	[sflag:s6] =	ssyncset.done $0x0  }
0xa0: {  	[sflag:s6] =	ssyncadd.s32 s4;
	_ =	sdelay $0x1  }
0xa1: {  	s23 =	simm.s32 $0x1B8B  }
0xa2: {  	_ =	swait.ge [sflag:s23], $0x1  }
0xa3: {  	[sflag:s23] =	ssyncset.done $0x0  }
0xa4: {  	[sflag:s23] =	ssyncadd.s32 $0xFFFFFFFF  }
0xa5: {  	s4 =	sld [smem:$0x0]  }
0xa6: {  	s5 =	sand.u32 $0xFFFFFFFE, s1  }
0xa7: {  	p0 =	sne.s32 s1, s5  }
0xa8: {  	s5 =	sshll.u32 @p0 s5, $0xE  }
0xa9: {  	s5 =	sadd.s32 @p0 $0x11B8D, s5;
	s6 =	sshll.u32 @p0 s4, $0x11  }
0xaa: {  	s5 =	sor.u32 @p0 s6, s5  }
0xab: {  	[sflag:s5] =	ssyncadd.remote.s32 @p0 $0x1;
	_ =	sdelay $0x1  }
0xac: {  	s5 =	simm.s32 @p0 $0x1B8D  }
0xad: {  	_ =	swait.eq @p0 [sflag:s5], $0x1  }
0xae: {  	[sflag:s5] =	ssyncadd.s32 @p0 $0xFFFFFFFF  }
0xaf: {  	s6 =	sshll.u32 @!p0 s1, $0xE  }
0xb0: {  	s6 =	sor.u32 @!p0 $0x4000, s6;
	s5 =	simm.s32 @!p0 $0x1B8D  }
0xb1: {  	s4 =	sshll.u32 @!p0 s4, $0x11;
	s6 =	sadd.s32 @!p0 $0x11B8D, s6;
	_ =	swait.eq @!p0 [sflag:s5], $0x1  }
0xb2: {  	s4 =	sor.u32 @!p0 s4, s6;
	[sflag:s5] =	ssyncadd.s32 @!p0 $0xFFFFFFFF  }
0xb3: {  	s25 =	simm.s32 $0x1B8E;
	s24 =	sld [smem:$0x3FFE];
	[sflag:s4] =	ssyncadd.remote.s32 @!p0 $0x1  }
0xb4: {  	s26 =	simm.s32 $execute0_lowered;
	[smem:$0x3FD2] =	sst s25  }
0xb5: {  	s5 =	sshll.u32 s26, $0x1;
	_ =	strace $0x80000049;
	[dreg:$0x1] =	wrdreg $0xFFFFFFFF  }
0xb6: {  	s28 =	simm.s32 $_size_execute0_lowered;
	s3 =	sadd.s32 s3, s5;
	[dreg:$0x0] =	wrdreg $0x0  }
0xb7: {  	s5 =	sshll.u32 s28, $0x1;
	[dreg:$0x2] =	wrdreg s3  }
0xb8: {  	[dreg:$0x3] =	wrdreg s5  }
0xb9: {  	[dreg:$0x4] =	wrdreg $0xC0  }
0xba: {  	_ =	task [dreg:s22], $0x5FFFF  }
0xbb: {  	[dreg:$0x1] =	wrdreg $0xFFFFFFFF  }
0xbc: {  	[dreg:$0x0] =	wrdreg $0x60  }
0xbd: {  	[dreg:$0x2] =	wrdreg s24  }
0xbe: {  	[dreg:$0x3] =	wrdreg $0x68000  }
0xbf: {  	[dreg:$0x4] =	wrdreg $0x9  }
0xc0: {  	_ =	task.clear_ibuf [dreg:s22], $0x5FFFF;
	_ =	strace $0x90000049  }
0xc1: {  	s29 =	simm.s32 $0x9;
	_ =	strace $0x8000004B  }
0xc2: {  	_ =	swait.ge [sflag:s29], $0x1  }
0xc3: {  	[sflag:s29] =	ssyncadd.s32 $0xFFFFFFFF  }
0xc4: {  	_ =	strace $0x9000004B  }
0xc5: {  	_ =	sfence  }
0xc6: {  	s30 =	sld [smem:$0x0];
	_ =	sdelay $0x2  }
0xc7: {  	s31 =	sshll.u32 s1, $0xD;
	s1 =	sshrl.u32 s1, $0x2  }
0xc8: {  	s4 =	sand.u32 $0x4000, s31;
	s1 =	sadd.s32 s1, s30  }
0xc9: {  	s0 =	sor.u32 s4, s0;
	s1 =	sshll.u32 s1, $0x11  }
0xca: {  	s0 =	sor.u32 s1, s0  }
0xcb: {  	s0 =	sadd.s32 $0x8F2B, s0  }
0xcc: {  	[sflag:s0] =	ssyncadd.remote.s32 $0x1  }
0xcd: {  	_ =	sfence.sel $0xFFFF  }
0xce: {  	[dreg:$0x0] =	wrdreg $0xFFFFFFFF;
	(pc) =	sbr.abs _section_cstart, $3  }
0xcf: {  	[dreg:$0x1] =	wrdreg $0xFFFFFFFF  }
0xd0: {  	_ =	task.clear_ibuf [dreg:s22], $0x2FFFF;
	_ =	strace $0x9FFFFFFF  }
0xd1: {  	(tm) =	ssettm $0x7FFFFFFF  }
tec
execute0_lowered:
.L_overlay_start_1:
0x0: {  	(tag) =	ssettag $0x1  }
0x1: {  	s5 =	rddreg [dreg:$0x0]  }
0x2: {  	s0 =	srdreg.scid;
	s2 =	rddreg [dreg:$0x1]  }
0x3: {  	s1 =	rddreg [dreg:$0x2];
	s6 =	sand.u32 $0x1, s0  }
0x4: {  	s3 =	simm.s32 $0x0;
	s0 =	stileid.u32;
	s4 =	smul.u32 $0x28000, s6  }
0x5: {  	s14 =	simm.s32 $0x2;
	s15 =	simm.s32 $0x1;
	s7 =	smul.u32 $0x2800, s0  }
0x6: {  	s16 =	simm.s32 $0x0;
	[smem:$0x7FF] =	sst s3;
	s25 =	smul.u32 $0x14000, s0  }
0x7: {  	s8 =	smul.u32 $0x140000, s6;
	_ =	strace $0x8000004A;
	s6 =	ssub.s32 $0x2, s6  }
0x8: {  	s28 =	smul.u32 $0x50000, s0;
	s31 =	sshll.u32 s0, $0x6;
	s29 =	sshrl.u32 s6, $0x1  }
0x9: {  	s4 =	sadd.s32 s7, s4;
	s26 =	sshrl.u32 s25, $0x3;
	s7 =	sadd.s32 s25, s8  }
0xa: {  	s30 =	sshrl.u32 s28, $0x2;
	s12 =	ssub.s32 s6, s29;
	s6 =	sor.u32 $0x1C03, s31  }
0xb: {  	s4 =	sshrl.u32 s4, $0x3;
	s10 =	sadd.s32 s26, s5;
	s7 =	sshrl.u32 s7, $0x3  }
0xc: {  	s13 =	sadd.s32 s30, s2;
	s9 =	sadd.s32 s4, s5;
	s4 =	sadd.s32 $0xAE200, s5  }
0xd: {  	s11 =	sadd.s32 s7, s5;
	s5 =	sadd.s32 $0x2C200, s10;
	s10 =	sshrl.u32 s13, $0x3  }
0xe: {  	s13 =	simm.s32 $0x80;
	s7 =	sadd.s32 $0xA4200, s9;
	s8 =	sadd.s32 $0xAEA00, s11  }
0xf: {  	s9 =	smax.u32 s12, $0x1;
	s11 =	simm.s32 $0x3;
	s12 =	simm.s32 $0x2800  }
.LBB2_1:
0x10: {  	[spmem:s10], [sflag:s6] =	dma.local [hbm:s5], $0x2800  }
0x11: {  	_ =	swait.ge [sflag:s11], $0x2800  }
0x12: {  	[sflag:s11] =	ssyncset.done $0x0  }
0x13: {  	[sflag:s11] =	ssyncadd.s32 $0xFFFFD800  }
0x14: {  	[tilespmem:s12], [sflag:$0x3] =	stream.linear.gather [hbm4b:s4+s3], $0x4000, $0x38;
	[tilespmem:$0x1A800] =	vst v63  }
0x15: {  	_ =	swait.ge [sflag:s11], $0x4000  }
0x16: {  	[sflag:s11] =	ssyncset.done $0x0  }
0x17: {  	[sflag:s11] =	ssyncadd.s32 $0xFFFFC000  }
0x18: {  	[tilespmem:s3], [sflag:$0x3] =	stream.linear.gather [hbm4b:s7+s3], $0x2780, $0x38;
	[tilespmem:$0x1A800] =	vst v63  }
0x19: {  	_ =	swait.ge [sflag:s11], $0x2780  }
0x1a: {  	[sflag:s11] =	ssyncset.done $0x0  }
0x1b: {  	[sflag:s11] =	ssyncadd.s32 $0xFFFFD880  }
0x1c: {  	s17 =	sand.u32 $0x1, s14;
	[bflag:$0x0] =	sbarrier.arrive $0xFFFF  }
0x1d: {  	[spmem:s2] =	stream.indirect.scatter.add.f32 [tilespmem:s12], [sflag:$0x1], $0x80, s3, s13, $0xb8;
	[tilespmem:$0x1A800] =	vst v63  }
0x1e: {  	s18 =	sadd.s32 $0x1, s17  }
0x1f: {  	[spmem:s2] =	stream.indirect.scatter.add.f32 [tilespmem:s12], [sflag:$0x2], $0x80, s13, s13, $0xb8;
	[tilespmem:$0x1A800] =	vst v63  }
0x20: {  	_ =	swait.ge [sflag:s18], $0x4000  }
0x21: {  	s19 =	simm.s32 $0x3;
	[sflag:s18] =	ssyncset.done $0x0  }
0x22: {  	s17 =	simm.s32 $0x100;
	s19 =	sand.u32 $0x1, s19;
	[sflag:s18] =	ssyncadd.s32 $0xFFFFC000  }
0x23: {  	[spmem:s2] =	stream.indirect.scatter.add.f32 [tilespmem:s12], [sflag:s18], $0x80, s17, s13, $0xb8;
	[tilespmem:$0x1A800] =	vst v63  }
0x24: {  	s18 =	sadd.s32 $0x1, s19  }
0x25: {  	s19 =	simm.s32 $0x4;
	_ =	swait.ge [sflag:s18], $0x4000  }
.LBB2_2:
0x26: {  	s20 =	sand.u32 $0x1, s19  }
0x27: {  	[sflag:s18] =	ssyncset.done $0x0;
	s17 =	sadd.s32 $0x80, s17;
	p0 =	sne.s32 s19, $0x4E  }
.Ltmp0:
0x28: {  	s20 =	sadd.s32 $0x1, s20;
	[sflag:s18] =	ssyncadd.s32 $0xFFFFC000;
	(pc) =	sbr.rel @p0 .LBB2_2-.Ltmp0, $3  }
0x29: {  	[spmem:s2] =	stream.indirect.scatter.add.f32 [tilespmem:s12], [sflag:s18], $0x80, s17, s13, $0xb8;
	[tilespmem:$0x1A800] =	vst v63  }
0x2a: {  	s18 =	smov.u32 s20;
	_ =	swait.ge [sflag:s20], $0x4000;
	_ =	sdelay $0x1  }
0x2b: {  	s19 =	sadd.s32 $0x1, s19  }
0x2c: {  	[sflag:s18] =	ssyncset.done $0x0  }
0x2d: {  	s17 =	sadd.s32 $0x80, s17;
	[sflag:s18] =	ssyncadd.s32 $0xFFFFC000  }
0x2e: {  	[spmem:s2] =	stream.indirect.scatter.add.f32 [tilespmem:s12], [sflag:s18], $0x80, s17, s13, $0xb8;
	[tilespmem:$0x1A800] =	vst v63  }
0x2f: {  	_ =	swait.ge [sflag:s14], $0x4000  }
0x30: {  	[sflag:s14] =	ssyncset.done $0x0  }
0x31: {  	[sflag:s14] =	ssyncadd.s32 $0xFFFFC000  }
0x32: {  	_ =	swait.ge [sflag:s15], $0x4000  }
0x33: {  	s16 =	sadd.s32 $0x1, s16;
	[sflag:s15] =	ssyncset.done $0x0  }
0x34: {  	p0 =	sne.s32 s16, s9;
	[sflag:s15] =	ssyncadd.s32 $0xFFFFC000  }
.Ltmp1:
0x35: {  	[bflag:$0x0] =	sbarrier.arrive $0xFFFF;
	(pc) =	sbr.rel @p0 .LBB2_1-.Ltmp1, $4  }
0x36: {  	[hbm:s8], [sflag:s6] =	dma.local [spmem:s10], $0x2800  }
0x37: {  	_ =	swait.ge [sflag:s11], $0x2800  }
0x38: {  	[sflag:s11] =	ssyncset.done $0x0  }
0x39: {  	[sflag:s11] =	ssyncadd.s32 $0xFFFFD800  }
0x3a: {  	_ =	sfence.sel $0x180000  }
0x3b: {  	[bflag:$0x0] =	sbarrier.arrive $0xFFFF  }
0x3c: {  	p0 =	sne.s32 s0, $0x0;
	_ =	strace $0x9000004A  }
0x3d: {  	s0 =	sadd.s32 @!p0 $0x100000, s1;
	[bflag:$0x2] =	sbarrier.arrive $0xFFFF  }
0x3e: {  	[sflag:s0] =	ssyncadd.tile.s32 @!p0 $0x1;
	_ =	shalt  }
.Lfunc_end2:
_tile_overlayer_lowered:
.L_overlay_start_2:
0x3f: {  	(tag) =	ssettag $0x2  }
0x40: {  	s0 =	rddreg [dreg:$0x0];
	s2 =	stileid.u32  }
0x41: {  	s1 =	rddreg [dreg:$0x1];
	p0 =	sne.s32 s2, $0x0  }
0x42: {  	s3 =	rddreg [dreg:$0x2];
	[bflag:$0x3] =	sbarrier.arrive $0xFFFF;
	s2 =	simm.s32 @!p0 $0x1C03  }
0x43: {  	[timem:s3], [sflag:s2] =	dma.local @!p0 [hbm:s0], s1  }
0x44: {  	s0 =	simm.s32 @!p0 $0x3  }
0x45: {  	_ =	swait.ge @!p0 [sflag:s0], s1  }
0x46: {  	s1 =	ssub.s32 @!p0 $0x0, s1;
	[sflag:s0] =	ssyncset.done @!p0 $0x0  }
0x47: {  	[sflag:s0] =	ssyncadd.s32 @!p0 s1  }
0x48: {  	[bflag:$0x3] =	sbarrier.arrive $0xFFFF  }
0x49: {  	_ =	shalt  }

</sc_bundles>
